<compile_context>
chip_gen: v7x
topology: tpu7x:2x2x1
jax: 0.10.2.dev20260603
libtpu: 0.0.44.dev20260713+nightly
codegen_flags: <defaults>
</compile_context>

<pallas_src>
import functools

import jax
import jax.numpy as jnp
from jax import lax
from jax.experimental import pallas as pl
from jax.experimental.pallas import tpu as pltpu
from jax.experimental.pallas import tpu_sc as plsc

N = 10000
E = 640000
G = 128
D = 101
DP = 128
D2 = 200
D2P = 208
NC = 2
NS = 16
NW = NC * NS
EPW = E // NW
CH = 80
NCHUNK = EPW // CH
RPW = 624
RBLK = 2000


def _edge_body(h_hbm, zero_hbm, src_hbm, dst_hbm, attr_hbm, out_hbm,
               sidx0, sidx1, didx0, didx1, attr0, attr1, rows0, rows1,
               table, sem_i0, sem_i1, sem_g0, sem_g1):
    c = lax.axis_index("c")
    s = lax.axis_index("s")
    row0 = s * RPW

    @pl.when(c == 0)
    def _():
        pltpu.sync_copy(h_hbm.at[pl.ds(row0, RPW)], table.at[pl.ds(row0, RPW)])

        @pl.when(s == NS - 1)
        def _():
            pltpu.sync_copy(h_hbm.at[pl.ds(NS * RPW, N - NS * RPW)],
                            table.at[pl.ds(NS * RPW, N - NS * RPW)])

    @pl.when(c != 0)
    def _():
        pltpu.sync_copy(zero_hbm.at[pl.ds(row0, RPW)],
                        table.at[pl.ds(row0, RPW)])

        @pl.when(s == NS - 1)
        def _():
            pltpu.sync_copy(zero_hbm.at[pl.ds(NS * RPW, N - NS * RPW)],
                            table.at[pl.ds(NS * RPW, N - NS * RPW)])

    plsc.subcore_barrier()

    e0 = (c * NS + s) * EPW
    bufs = ((sidx0, didx0, attr0, rows0, sem_i0, sem_g0),
            (sidx1, didx1, attr1, rows1, sem_i1, sem_g1))

    def issue_in(g, b):
        eb = e0 + g * CH
        si, di, at, _, smi, _ = bufs[b]
        pltpu.async_copy(src_hbm.at[pl.ds(eb, CH)], si, smi)
        pltpu.async_copy(dst_hbm.at[pl.ds(eb, CH)], di, smi)
        pltpu.async_copy(attr_hbm.at[pl.ds(eb, CH)], at, smi)

    def wait_in(b):
        si, di, at, _, smi, _ = bufs[b]
        pltpu.make_async_copy(src_hbm.at[pl.ds(0, CH)], si, smi).wait()
        pltpu.make_async_copy(dst_hbm.at[pl.ds(0, CH)], di, smi).wait()
        pltpu.make_async_copy(attr_hbm.at[pl.ds(0, CH)], at, smi).wait()

    def issue_gather(b):
        si, _, _, ro, _, smg = bufs[b]
        pltpu.async_copy(h_hbm.at[si], ro, smg)

    def wait_gather(b):
        si, _, _, ro, _, smg = bufs[b]
        pltpu.make_async_copy(h_hbm.at[si], ro, smg).wait()

    issue_in(0, 0)
    issue_in(1, 1)
    wait_in(0)
    issue_gather(0)

    def step(g, b):
        si, di, at, ro, smi, smg = bufs[b]
        wait_gather(b)

        @plsc.parallel_loop(0, CH, unroll=8)
        def _(e):
            for j in range(7):
                a = at[e, pl.ds(j * 16, 16)]
                gv = ro[e, pl.ds(j * 16, 16)]
                ro[e, pl.ds(j * 16, 16)] = jnp.maximum(gv + a, 0.0)

        pltpu.sync_copy(ro, table.at[di], add=True)

        @pl.when(g + 1 < NCHUNK)
        def _():
            wait_in(1 - b)
            issue_gather(1 - b)

        @pl.when(g + 2 < NCHUNK)
        def _():
            issue_in(g + 2, b)

    def outer(it, carry):
        step(2 * it, 0)
        step(2 * it + 1, 1)
        return carry

    lax.fori_loop(0, NCHUNK // 2, outer, 0)
    plsc.subcore_barrier()
    pltpu.sync_copy(table.at[pl.ds(row0, RPW)],
                    out_hbm.at[c, pl.ds(row0, RPW)])

    @pl.when(s == NS - 1)
    def _():
        pltpu.sync_copy(table.at[pl.ds(NS * RPW, N - NS * RPW)],
                        out_hbm.at[c, pl.ds(NS * RPW, N - NS * RPW)])


_edge_call = functools.partial(
    pl.kernel,
    mesh=plsc.VectorSubcoreMesh(core_axis_name="c", subcore_axis_name="s"),
    out_type=jax.ShapeDtypeStruct((NC, N, DP), jnp.float32),
    scratch_types=[
        pltpu.VMEM((CH,), jnp.int32),
        pltpu.VMEM((CH,), jnp.int32),
        pltpu.VMEM((CH,), jnp.int32),
        pltpu.VMEM((CH,), jnp.int32),
        pltpu.VMEM((CH, DP), jnp.float32),
        pltpu.VMEM((CH, DP), jnp.float32),
        pltpu.VMEM((CH, DP), jnp.float32),
        pltpu.VMEM((CH, DP), jnp.float32),
        pltpu.VMEM_SHARED((N, DP), jnp.float32),
        pltpu.SemaphoreType.DMA,
        pltpu.SemaphoreType.DMA,
        pltpu.SemaphoreType.DMA,
        pltpu.SemaphoreType.DMA,
    ],
)(_edge_body)


def _mm(a, b):
    return lax.dot_general(a, b, (((1,), (0,)), ((), ())),
                           preferred_element_type=jnp.float32)


def _mlp1_body(p_ref, W1_ref, b1_ref, W2_ref, b2_ref, out_ref):
    t = p_ref[0] + p_ref[1]
    y = jnp.maximum(_mm(t, W1_ref[...]) + b1_ref[...], 0.0)
    out_ref[...] = jnp.maximum(_mm(y, W2_ref[...]) + b2_ref[...], 0.0)


def _mlp2_body(p_ref, batch_ref, W3_ref, b3_ref, W4_ref, b4_ref, out_ref):
    i = pl.program_id(0)
    t = p_ref[0] + p_ref[1]
    y = jnp.maximum(_mm(t, W3_ref[...]) + b3_ref[...], 0.0)
    h2 = jnp.maximum(_mm(y, W4_ref[...]) + b4_ref[...], 0.0)
    seg = lax.broadcasted_iota(jnp.int32, (RBLK, G), 1)
    onehot = (batch_ref[...] == seg).astype(jnp.float32)
    pooled = lax.dot_general(onehot, h2, (((0,), (0,)), ((), ())),
                             preferred_element_type=jnp.float32,
                             precision=lax.Precision.HIGHEST)

    @pl.when(i == 0)
    def _():
        out_ref[...] = pooled

    @pl.when(i != 0)
    def _():
        out_ref[...] += pooled


def _head_body(p_ref, W5_ref, b5_ref, W6_ref, b6_ref, out_ref):
    y = jnp.maximum(_mm(p_ref[...], W5_ref[...]) + b5_ref[...], 0.0)
    out_ref[...] = jnp.abs(_mm(y, W6_ref[...]) + b6_ref[...])


def _pad2(w, r, c):
    return jnp.pad(w, ((0, r - w.shape[0]), (0, c - w.shape[1])))


def _pad1(b, c):
    return jnp.pad(b, (0, c - b.shape[0])).reshape(1, c)


def kernel(x, edge_index, edge_type, edge_attr, batch,
           W1, b1, W2, b2, W3, b3, W4, b4, W5, b5, W6, b6):
    del edge_type
    x_pad = jnp.pad(x, ((0, 0), (0, DP - D)))
    zeros = jnp.zeros((N, DP), jnp.float32)
    src = edge_index[0]
    dst = edge_index[1]
    attr_pad = jnp.pad(edge_attr, ((0, 0), (0, DP - D)))
    batch2d = batch.reshape(N, 1)

    W1p, b1p = _pad2(W1, DP, DP), _pad1(b1, DP)
    W2p, b2p = _pad2(W2, DP, DP), _pad1(b2, DP)
    W3p, b3p = _pad2(W3, DP, DP), _pad1(b3, DP)
    W4p, b4p = _pad2(W4, DP, D2P), _pad1(b4, D2P)
    W5p, b5p = _pad2(W5, D2P, 64), _pad1(b5, 64)
    W6p, b6p = _pad2(W6, 64, 128), _pad1(b6, 128)

    p1 = _edge_call(x_pad, zeros, src, dst, attr_pad)

    nblk = N // RBLK
    h1 = pl.pallas_call(
        _mlp1_body,
        grid=(nblk,),
        in_specs=[
            pl.BlockSpec((NC, RBLK, DP), lambda i: (0, i, 0)),
            pl.BlockSpec((DP, DP), lambda i: (0, 0)),
            pl.BlockSpec((1, DP), lambda i: (0, 0)),
            pl.BlockSpec((DP, DP), lambda i: (0, 0)),
            pl.BlockSpec((1, DP), lambda i: (0, 0)),
        ],
        out_specs=pl.BlockSpec((RBLK, DP), lambda i: (i, 0)),
        out_shape=jax.ShapeDtypeStruct((N, DP), jnp.float32),
    )(p1, W1p, b1p, W2p, b2p)

    p2 = _edge_call(h1, zeros, src, dst, attr_pad)

    pooled = pl.pallas_call(
        _mlp2_body,
        grid=(nblk,),
        in_specs=[
            pl.BlockSpec((NC, RBLK, DP), lambda i: (0, i, 0)),
            pl.BlockSpec((RBLK, 1), lambda i: (i, 0)),
            pl.BlockSpec((DP, DP), lambda i: (0, 0)),
            pl.BlockSpec((1, DP), lambda i: (0, 0)),
            pl.BlockSpec((DP, D2P), lambda i: (0, 0)),
            pl.BlockSpec((1, D2P), lambda i: (0, 0)),
        ],
        out_specs=pl.BlockSpec((G, D2P), lambda i: (0, 0)),
        out_shape=jax.ShapeDtypeStruct((G, D2P), jnp.float32),
    )(p2, batch2d, W3p, b3p, W4p, b4p)

    out = pl.pallas_call(
        _head_body,
        out_shape=jax.ShapeDtypeStruct((G, 128), jnp.float32),
    )(pooled, W5p, b5p, W6p, b6p)
    return out[:, :1]

# --- scband reference (transcript-rebuilt; emitter-appended) ---
"""Pipeline reference for scband-ginmodel-57208964382753 (READ-ONLY COPY).

The authoritative reference and input builder live on the scoring server;
editing this copy changes nothing except your own understanding.
"""

import jax, jax.numpy as jnp
import numpy as np

N = 10000
E = 640000
G = 128


def _linear_params(key, fan_in, fan_out):
    k1, k2 = jax.random.split(key)
    bound = 1.0 / np.sqrt(fan_in)
    W = jax.random.uniform(k1, (fan_in, fan_out), minval=-bound, maxval=bound, dtype=jnp.float32)
    b = jax.random.uniform(k2, (fan_out,), minval=-bound, maxval=bound, dtype=jnp.float32)
    return W, b


def setup_inputs(seed: int = 0) -> dict:
    key = jax.random.key(seed)
    ks = jax.random.split(key, 12)
    x = jax.random.normal(ks[0], (N, 101), dtype=jnp.float32)
    edge_index = jax.random.randint(ks[1], (2, E), 0, N, dtype=jnp.int32)
    edge_type = jax.random.randint(ks[2], (E,), 0, 4, dtype=jnp.int32)
    edge_attr = jax.random.normal(ks[3], (E, 101), dtype=jnp.float32)
    batch = jnp.sort(jax.random.randint(ks[4], (N,), 0, G, dtype=jnp.int32))
    W1, b1 = _linear_params(ks[5], 101, 101)
    W2, b2 = _linear_params(ks[6], 101, 101)
    W3, b3 = _linear_params(ks[7], 101, 100)
    W4, b4 = _linear_params(ks[8], 100, 200)
    W5, b5 = _linear_params(ks[9], 200, 50)
    W6, b6 = _linear_params(ks[10], 50, 1)
    return {"x": x, "edge_index": edge_index, "edge_type": edge_type,
            "edge_attr": edge_attr, "batch": batch,
            "W1": W1, "b1": b1, "W2": W2, "b2": b2,
            "W3": W3, "b3": b3, "W4": W4, "b4": b4,
            "W5": W5, "b5": b5, "W6": W6, "b6": b6}


def _mlp2layer(h, Wa, ba, Wb, bb):
    return jax.nn.relu(h @ Wa + ba) @ Wb + bb


def _gine_conv(x, edge_index, edge_attr, nn_fn):
    # GINEConv with eps=0: nn((1+eps)*x + sum_{j->i} relu(x_j + e_ji))
    src = edge_index[0]
    dst = edge_index[1]
    msg = jax.nn.relu(x[src] + edge_attr)
    aggr = jax.ops.segment_sum(msg, dst, num_segments=x.shape[0])
    return nn_fn(x + aggr)


def reference(x, edge_index, edge_type, edge_attr, batch,
              W1, b1, W2, b2, W3, b3, W4, b4, W5, b5, W6, b6):
    # edge_type is unused by the original forward (matches torch module)
    h = jax.nn.relu(_gine_conv(x, edge_index, edge_attr,
                               lambda t: _mlp2layer(t, W1, b1, W2, b2)))
    h = jax.nn.relu(_gine_conv(h, edge_index, edge_attr,
                               lambda t: _mlp2layer(t, W3, b3, W4, b4)))
    pooled = jax.ops.segment_sum(h, batch, num_segments=G)  # global_add_pool
    o = jax.nn.relu(pooled @ W5 + b5)
    o = o @ W6 + b6
    return jnp.abs(o)

if __name__ == "__main__":
    import jax
    _d = setup_inputs()
    print(jax.jit(kernel)(*tuple(_d.values())))

</pallas_src>

<mosaic_0001>
#map = affine_map<(d0, d1) -> (0, 0)>
#map1 = affine_map<(d0, d1) -> (0)>
#map2 = affine_map<(d0, d1) -> (0, 0, 0)>
module attributes {stable_mosaic.version = 14 : i64} {
  func.func @_edge_body(%arg0: i32, %arg1: i32, %arg2: memref<10000x128xf32, #tpu.memory_space<hbm>>, %arg3: memref<10000x128xf32, #tpu.memory_space<hbm>>, %arg4: memref<640000xi32, #tpu.memory_space<hbm>>, %arg5: memref<640000xi32, #tpu.memory_space<hbm>>, %arg6: memref<640000x128xf32, #tpu.memory_space<hbm>>, %arg7: memref<2x10000x128xf32, #tpu.memory_space<hbm>>, %arg8: memref<80xi32, #tpu.memory_space<vmem>>, %arg9: memref<80xi32, #tpu.memory_space<vmem>>, %arg10: memref<80xi32, #tpu.memory_space<vmem>>, %arg11: memref<80xi32, #tpu.memory_space<vmem>>, %arg12: memref<80x128xf32, #tpu.memory_space<vmem>>, %arg13: memref<80x128xf32, #tpu.memory_space<vmem>>, %arg14: memref<80x128xf32, #tpu.memory_space<vmem>>, %arg15: memref<80x128xf32, #tpu.memory_space<vmem>>, %arg16: memref<10000x128xf32, #tpu.memory_space<vmem_shared>>, %arg17: memref<!tpu.dma_semaphore, #tpu.memory_space<semaphore_mem>>, %arg18: memref<!tpu.dma_semaphore, #tpu.memory_space<semaphore_mem>>, %arg19: memref<!tpu.dma_semaphore, #tpu.memory_space<semaphore_mem>>, %arg20: memref<!tpu.dma_semaphore, #tpu.memory_space<semaphore_mem>>) attributes {dimension_semantics = [#tpu.dimension_semantics<core_parallel>, #tpu.dimension_semantics<subcore_parallel>], iteration_bounds = array<i64: 2, 16>, scalar_prefetch = 0 : i64, scratch_operands = 13 : i64, tpu.core_type = #tpu.core_type<sc_vector_subcore>, window_params = [{transform_indices = #map}, {transform_indices = #map}, {transform_indices = #map1}, {transform_indices = #map1}, {transform_indices = #map}, {transform_indices = #map2}]} {
    %mul3A = arith.constant 624 : i32
    %mul3A_0 = arith.muli %arg1, %mul3A : i32
    %eq3A = arith.constant 0 : i32
    %eq3A_1 = arith.cmpi eq, %arg0, %eq3A : i32
    %convert_element_type3A = arith.extui %eq3A_1 : i1 to i32
    %cond3A = arith.constant 0 : i32
    %cond3A_2 = arith.cmpi ne, %convert_element_type3A, %cond3A : i32
    scf.if %cond3A_2 {
      "tpu.region"() ({
        %run_scoped3A = tpu.sem_alloc : memref<!tpu.dma_semaphore, #tpu.memory_space<semaphore_mem>>
        %dma_start3A_62 = arith.constant 0 : i32
        %dma_start3A_63 = tpu.memref_slice %arg16[%mul3A_0, %dma_start3A_62] : memref<10000x128xf32, #tpu.memory_space<vmem_shared>> -> memref<624x128xf32, #tpu.memory_space<vmem_shared>>
        %dma_start3A_64 = arith.constant 0 : i32
        %dma_start3A_65 = tpu.memref_slice %arg2[%mul3A_0, %dma_start3A_64] : memref<10000x128xf32, #tpu.memory_space<hbm>> -> memref<624x128xf32, #tpu.memory_space<hbm>>
        tpu.enqueue_dma source(%dma_start3A_65 : memref<624x128xf32, #tpu.memory_space<hbm>>) target(%dma_start3A_63 : memref<624x128xf32, #tpu.memory_space<vmem_shared>>) target_semaphore(%run_scoped3A : memref<!tpu.dma_semaphore, #tpu.memory_space<semaphore_mem>>)
        %dma_wait3A_66 = arith.constant 0 : i32
        %dma_wait3A_67 = tpu.memref_slice %arg16[%mul3A_0, %dma_wait3A_66] : memref<10000x128xf32, #tpu.memory_space<vmem_shared>> -> memref<624x128xf32, #tpu.memory_space<vmem_shared>>
        %dma_wait3A_68 = arith.constant 0 : i32
        %dma_wait3A_69 = tpu.memref_slice %arg2[%mul3A_0, %dma_wait3A_68] : memref<10000x128xf32, #tpu.memory_space<hbm>> -> memref<624x128xf32, #tpu.memory_space<hbm>>
        tpu.wait_dma2 semaphore(%run_scoped3A : memref<!tpu.dma_semaphore, #tpu.memory_space<semaphore_mem>>) src(%dma_wait3A_69 : memref<624x128xf32, #tpu.memory_space<hbm>>) dst(%dma_wait3A_67 : memref<624x128xf32, #tpu.memory_space<vmem_shared>>)
        tpu.yield
      }) : () -> ()
      %eq3A_57 = arith.constant 15 : i32
      %eq3A_58 = arith.cmpi eq, %arg1, %eq3A_57 : i32
      %convert_element_type3A_59 = arith.extui %eq3A_58 : i1 to i32
      %cond3A_60 = arith.constant 0 : i32
      %cond3A_61 = arith.cmpi ne, %convert_element_type3A_59, %cond3A_60 : i32
      scf.if %cond3A_61 {
        "tpu.region"() ({
          %run_scoped3A = tpu.sem_alloc : memref<!tpu.dma_semaphore, #tpu.memory_space<semaphore_mem>>
          %dma_start3A_62 = arith.constant 9984 : i32
          %dma_start3A_63 = arith.constant 0 : i32
          %dma_start3A_64 = tpu.memref_slice %arg16[%dma_start3A_62, %dma_start3A_63] : memref<10000x128xf32, #tpu.memory_space<vmem_shared>> -> memref<16x128xf32, #tpu.memory_space<vmem_shared>>
          %dma_start3A_65 = arith.constant 9984 : i32
          %dma_start3A_66 = arith.constant 0 : i32
          %dma_start3A_67 = tpu.memref_slice %arg2[%dma_start3A_65, %dma_start3A_66] : memref<10000x128xf32, #tpu.memory_space<hbm>> -> memref<16x128xf32, #tpu.memory_space<hbm>>
          tpu.enqueue_dma source(%dma_start3A_67 : memref<16x128xf32, #tpu.memory_space<hbm>>) target(%dma_start3A_64 : memref<16x128xf32, #tpu.memory_space<vmem_shared>>) target_semaphore(%run_scoped3A : memref<!tpu.dma_semaphore, #tpu.memory_space<semaphore_mem>>)
          %dma_wait3A_68 = arith.constant 9984 : i32
          %dma_wait3A_69 = arith.constant 0 : i32
          %dma_wait3A_70 = tpu.memref_slice %arg16[%dma_wait3A_68, %dma_wait3A_69] : memref<10000x128xf32, #tpu.memory_space<vmem_shared>> -> memref<16x128xf32, #tpu.memory_space<vmem_shared>>
          %dma_wait3A_71 = arith.constant 9984 : i32
          %dma_wait3A_72 = arith.constant 0 : i32
          %dma_wait3A_73 = tpu.memref_slice %arg2[%dma_wait3A_71, %dma_wait3A_72] : memref<10000x128xf32, #tpu.memory_space<hbm>> -> memref<16x128xf32, #tpu.memory_space<hbm>>
          tpu.wait_dma2 semaphore(%run_scoped3A : memref<!tpu.dma_semaphore, #tpu.memory_space<semaphore_mem>>) src(%dma_wait3A_73 : memref<16x128xf32, #tpu.memory_space<hbm>>) dst(%dma_wait3A_70 : memref<16x128xf32, #tpu.memory_space<vmem_shared>>)
          tpu.yield
        }) : () -> ()
      } else {
      }
    } else {
    }
    %ne3A = arith.constant 0 : i32
    %ne3A_3 = arith.cmpi ne, %arg0, %ne3A : i32
    %convert_element_type3A_4 = arith.extui %ne3A_3 : i1 to i32
    %cond3A_5 = arith.constant 0 : i32
    %cond3A_6 = arith.cmpi ne, %convert_element_type3A_4, %cond3A_5 : i32
    scf.if %cond3A_6 {
      "tpu.region"() ({
        %run_scoped3A = tpu.sem_alloc : memref<!tpu.dma_semaphore, #tpu.memory_space<semaphore_mem>>
        %dma_start3A_62 = arith.constant 0 : i32
        %dma_start3A_63 = tpu.memref_slice %arg16[%mul3A_0, %dma_start3A_62] : memref<10000x128xf32, #tpu.memory_space<vmem_shared>> -> memref<624x128xf32, #tpu.memory_space<vmem_shared>>
        %dma_start3A_64 = arith.constant 0 : i32
        %dma_start3A_65 = tpu.memref_slice %arg3[%mul3A_0, %dma_start3A_64] : memref<10000x128xf32, #tpu.memory_space<hbm>> -> memref<624x128xf32, #tpu.memory_space<hbm>>
        tpu.enqueue_dma source(%dma_start3A_65 : memref<624x128xf32, #tpu.memory_space<hbm>>) target(%dma_start3A_63 : memref<624x128xf32, #tpu.memory_space<vmem_shared>>) target_semaphore(%run_scoped3A : memref<!tpu.dma_semaphore, #tpu.memory_space<semaphore_mem>>)
        %dma_wait3A_66 = arith.constant 0 : i32
        %dma_wait3A_67 = tpu.memref_slice %arg16[%mul3A_0, %dma_wait3A_66] : memref<10000x128xf32, #tpu.memory_space<vmem_shared>> -> memref<624x128xf32, #tpu.memory_space<vmem_shared>>
        %dma_wait3A_68 = arith.constant 0 : i32
        %dma_wait3A_69 = tpu.memref_slice %arg3[%mul3A_0, %dma_wait3A_68] : memref<10000x128xf32, #tpu.memory_space<hbm>> -> memref<624x128xf32, #tpu.memory_space<hbm>>
        tpu.wait_dma2 semaphore(%run_scoped3A : memref<!tpu.dma_semaphore, #tpu.memory_space<semaphore_mem>>) src(%dma_wait3A_69 : memref<624x128xf32, #tpu.memory_space<hbm>>) dst(%dma_wait3A_67 : memref<624x128xf32, #tpu.memory_space<vmem_shared>>)
        tpu.yield
      }) : () -> ()
      %eq3A_57 = arith.constant 15 : i32
      %eq3A_58 = arith.cmpi eq, %arg1, %eq3A_57 : i32
      %convert_element_type3A_59 = arith.extui %eq3A_58 : i1 to i32
      %cond3A_60 = arith.constant 0 : i32
      %cond3A_61 = arith.cmpi ne, %convert_element_type3A_59, %cond3A_60 : i32
      scf.if %cond3A_61 {
        "tpu.region"() ({
          %run_scoped3A = tpu.sem_alloc : memref<!tpu.dma_semaphore, #tpu.memory_space<semaphore_mem>>
          %dma_start3A_62 = arith.constant 9984 : i32
          %dma_start3A_63 = arith.constant 0 : i32
          %dma_start3A_64 = tpu.memref_slice %arg16[%dma_start3A_62, %dma_start3A_63] : memref<10000x128xf32, #tpu.memory_space<vmem_shared>> -> memref<16x128xf32, #tpu.memory_space<vmem_shared>>
          %dma_start3A_65 = arith.constant 9984 : i32
          %dma_start3A_66 = arith.constant 0 : i32
          %dma_start3A_67 = tpu.memref_slice %arg3[%dma_start3A_65, %dma_start3A_66] : memref<10000x128xf32, #tpu.memory_space<hbm>> -> memref<16x128xf32, #tpu.memory_space<hbm>>
          tpu.enqueue_dma source(%dma_start3A_67 : memref<16x128xf32, #tpu.memory_space<hbm>>) target(%dma_start3A_64 : memref<16x128xf32, #tpu.memory_space<vmem_shared>>) target_semaphore(%run_scoped3A : memref<!tpu.dma_semaphore, #tpu.memory_space<semaphore_mem>>)
          %dma_wait3A_68 = arith.constant 9984 : i32
          %dma_wait3A_69 = arith.constant 0 : i32
          %dma_wait3A_70 = tpu.memref_slice %arg16[%dma_wait3A_68, %dma_wait3A_69] : memref<10000x128xf32, #tpu.memory_space<vmem_shared>> -> memref<16x128xf32, #tpu.memory_space<vmem_shared>>
          %dma_wait3A_71 = arith.constant 9984 : i32
          %dma_wait3A_72 = arith.constant 0 : i32
          %dma_wait3A_73 = tpu.memref_slice %arg3[%dma_wait3A_71, %dma_wait3A_72] : memref<10000x128xf32, #tpu.memory_space<hbm>> -> memref<16x128xf32, #tpu.memory_space<hbm>>
          tpu.wait_dma2 semaphore(%run_scoped3A : memref<!tpu.dma_semaphore, #tpu.memory_space<semaphore_mem>>) src(%dma_wait3A_73 : memref<16x128xf32, #tpu.memory_space<hbm>>) dst(%dma_wait3A_70 : memref<16x128xf32, #tpu.memory_space<vmem_shared>>)
          tpu.yield
        }) : () -> ()
      } else {
      }
    } else {
    }
    %barrier3A = arith.constant 0 : index
    tpu.barrier barrier_id(%barrier3A)
    %mul3A_7 = arith.constant 16 : i32
    %mul3A_8 = arith.muli %arg0, %mul3A_7 : i32
    %add3A = arith.addi %mul3A_8, %arg1 : i32
    %mul3A_9 = arith.constant 20000 : i32
    %mul3A_10 = arith.muli %add3A, %mul3A_9 : i32
    %add3A_11 = arith.constant 0 : i32
    %add3A_12 = arith.addi %mul3A_10, %add3A_11 : i32
    %dma_start3A = tpu.memref_slice %arg4[%add3A_12] : memref<640000xi32, #tpu.memory_space<hbm>> -> memref<80xi32, #tpu.memory_space<hbm>>
    %dma_start3A_13 = tpu.memref_slice %arg4[%add3A_12] : memref<640000xi32, #tpu.memory_space<hbm>> -> memref<80xi32, #tpu.memory_space<hbm>>
    tpu.enqueue_dma source(%dma_start3A_13 : memref<80xi32, #tpu.memory_space<hbm>>) target(%arg8 : memref<80xi32, #tpu.memory_space<vmem>>) target_semaphore(%arg17 : memref<!tpu.dma_semaphore, #tpu.memory_space<semaphore_mem>>)
    %dma_start3A_14 = tpu.memref_slice %arg5[%add3A_12] : memref<640000xi32, #tpu.memory_space<hbm>> -> memref<80xi32, #tpu.memory_space<hbm>>
    %dma_start3A_15 = tpu.memref_slice %arg5[%add3A_12] : memref<640000xi32, #tpu.memory_space<hbm>> -> memref<80xi32, #tpu.memory_space<hbm>>
    tpu.enqueue_dma source(%dma_start3A_15 : memref<80xi32, #tpu.memory_space<hbm>>) target(%arg10 : memref<80xi32, #tpu.memory_space<vmem>>) target_semaphore(%arg17 : memref<!tpu.dma_semaphore, #tpu.memory_space<semaphore_mem>>)
    %dma_start3A_16 = arith.constant 0 : i32
    %dma_start3A_17 = tpu.memref_slice %arg6[%add3A_12, %dma_start3A_16] : memref<640000x128xf32, #tpu.memory_space<hbm>> -> memref<80x128xf32, #tpu.memory_space<hbm>>
    %dma_start3A_18 = arith.constant 0 : i32
    %dma_start3A_19 = tpu.memref_slice %arg6[%add3A_12, %dma_start3A_18] : memref<640000x128xf32, #tpu.memory_space<hbm>> -> memref<80x128xf32, #tpu.memory_space<hbm>>
    tpu.enqueue_dma source(%dma_start3A_19 : memref<80x128xf32, #tpu.memory_space<hbm>>) target(%arg12 : memref<80x128xf32, #tpu.memory_space<vmem>>) target_semaphore(%arg17 : memref<!tpu.dma_semaphore, #tpu.memory_space<semaphore_mem>>)
    %add3A_20 = arith.constant 80 : i32
    %add3A_21 = arith.addi %mul3A_10, %add3A_20 : i32
    %dma_start3A_22 = tpu.memref_slice %arg4[%add3A_21] : memref<640000xi32, #tpu.memory_space<hbm>> -> memref<80xi32, #tpu.memory_space<hbm>>
    %dma_start3A_23 = tpu.memref_slice %arg4[%add3A_21] : memref<640000xi32, #tpu.memory_space<hbm>> -> memref<80xi32, #tpu.memory_space<hbm>>
    tpu.enqueue_dma source(%dma_start3A_23 : memref<80xi32, #tpu.memory_space<hbm>>) target(%arg9 : memref<80xi32, #tpu.memory_space<vmem>>) target_semaphore(%arg18 : memref<!tpu.dma_semaphore, #tpu.memory_space<semaphore_mem>>)
    %dma_start3A_24 = tpu.memref_slice %arg5[%add3A_21] : memref<640000xi32, #tpu.memory_space<hbm>> -> memref<80xi32, #tpu.memory_space<hbm>>
    %dma_start3A_25 = tpu.memref_slice %arg5[%add3A_21] : memref<640000xi32, #tpu.memory_space<hbm>> -> memref<80xi32, #tpu.memory_space<hbm>>
    tpu.enqueue_dma source(%dma_start3A_25 : memref<80xi32, #tpu.memory_space<hbm>>) target(%arg11 : memref<80xi32, #tpu.memory_space<vmem>>) target_semaphore(%arg18 : memref<!tpu.dma_semaphore, #tpu.memory_space<semaphore_mem>>)
    %dma_start3A_26 = arith.constant 0 : i32
    %dma_start3A_27 = tpu.memref_slice %arg6[%add3A_21, %dma_start3A_26] : memref<640000x128xf32, #tpu.memory_space<hbm>> -> memref<80x128xf32, #tpu.memory_space<hbm>>
    %dma_start3A_28 = arith.constant 0 : i32
    %dma_start3A_29 = tpu.memref_slice %arg6[%add3A_21, %dma_start3A_28] : memref<640000x128xf32, #tpu.memory_space<hbm>> -> memref<80x128xf32, #tpu.memory_space<hbm>>
    tpu.enqueue_dma source(%dma_start3A_29 : memref<80x128xf32, #tpu.memory_space<hbm>>) target(%arg13 : memref<80x128xf32, #tpu.memory_space<vmem>>) target_semaphore(%arg18 : memref<!tpu.dma_semaphore, #tpu.memory_space<semaphore_mem>>)
    %dma_wait3A = arith.constant 0 : i32
    %dma_wait3A_30 = tpu.memref_slice %arg4[%dma_wait3A] : memref<640000xi32, #tpu.memory_space<hbm>> -> memref<80xi32, #tpu.memory_space<hbm>>
    %dma_wait3A_31 = arith.constant 0 : i32
    %dma_wait3A_32 = tpu.memref_slice %arg4[%dma_wait3A_31] : memref<640000xi32, #tpu.memory_space<hbm>> -> memref<80xi32, #tpu.memory_space<hbm>>
    tpu.wait_dma2 semaphore(%arg17 : memref<!tpu.dma_semaphore, #tpu.memory_space<semaphore_mem>>) src(%dma_wait3A_32 : memref<80xi32, #tpu.memory_space<hbm>>) dst(%arg8 : memref<80xi32, #tpu.memory_space<vmem>>)
    %dma_wait3A_33 = arith.constant 0 : i32
    %dma_wait3A_34 = tpu.memref_slice %arg5[%dma_wait3A_33] : memref<640000xi32, #tpu.memory_space<hbm>> -> memref<80xi32, #tpu.memory_space<hbm>>
    %dma_wait3A_35 = arith.constant 0 : i32
    %dma_wait3A_36 = tpu.memref_slice %arg5[%dma_wait3A_35] : memref<640000xi32, #tpu.memory_space<hbm>> -> memref<80xi32, #tpu.memory_space<hbm>>
    tpu.wait_dma2 semaphore(%arg17 : memref<!tpu.dma_semaphore, #tpu.memory_space<semaphore_mem>>) src(%dma_wait3A_36 : memref<80xi32, #tpu.memory_space<hbm>>) dst(%arg10 : memref<80xi32, #tpu.memory_space<vmem>>)
    %dma_wait3A_37 = arith.constant 0 : i32
    %dma_wait3A_38 = arith.constant 0 : i32
    %dma_wait3A_39 = tpu.memref_slice %arg6[%dma_wait3A_37, %dma_wait3A_38] : memref<640000x128xf32, #tpu.memory_space<hbm>> -> memref<80x128xf32, #tpu.memory_space<hbm>>
    %dma_wait3A_40 = arith.constant 0 : i32
    %dma_wait3A_41 = arith.constant 0 : i32
    %dma_wait3A_42 = tpu.memref_slice %arg6[%dma_wait3A_40, %dma_wait3A_41] : memref<640000x128xf32, #tpu.memory_space<hbm>> -> memref<80x128xf32, #tpu.memory_space<hbm>>
    tpu.wait_dma2 semaphore(%arg17 : memref<!tpu.dma_semaphore, #tpu.memory_space<semaphore_mem>>) src(%dma_wait3A_42 : memref<80x128xf32, #tpu.memory_space<hbm>>) dst(%arg12 : memref<80x128xf32, #tpu.memory_space<vmem>>)
    %dma_start3A_43 = arith.constant 0 : i32
    %dma_start3A_44 = arith.constant 0 : i32
    %dma_start3A_45 = tpu.memref_slice %arg2[%dma_start3A_43, %dma_start3A_44] : memref<10000x128xf32, #tpu.memory_space<hbm>> -> memref<10000x128xf32, #tpu.memory_space<hbm>>
    tpu.enqueue_indirect_dma source(%dma_start3A_45 : memref<10000x128xf32, #tpu.memory_space<hbm>>) target(%arg14 : memref<80x128xf32, #tpu.memory_space<vmem>>) offsets(%arg8 : memref<80xi32, #tpu.memory_space<vmem>>) semaphore(%arg19 : memref<!tpu.dma_semaphore, #tpu.memory_space<semaphore_mem>>)
    %scan3A = arith.constant 0 : i32
    %scan3A_46 = arith.constant 0 : i32
    %scan3A_47 = arith.constant 125 : i32
    %scan3A_48 = arith.addi %scan3A_46, %scan3A_47 : i32
    %scan3A_49 = arith.constant 1 : i32
    scf.for %scan3A_57 = %scan3A_46 to %scan3A_48 step %scan3A_49  : i32 {
      %mul3A_58 = arith.constant 2 : i32
      %mul3A_59 = arith.muli %mul3A_58, %scan3A_57 : i32
      %dma_wait3A_60 = arith.constant 0 : i32
      %dma_wait3A_61 = arith.constant 0 : i32
      %dma_wait3A_62 = tpu.memref_slice %arg2[%dma_wait3A_60, %dma_wait3A_61] : memref<10000x128xf32, #tpu.memory_space<hbm>> -> memref<10000x128xf32, #tpu.memory_space<hbm>>
      tpu.wait_indirect_dma semaphore(%arg19 : memref<!tpu.dma_semaphore, #tpu.memory_space<semaphore_mem>>) src(%dma_wait3A_62 : memref<10000x128xf32, #tpu.memory_space<hbm>>) dst(%arg14 : memref<80x128xf32, #tpu.memory_space<vmem>>)
      %parallel_loop3A = arith.constant 0 : i32
      %parallel_loop3A_63 = arith.constant 80 : i32
      %parallel_loop3A_64 = arith.constant 1 : i32
      scf.for %parallel_loop3A_102 = %parallel_loop3A to %parallel_loop3A_63 step %parallel_loop3A_64  : i32 {
        %parallel_loop3A_103 = arith.index_cast %parallel_loop3A_102 : i32 to index
        %parallel_loop3A_104 = arith.constant 0 : index
        %parallel_loop3A_105 = tpu.vector_load %arg12[%parallel_loop3A_103, %parallel_loop3A_104] {strides = array<i32>} : memref<80x128xf32, #tpu.memory_space<vmem>>, vector<1x16xf32>,
        %parallel_loop3A_106 = vector.shape_cast %parallel_loop3A_105 : vector<1x16xf32> to vector<16xf32>
        %parallel_loop3A_107 = arith.index_cast %parallel_loop3A_102 : i32 to index
        %parallel_loop3A_108 = arith.constant 0 : index
        %parallel_loop3A_109 = tpu.vector_load %arg14[%parallel_loop3A_107, %parallel_loop3A_108] {strides = array<i32>} : memref<80x128xf32, #tpu.memory_space<vmem>>, vector<1x16xf32>,
        %parallel_loop3A_110 = vector.shape_cast %parallel_loop3A_109 : vector<1x16xf32> to vector<16xf32>
        %parallel_loop3A_111 = arith.addf %parallel_loop3A_110, %parallel_loop3A_106 : vector<16xf32>
        %parallel_loop3A_112 = arith.constant 0.000000e+00 : f32
        %parallel_loop3A_113 = vector.broadcast %parallel_loop3A_112 : f32 to vector<16xf32>
        %parallel_loop3A_114 = arith.maximumf %parallel_loop3A_111, %parallel_loop3A_113 : vector<16xf32>
        %parallel_loop3A_115 = arith.index_cast %parallel_loop3A_102 : i32 to index
        %parallel_loop3A_116 = arith.constant 0 : index
        %parallel_loop3A_117 = tpu.vector_load %arg14[%parallel_loop3A_115, %parallel_loop3A_116] {strides = array<i32>} : memref<80x128xf32, #tpu.memory_space<vmem>>, vector<1x16xf32>,
        %parallel_loop3A_118 = vector.shape_cast %parallel_loop3A_117 : vector<1x16xf32> to vector<16xf32>
        %parallel_loop3A_119 = vector.shape_cast %parallel_loop3A_114 : vector<16xf32> to vector<1x16xf32>
        tpu.vector_store %arg14[%parallel_loop3A_115, %parallel_loop3A_116], %parallel_loop3A_119 {strides = array<i32>} : memref<80x128xf32, #tpu.memory_space<vmem>>, vector<1x16xf32>,
        %parallel_loop3A_120 = arith.index_cast %parallel_loop3A_102 : i32 to index
        %parallel_loop3A_121 = arith.constant 16 : index
        %parallel_loop3A_122 = tpu.vector_load %arg12[%parallel_loop3A_120, %parallel_loop3A_121] {strides = array<i32>} : memref<80x128xf32, #tpu.memory_space<vmem>>, vector<1x16xf32>,
        %parallel_loop3A_123 = vector.shape_cast %parallel_loop3A_122 : vector<1x16xf32> to vector<16xf32>
        %parallel_loop3A_124 = arith.index_cast %parallel_loop3A_102 : i32 to index
        %parallel_loop3A_125 = arith.constant 16 : index
        %parallel_loop3A_126 = tpu.vector_load %arg14[%parallel_loop3A_124, %parallel_loop3A_125] {strides = array<i32>} : memref<80x128xf32, #tpu.memory_space<vmem>>, vector<1x16xf32>,
        %parallel_loop3A_127 = vector.shape_cast %parallel_loop3A_126 : vector<1x16xf32> to vector<16xf32>
        %parallel_loop3A_128 = arith.addf %parallel_loop3A_127, %parallel_loop3A_123 : vector<16xf32>
        %parallel_loop3A_129 = arith.constant 0.000000e+00 : f32
        %parallel_loop3A_130 = vector.broadcast %parallel_loop3A_129 : f32 to vector<16xf32>
        %parallel_loop3A_131 = arith.maximumf %parallel_loop3A_128, %parallel_loop3A_130 : vector<16xf32>
        %parallel_loop3A_132 = arith.index_cast %parallel_loop3A_102 : i32 to index
        %parallel_loop3A_133 = arith.constant 16 : index
        %parallel_loop3A_134 = tpu.vector_load %arg14[%parallel_loop3A_132, %parallel_loop3A_133] {strides = array<i32>} : memref<80x128xf32, #tpu.memory_space<vmem>>, vector<1x16xf32>,
        %parallel_loop3A_135 = vector.shape_cast %parallel_loop3A_134 : vector<1x16xf32> to vector<16xf32>
        %parallel_loop3A_136 = vector.shape_cast %parallel_loop3A_131 : vector<16xf32> to vector<1x16xf32>
        tpu.vector_store %arg14[%parallel_loop3A_132, %parallel_loop3A_133], %parallel_loop3A_136 {strides = array<i32>} : memref<80x128xf32, #tpu.memory_space<vmem>>, vector<1x16xf32>,
        %parallel_loop3A_137 = arith.index_cast %parallel_loop3A_102 : i32 to index
        %parallel_loop3A_138 = arith.constant 32 : index
        %parallel_loop3A_139 = tpu.vector_load %arg12[%parallel_loop3A_137, %parallel_loop3A_138] {strides = array<i32>} : memref<80x128xf32, #tpu.memory_space<vmem>>, vector<1x16xf32>,
        %parallel_loop3A_140 = vector.shape_cast %parallel_loop3A_139 : vector<1x16xf32> to vector<16xf32>
        %parallel_loop3A_141 = arith.index_cast %parallel_loop3A_102 : i32 to index
        %parallel_loop3A_142 = arith.constant 32 : index
        %parallel_loop3A_143 = tpu.vector_load %arg14[%parallel_loop3A_141, %parallel_loop3A_142] {strides = array<i32>} : memref<80x128xf32, #tpu.memory_space<vmem>>, vector<1x16xf32>,
        %parallel_loop3A_144 = vector.shape_cast %parallel_loop3A_143 : vector<1x16xf32> to vector<16xf32>
        %parallel_loop3A_145 = arith.addf %parallel_loop3A_144, %parallel_loop3A_140 : vector<16xf32>
        %parallel_loop3A_146 = arith.constant 0.000000e+00 : f32
        %parallel_loop3A_147 = vector.broadcast %parallel_loop3A_146 : f32 to vector<16xf32>
        %parallel_loop3A_148 = arith.maximumf %parallel_loop3A_145, %parallel_loop3A_147 : vector<16xf32>
        %parallel_loop3A_149 = arith.index_cast %parallel_loop3A_102 : i32 to index
        %parallel_loop3A_150 = arith.constant 32 : index
        %parallel_loop3A_151 = tpu.vector_load %arg14[%parallel_loop3A_149, %parallel_loop3A_150] {strides = array<i32>} : memref<80x128xf32, #tpu.memory_space<vmem>>, vector<1x16xf32>,
        %parallel_loop3A_152 = vector.shape_cast %parallel_loop3A_151 : vector<1x16xf32> to vector<16xf32>
        %parallel_loop3A_153 = vector.shape_cast %parallel_loop3A_148 : vector<16xf32> to vector<1x16xf32>
        tpu.vector_store %arg14[%parallel_loop3A_149, %parallel_loop3A_150], %parallel_loop3A_153 {strides = array<i32>} : memref<80x128xf32, #tpu.memory_space<vmem>>, vector<1x16xf32>,
        %parallel_loop3A_154 = arith.index_cast %parallel_loop3A_102 : i32 to index
        %parallel_loop3A_155 = arith.constant 48 : index
        %parallel_loop3A_156 = tpu.vector_load %arg12[%parallel_loop3A_154, %parallel_loop3A_155] {strides = array<i32>} : memref<80x128xf32, #tpu.memory_space<vmem>>, vector<1x16xf32>,
        %parallel_loop3A_157 = vector.shape_cast %parallel_loop3A_156 : vector<1x16xf32> to vector<16xf32>
        %parallel_loop3A_158 = arith.index_cast %parallel_loop3A_102 : i32 to index
        %parallel_loop3A_159 = arith.constant 48 : index
        %parallel_loop3A_160 = tpu.vector_load %arg14[%parallel_loop3A_158, %parallel_loop3A_159] {strides = array<i32>} : memref<80x128xf32, #tpu.memory_space<vmem>>, vector<1x16xf32>,
        %parallel_loop3A_161 = vector.shape_cast %parallel_loop3A_160 : vector<1x16xf32> to vector<16xf32>
        %parallel_loop3A_162 = arith.addf %parallel_loop3A_161, %parallel_loop3A_157 : vector<16xf32>
        %parallel_loop3A_163 = arith.constant 0.000000e+00 : f32
        %parallel_loop3A_164 = vector.broadcast %parallel_loop3A_163 : f32 to vector<16xf32>
        %parallel_loop3A_165 = arith.maximumf %parallel_loop3A_162, %parallel_loop3A_164 : vector<16xf32>
        %parallel_loop3A_166 = arith.index_cast %parallel_loop3A_102 : i32 to index
        %parallel_loop3A_167 = arith.constant 48 : index
        %parallel_loop3A_168 = tpu.vector_load %arg14[%parallel_loop3A_166, %parallel_loop3A_167] {strides = array<i32>} : memref<80x128xf32, #tpu.memory_space<vmem>>, vector<1x16xf32>,
        %parallel_loop3A_169 = vector.shape_cast %parallel_loop3A_168 : vector<1x16xf32> to vector<16xf32>
        %parallel_loop3A_170 = vector.shape_cast %parallel_loop3A_165 : vector<16xf32> to vector<1x16xf32>
        tpu.vector_store %arg14[%parallel_loop3A_166, %parallel_loop3A_167], %parallel_loop3A_170 {strides = array<i32>} : memref<80x128xf32, #tpu.memory_space<vmem>>, vector<1x16xf32>,
        %parallel_loop3A_171 = arith.index_cast %parallel_loop3A_102 : i32 to index
        %parallel_loop3A_172 = arith.constant 64 : index
        %parallel_loop3A_173 = tpu.vector_load %arg12[%parallel_loop3A_171, %parallel_loop3A_172] {strides = array<i32>} : memref<80x128xf32, #tpu.memory_space<vmem>>, vector<1x16xf32>,
        %parallel_loop3A_174 = vector.shape_cast %parallel_loop3A_173 : vector<1x16xf32> to vector<16xf32>
        %parallel_loop3A_175 = arith.index_cast %parallel_loop3A_102 : i32 to index
        %parallel_loop3A_176 = arith.constant 64 : index
        %parallel_loop3A_177 = tpu.vector_load %arg14[%parallel_loop3A_175, %parallel_loop3A_176] {strides = array<i32>} : memref<80x128xf32, #tpu.memory_space<vmem>>, vector<1x16xf32>,
        %parallel_loop3A_178 = vector.shape_cast %parallel_loop3A_177 : vector<1x16xf32> to vector<16xf32>
        %parallel_loop3A_179 = arith.addf %parallel_loop3A_178, %parallel_loop3A_174 : vector<16xf32>
        %parallel_loop3A_180 = arith.constant 0.000000e+00 : f32
        %parallel_loop3A_181 = vector.broadcast %parallel_loop3A_180 : f32 to vector<16xf32>
        %parallel_loop3A_182 = arith.maximumf %parallel_loop3A_179, %parallel_loop3A_181 : vector<16xf32>
        %parallel_loop3A_183 = arith.index_cast %parallel_loop3A_102 : i32 to index
        %parallel_loop3A_184 = arith.constant 64 : index
        %parallel_loop3A_185 = tpu.vector_load %arg14[%parallel_loop3A_183, %parallel_loop3A_184] {strides = array<i32>} : memref<80x128xf32, #tpu.memory_space<vmem>>, vector<1x16xf32>,
        %parallel_loop3A_186 = vector.shape_cast %parallel_loop3A_185 : vector<1x16xf32> to vector<16xf32>
        %parallel_loop3A_187 = vector.shape_cast %parallel_loop3A_182 : vector<16xf32> to vector<1x16xf32>
        tpu.vector_store %arg14[%parallel_loop3A_183, %parallel_loop3A_184], %parallel_loop3A_187 {strides = array<i32>} : memref<80x128xf32, #tpu.memory_space<vmem>>, vector<1x16xf32>,
        %parallel_loop3A_188 = arith.index_cast %parallel_loop3A_102 : i32 to index
        %parallel_loop3A_189 = arith.constant 80 : index
        %parallel_loop3A_190 = tpu.vector_load %arg12[%parallel_loop3A_188, %parallel_loop3A_189] {strides = array<i32>} : memref<80x128xf32, #tpu.memory_space<vmem>>, vector<1x16xf32>,
        %parallel_loop3A_191 = vector.shape_cast %parallel_loop3A_190 : vector<1x16xf32> to vector<16xf32>
        %parallel_loop3A_192 = arith.index_cast %parallel_loop3A_102 : i32 to index
        %parallel_loop3A_193 = arith.constant 80 : index
        %parallel_loop3A_194 = tpu.vector_load %arg14[%parallel_loop3A_192, %parallel_loop3A_193] {strides = array<i32>} : memref<80x128xf32, #tpu.memory_space<vmem>>, vector<1x16xf32>,
        %parallel_loop3A_195 = vector.shape_cast %parallel_loop3A_194 : vector<1x16xf32> to vector<16xf32>
        %parallel_loop3A_196 = arith.addf %parallel_loop3A_195, %parallel_loop3A_191 : vector<16xf32>
        %parallel_loop3A_197 = arith.constant 0.000000e+00 : f32
        %parallel_loop3A_198 = vector.broadcast %parallel_loop3A_197 : f32 to vector<16xf32>
        %parallel_loop3A_199 = arith.maximumf %parallel_loop3A_196, %parallel_loop3A_198 : vector<16xf32>
        %parallel_loop3A_200 = arith.index_cast %parallel_loop3A_102 : i32 to index
        %parallel_loop3A_201 = arith.constant 80 : index
        %parallel_loop3A_202 = tpu.vector_load %arg14[%parallel_loop3A_200, %parallel_loop3A_201] {strides = array<i32>} : memref<80x128xf32, #tpu.memory_space<vmem>>, vector<1x16xf32>,
        %parallel_loop3A_203 = vector.shape_cast %parallel_loop3A_202 : vector<1x16xf32> to vector<16xf32>
        %parallel_loop3A_204 = vector.shape_cast %parallel_loop3A_199 : vector<16xf32> to vector<1x16xf32>
        tpu.vector_store %arg14[%parallel_loop3A_200, %parallel_loop3A_201], %parallel_loop3A_204 {strides = array<i32>} : memref<80x128xf32, #tpu.memory_space<vmem>>, vector<1x16xf32>,
        %parallel_loop3A_205 = arith.index_cast %parallel_loop3A_102 : i32 to index
        %parallel_loop3A_206 = arith.constant 96 : index
        %parallel_loop3A_207 = tpu.vector_load %arg12[%parallel_loop3A_205, %parallel_loop3A_206] {strides = array<i32>} : memref<80x128xf32, #tpu.memory_space<vmem>>, vector<1x16xf32>,
        %parallel_loop3A_208 = vector.shape_cast %parallel_loop3A_207 : vector<1x16xf32> to vector<16xf32>
        %parallel_loop3A_209 = arith.index_cast %parallel_loop3A_102 : i32 to index
        %parallel_loop3A_210 = arith.constant 96 : index
        %parallel_loop3A_211 = tpu.vector_load %arg14[%parallel_loop3A_209, %parallel_loop3A_210] {strides = array<i32>} : memref<80x128xf32, #tpu.memory_space<vmem>>, vector<1x16xf32>,
        %parallel_loop3A_212 = vector.shape_cast %parallel_loop3A_211 : vector<1x16xf32> to vector<16xf32>
        %parallel_loop3A_213 = arith.addf %parallel_loop3A_212, %parallel_loop3A_208 : vector<16xf32>
        %parallel_loop3A_214 = arith.constant 0.000000e+00 : f32
        %parallel_loop3A_215 = vector.broadcast %parallel_loop3A_214 : f32 to vector<16xf32>
        %parallel_loop3A_216 = arith.maximumf %parallel_loop3A_213, %parallel_loop3A_215 : vector<16xf32>
        %parallel_loop3A_217 = arith.index_cast %parallel_loop3A_102 : i32 to index
        %parallel_loop3A_218 = arith.constant 96 : index
        %parallel_loop3A_219 = tpu.vector_load %arg14[%parallel_loop3A_217, %parallel_loop3A_218] {strides = array<i32>} : memref<80x128xf32, #tpu.memory_space<vmem>>, vector<1x16xf32>,
        %parallel_loop3A_220 = vector.shape_cast %parallel_loop3A_219 : vector<1x16xf32> to vector<16xf32>
        %parallel_loop3A_221 = vector.shape_cast %parallel_loop3A_216 : vector<16xf32> to vector<1x16xf32>
        tpu.vector_store %arg14[%parallel_loop3A_217, %parallel_loop3A_218], %parallel_loop3A_221 {strides = array<i32>} : memref<80x128xf32, #tpu.memory_space<vmem>>, vector<1x16xf32>,
      } {sc.loop_unroll_factor = 8 : i64, sc.parallel_access}
      "tpu.region"() ({
        %run_scoped3A = tpu.sem_alloc : memref<!tpu.dma_semaphore, #tpu.memory_space<semaphore_mem>>
        %dma_start3A_102 = arith.constant 0 : i32
        %dma_start3A_103 = arith.constant 0 : i32
        %dma_start3A_104 = tpu.memref_slice %arg16[%dma_start3A_102, %dma_start3A_103] : memref<10000x128xf32, #tpu.memory_space<vmem_shared>> -> memref<10000x128xf32, #tpu.memory_space<vmem_shared>>
        tpu.enqueue_indirect_dma source(%arg14 : memref<80x128xf32, #tpu.memory_space<vmem>>) target(%dma_start3A_104 : memref<10000x128xf32, #tpu.memory_space<vmem_shared>>) offsets(%arg10 : memref<80xi32, #tpu.memory_space<vmem>>) semaphore(%run_scoped3A : memref<!tpu.dma_semaphore, #tpu.memory_space<semaphore_mem>>) {add = true}
        %dma_wait3A_105 = arith.constant 0 : i32
        %dma_wait3A_106 = arith.constant 0 : i32
        %dma_wait3A_107 = tpu.memref_slice %arg16[%dma_wait3A_105, %dma_wait3A_106] : memref<10000x128xf32, #tpu.memory_space<vmem_shared>> -> memref<10000x128xf32, #tpu.memory_space<vmem_shared>>
        tpu.wait_indirect_dma semaphore(%run_scoped3A : memref<!tpu.dma_semaphore, #tpu.memory_space<semaphore_mem>>) src(%arg14 : memref<80x128xf32, #tpu.memory_space<vmem>>) dst(%dma_wait3A_107 : memref<10000x128xf32, #tpu.memory_space<vmem_shared>>)
        tpu.yield
      }) : () -> ()
      %add3A_65 = arith.constant 1 : i32
      %add3A_66 = arith.addi %mul3A_59, %add3A_65 : i32
      %lt3A = arith.constant 250 : i32
      %lt3A_67 = arith.cmpi slt, %add3A_66, %lt3A : i32
      %convert_element_type3A_68 = arith.extui %lt3A_67 : i1 to i32
      %cond3A_69 = arith.constant 0 : i32
      %cond3A_70 = arith.cmpi ne, %convert_element_type3A_68, %cond3A_69 : i32
      scf.if %cond3A_70 {
        %dma_wait3A_102 = arith.constant 0 : i32
        %dma_wait3A_103 = tpu.memref_slice %arg4[%dma_wait3A_102] : memref<640000xi32, #tpu.memory_space<hbm>> -> memref<80xi32, #tpu.memory_space<hbm>>
        %dma_wait3A_104 = arith.constant 0 : i32
        %dma_wait3A_105 = tpu.memref_slice %arg4[%dma_wait3A_104] : memref<640000xi32, #tpu.memory_space<hbm>> -> memref<80xi32, #tpu.memory_space<hbm>>
        tpu.wait_dma2 semaphore(%arg18 : memref<!tpu.dma_semaphore, #tpu.memory_space<semaphore_mem>>) src(%dma_wait3A_105 : memref<80xi32, #tpu.memory_space<hbm>>) dst(%arg9 : memref<80xi32, #tpu.memory_space<vmem>>)
        %dma_wait3A_106 = arith.constant 0 : i32
        %dma_wait3A_107 = tpu.memref_slice %arg5[%dma_wait3A_106] : memref<640000xi32, #tpu.memory_space<hbm>> -> memref<80xi32, #tpu.memory_space<hbm>>
        %dma_wait3A_108 = arith.constant 0 : i32
        %dma_wait3A_109 = tpu.memref_slice %arg5[%dma_wait3A_108] : memref<640000xi32, #tpu.memory_space<hbm>> -> memref<80xi32, #tpu.memory_space<hbm>>
        tpu.wait_dma2 semaphore(%arg18 : memref<!tpu.dma_semaphore, #tpu.memory_space<semaphore_mem>>) src(%dma_wait3A_109 : memref<80xi32, #tpu.memory_space<hbm>>) dst(%arg11 : memref<80xi32, #tpu.memory_space<vmem>>)
        %dma_wait3A_110 = arith.constant 0 : i32
        %dma_wait3A_111 = arith.constant 0 : i32
        %dma_wait3A_112 = tpu.memref_slice %arg6[%dma_wait3A_110, %dma_wait3A_111] : memref<640000x128xf32, #tpu.memory_space<hbm>> -> memref<80x128xf32, #tpu.memory_space<hbm>>
        %dma_wait3A_113 = arith.constant 0 : i32
        %dma_wait3A_114 = arith.constant 0 : i32
        %dma_wait3A_115 = tpu.memref_slice %arg6[%dma_wait3A_113, %dma_wait3A_114] : memref<640000x128xf32, #tpu.memory_space<hbm>> -> memref<80x128xf32, #tpu.memory_space<hbm>>
        tpu.wait_dma2 semaphore(%arg18 : memref<!tpu.dma_semaphore, #tpu.memory_space<semaphore_mem>>) src(%dma_wait3A_115 : memref<80x128xf32, #tpu.memory_space<hbm>>) dst(%arg13 : memref<80x128xf32, #tpu.memory_space<vmem>>)
        %dma_start3A_116 = arith.constant 0 : i32
        %dma_start3A_117 = arith.constant 0 : i32
        %dma_start3A_118 = tpu.memref_slice %arg2[%dma_start3A_116, %dma_start3A_117] : memref<10000x128xf32, #tpu.memory_space<hbm>> -> memref<10000x128xf32, #tpu.memory_space<hbm>>
        tpu.enqueue_indirect_dma source(%dma_start3A_118 : memref<10000x128xf32, #tpu.memory_space<hbm>>) target(%arg15 : memref<80x128xf32, #tpu.memory_space<vmem>>) offsets(%arg9 : memref<80xi32, #tpu.memory_space<vmem>>) semaphore(%arg20 : memref<!tpu.dma_semaphore, #tpu.memory_space<semaphore_mem>>)
      } else {
      }
      %add3A_71 = arith.constant 2 : i32
      %add3A_72 = arith.addi %mul3A_59, %add3A_71 : i32
      %lt3A_73 = arith.constant 250 : i32
      %lt3A_74 = arith.cmpi slt, %add3A_72, %lt3A_73 : i32
      %convert_element_type3A_75 = arith.extui %lt3A_74 : i1 to i32
      %cond3A_76 = arith.constant 0 : i32
      %cond3A_77 = arith.cmpi ne, %convert_element_type3A_75, %cond3A_76 : i32
      scf.if %cond3A_77 {
        %add3A_102 = arith.constant 2 : i32
        %add3A_103 = arith.addi %mul3A_59, %add3A_102 : i32
        %mul3A_104 = arith.constant 80 : i32
        %mul3A_105 = arith.muli %add3A_103, %mul3A_104 : i32
        %add3A_106 = arith.addi %mul3A_10, %mul3A_105 : i32
        %dma_start3A_107 = tpu.memref_slice %arg4[%add3A_106] : memref<640000xi32, #tpu.memory_space<hbm>> -> memref<80xi32, #tpu.memory_space<hbm>>
        %dma_start3A_108 = tpu.memref_slice %arg4[%add3A_106] : memref<640000xi32, #tpu.memory_space<hbm>> -> memref<80xi32, #tpu.memory_space<hbm>>
        tpu.enqueue_dma source(%dma_start3A_108 : memref<80xi32, #tpu.memory_space<hbm>>) target(%arg8 : memref<80xi32, #tpu.memory_space<vmem>>) target_semaphore(%arg17 : memref<!tpu.dma_semaphore, #tpu.memory_space<semaphore_mem>>)
        %dma_start3A_109 = tpu.memref_slice %arg5[%add3A_106] : memref<640000xi32, #tpu.memory_space<hbm>> -> memref<80xi32, #tpu.memory_space<hbm>>
        %dma_start3A_110 = tpu.memref_slice %arg5[%add3A_106] : memref<640000xi32, #tpu.memory_space<hbm>> -> memref<80xi32, #tpu.memory_space<hbm>>
        tpu.enqueue_dma source(%dma_start3A_110 : memref<80xi32, #tpu.memory_space<hbm>>) target(%arg10 : memref<80xi32, #tpu.memory_space<vmem>>) target_semaphore(%arg17 : memref<!tpu.dma_semaphore, #tpu.memory_space<semaphore_mem>>)
        %dma_start3A_111 = arith.constant 0 : i32
        %dma_start3A_112 = tpu.memref_slice %arg6[%add3A_106, %dma_start3A_111] : memref<640000x128xf32, #tpu.memory_space<hbm>> -> memref<80x128xf32, #tpu.memory_space<hbm>>
        %dma_start3A_113 = arith.constant 0 : i32
        %dma_start3A_114 = tpu.memref_slice %arg6[%add3A_106, %dma_start3A_113] : memref<640000x128xf32, #tpu.memory_space<hbm>> -> memref<80x128xf32, #tpu.memory_space<hbm>>
        tpu.enqueue_dma source(%dma_start3A_114 : memref<80x128xf32, #tpu.memory_space<hbm>>) target(%arg12 : memref<80x128xf32, #tpu.memory_space<vmem>>) target_semaphore(%arg17 : memref<!tpu.dma_semaphore, #tpu.memory_space<semaphore_mem>>)
      } else {
      }
      %mul3A_78 = arith.constant 2 : i32
      %mul3A_79 = arith.muli %mul3A_78, %scan3A_57 : i32
      %add3A_80 = arith.constant 1 : i32
      %add3A_81 = arith.addi %mul3A_79, %add3A_80 : i32
      %dma_wait3A_82 = arith.constant 0 : i32
      %dma_wait3A_83 = arith.constant 0 : i32
      %dma_wait3A_84 = tpu.memref_slice %arg2[%dma_wait3A_82, %dma_wait3A_83] : memref<10000x128xf32, #tpu.memory_space<hbm>> -> memref<10000x128xf32, #tpu.memory_space<hbm>>
      tpu.wait_indirect_dma semaphore(%arg20 : memref<!tpu.dma_semaphore, #tpu.memory_space<semaphore_mem>>) src(%dma_wait3A_84 : memref<10000x128xf32, #tpu.memory_space<hbm>>) dst(%arg15 : memref<80x128xf32, #tpu.memory_space<vmem>>)
      %parallel_loop3A_85 = arith.constant 0 : i32
      %parallel_loop3A_86 = arith.constant 80 : i32
      %parallel_loop3A_87 = arith.constant 1 : i32
      scf.for %parallel_loop3A_102 = %parallel_loop3A_85 to %parallel_loop3A_86 step %parallel_loop3A_87  : i32 {
        %parallel_loop3A_103 = arith.index_cast %parallel_loop3A_102 : i32 to index
        %parallel_loop3A_104 = arith.constant 0 : index
        %parallel_loop3A_105 = tpu.vector_load %arg13[%parallel_loop3A_103, %parallel_loop3A_104] {strides = array<i32>} : memref<80x128xf32, #tpu.memory_space<vmem>>, vector<1x16xf32>,
        %parallel_loop3A_106 = vector.shape_cast %parallel_loop3A_105 : vector<1x16xf32> to vector<16xf32>
        %parallel_loop3A_107 = arith.index_cast %parallel_loop3A_102 : i32 to index
        %parallel_loop3A_108 = arith.constant 0 : index
        %parallel_loop3A_109 = tpu.vector_load %arg15[%parallel_loop3A_107, %parallel_loop3A_108] {strides = array<i32>} : memref<80x128xf32, #tpu.memory_space<vmem>>, vector<1x16xf32>,
        %parallel_loop3A_110 = vector.shape_cast %parallel_loop3A_109 : vector<1x16xf32> to vector<16xf32>
        %parallel_loop3A_111 = arith.addf %parallel_loop3A_110, %parallel_loop3A_106 : vector<16xf32>
        %parallel_loop3A_112 = arith.constant 0.000000e+00 : f32
        %parallel_loop3A_113 = vector.broadcast %parallel_loop3A_112 : f32 to vector<16xf32>
        %parallel_loop3A_114 = arith.maximumf %parallel_loop3A_111, %parallel_loop3A_113 : vector<16xf32>
        %parallel_loop3A_115 = arith.index_cast %parallel_loop3A_102 : i32 to index
        %parallel_loop3A_116 = arith.constant 0 : index
        %parallel_loop3A_117 = tpu.vector_load %arg15[%parallel_loop3A_115, %parallel_loop3A_116] {strides = array<i32>} : memref<80x128xf32, #tpu.memory_space<vmem>>, vector<1x16xf32>,
        %parallel_loop3A_118 = vector.shape_cast %parallel_loop3A_117 : vector<1x16xf32> to vector<16xf32>
        %parallel_loop3A_119 = vector.shape_cast %parallel_loop3A_114 : vector<16xf32> to vector<1x16xf32>
        tpu.vector_store %arg15[%parallel_loop3A_115, %parallel_loop3A_116], %parallel_loop3A_119 {strides = array<i32>} : memref<80x128xf32, #tpu.memory_space<vmem>>, vector<1x16xf32>,
        %parallel_loop3A_120 = arith.index_cast %parallel_loop3A_102 : i32 to index
        %parallel_loop3A_121 = arith.constant 16 : index
        %parallel_loop3A_122 = tpu.vector_load %arg13[%parallel_loop3A_120, %parallel_loop3A_121] {strides = array<i32>} : memref<80x128xf32, #tpu.memory_space<vmem>>, vector<1x16xf32>,
        %parallel_loop3A_123 = vector.shape_cast %parallel_loop3A_122 : vector<1x16xf32> to vector<16xf32>
        %parallel_loop3A_124 = arith.index_cast %parallel_loop3A_102 : i32 to index
        %parallel_loop3A_125 = arith.constant 16 : index
        %parallel_loop3A_126 = tpu.vector_load %arg15[%parallel_loop3A_124, %parallel_loop3A_125] {strides = array<i32>} : memref<80x128xf32, #tpu.memory_space<vmem>>, vector<1x16xf32>,
        %parallel_loop3A_127 = vector.shape_cast %parallel_loop3A_126 : vector<1x16xf32> to vector<16xf32>
        %parallel_loop3A_128 = arith.addf %parallel_loop3A_127, %parallel_loop3A_123 : vector<16xf32>
        %parallel_loop3A_129 = arith.constant 0.000000e+00 : f32
        %parallel_loop3A_130 = vector.broadcast %parallel_loop3A_129 : f32 to vector<16xf32>
        %parallel_loop3A_131 = arith.maximumf %parallel_loop3A_128, %parallel_loop3A_130 : vector<16xf32>
        %parallel_loop3A_132 = arith.index_cast %parallel_loop3A_102 : i32 to index
        %parallel_loop3A_133 = arith.constant 16 : index
        %parallel_loop3A_134 = tpu.vector_load %arg15[%parallel_loop3A_132, %parallel_loop3A_133] {strides = array<i32>} : memref<80x128xf32, #tpu.memory_space<vmem>>, vector<1x16xf32>,
        %parallel_loop3A_135 = vector.shape_cast %parallel_loop3A_134 : vector<1x16xf32> to vector<16xf32>
        %parallel_loop3A_136 = vector.shape_cast %parallel_loop3A_131 : vector<16xf32> to vector<1x16xf32>
        tpu.vector_store %arg15[%parallel_loop3A_132, %parallel_loop3A_133], %parallel_loop3A_136 {strides = array<i32>} : memref<80x128xf32, #tpu.memory_space<vmem>>, vector<1x16xf32>,
        %parallel_loop3A_137 = arith.index_cast %parallel_loop3A_102 : i32 to index
        %parallel_loop3A_138 = arith.constant 32 : index
        %parallel_loop3A_139 = tpu.vector_load %arg13[%parallel_loop3A_137, %parallel_loop3A_138] {strides = array<i32>} : memref<80x128xf32, #tpu.memory_space<vmem>>, vector<1x16xf32>,
        %parallel_loop3A_140 = vector.shape_cast %parallel_loop3A_139 : vector<1x16xf32> to vector<16xf32>
        %parallel_loop3A_141 = arith.index_cast %parallel_loop3A_102 : i32 to index
        %parallel_loop3A_142 = arith.constant 32 : index
        %parallel_loop3A_143 = tpu.vector_load %arg15[%parallel_loop3A_141, %parallel_loop3A_142] {strides = array<i32>} : memref<80x128xf32, #tpu.memory_space<vmem>>, vector<1x16xf32>,
        %parallel_loop3A_144 = vector.shape_cast %parallel_loop3A_143 : vector<1x16xf32> to vector<16xf32>
        %parallel_loop3A_145 = arith.addf %parallel_loop3A_144, %parallel_loop3A_140 : vector<16xf32>
        %parallel_loop3A_146 = arith.constant 0.000000e+00 : f32
        %parallel_loop3A_147 = vector.broadcast %parallel_loop3A_146 : f32 to vector<16xf32>
        %parallel_loop3A_148 = arith.maximumf %parallel_loop3A_145, %parallel_loop3A_147 : vector<16xf32>
        %parallel_loop3A_149 = arith.index_cast %parallel_loop3A_102 : i32 to index
        %parallel_loop3A_150 = arith.constant 32 : index
        %parallel_loop3A_151 = tpu.vector_load %arg15[%parallel_loop3A_149, %parallel_loop3A_150] {strides = array<i32>} : memref<80x128xf32, #tpu.memory_space<vmem>>, vector<1x16xf32>,
        %parallel_loop3A_152 = vector.shape_cast %parallel_loop3A_151 : vector<1x16xf32> to vector<16xf32>
        %parallel_loop3A_153 = vector.shape_cast %parallel_loop3A_148 : vector<16xf32> to vector<1x16xf32>
        tpu.vector_store %arg15[%parallel_loop3A_149, %parallel_loop3A_150], %parallel_loop3A_153 {strides = array<i32>} : memref<80x128xf32, #tpu.memory_space<vmem>>, vector<1x16xf32>,
        %parallel_loop3A_154 = arith.index_cast %parallel_loop3A_102 : i32 to index
        %parallel_loop3A_155 = arith.constant 48 : index
        %parallel_loop3A_156 = tpu.vector_load %arg13[%parallel_loop3A_154, %parallel_loop3A_155] {strides = array<i32>} : memref<80x128xf32, #tpu.memory_space<vmem>>, vector<1x16xf32>,
        %parallel_loop3A_157 = vector.shape_cast %parallel_loop3A_156 : vector<1x16xf32> to vector<16xf32>
        %parallel_loop3A_158 = arith.index_cast %parallel_loop3A_102 : i32 to index
        %parallel_loop3A_159 = arith.constant 48 : index
        %parallel_loop3A_160 = tpu.vector_load %arg15[%parallel_loop3A_158, %parallel_loop3A_159] {strides = array<i32>} : memref<80x128xf32, #tpu.memory_space<vmem>>, vector<1x16xf32>,
        %parallel_loop3A_161 = vector.shape_cast %parallel_loop3A_160 : vector<1x16xf32> to vector<16xf32>
        %parallel_loop3A_162 = arith.addf %parallel_loop3A_161, %parallel_loop3A_157 : vector<16xf32>
        %parallel_loop3A_163 = arith.constant 0.000000e+00 : f32
        %parallel_loop3A_164 = vector.broadcast %parallel_loop3A_163 : f32 to vector<16xf32>
        %parallel_loop3A_165 = arith.maximumf %parallel_loop3A_162, %parallel_loop3A_164 : vector<16xf32>
        %parallel_loop3A_166 = arith.index_cast %parallel_loop3A_102 : i32 to index
        %parallel_loop3A_167 = arith.constant 48 : index
        %parallel_loop3A_168 = tpu.vector_load %arg15[%parallel_loop3A_166, %parallel_loop3A_167] {strides = array<i32>} : memref<80x128xf32, #tpu.memory_space<vmem>>, vector<1x16xf32>,
        %parallel_loop3A_169 = vector.shape_cast %parallel_loop3A_168 : vector<1x16xf32> to vector<16xf32>
        %parallel_loop3A_170 = vector.shape_cast %parallel_loop3A_165 : vector<16xf32> to vector<1x16xf32>
        tpu.vector_store %arg15[%parallel_loop3A_166, %parallel_loop3A_167], %parallel_loop3A_170 {strides = array<i32>} : memref<80x128xf32, #tpu.memory_space<vmem>>, vector<1x16xf32>,
        %parallel_loop3A_171 = arith.index_cast %parallel_loop3A_102 : i32 to index
        %parallel_loop3A_172 = arith.constant 64 : index
        %parallel_loop3A_173 = tpu.vector_load %arg13[%parallel_loop3A_171, %parallel_loop3A_172] {strides = array<i32>} : memref<80x128xf32, #tpu.memory_space<vmem>>, vector<1x16xf32>,
        %parallel_loop3A_174 = vector.shape_cast %parallel_loop3A_173 : vector<1x16xf32> to vector<16xf32>
        %parallel_loop3A_175 = arith.index_cast %parallel_loop3A_102 : i32 to index
        %parallel_loop3A_176 = arith.constant 64 : index
        %parallel_loop3A_177 = tpu.vector_load %arg15[%parallel_loop3A_175, %parallel_loop3A_176] {strides = array<i32>} : memref<80x128xf32, #tpu.memory_space<vmem>>, vector<1x16xf32>,
        %parallel_loop3A_178 = vector.shape_cast %parallel_loop3A_177 : vector<1x16xf32> to vector<16xf32>
        %parallel_loop3A_179 = arith.addf %parallel_loop3A_178, %parallel_loop3A_174 : vector<16xf32>
        %parallel_loop3A_180 = arith.constant 0.000000e+00 : f32
        %parallel_loop3A_181 = vector.broadcast %parallel_loop3A_180 : f32 to vector<16xf32>
        %parallel_loop3A_182 = arith.maximumf %parallel_loop3A_179, %parallel_loop3A_181 : vector<16xf32>
        %parallel_loop3A_183 = arith.index_cast %parallel_loop3A_102 : i32 to index
        %parallel_loop3A_184 = arith.constant 64 : index
        %parallel_loop3A_185 = tpu.vector_load %arg15[%parallel_loop3A_183, %parallel_loop3A_184] {strides = array<i32>} : memref<80x128xf32, #tpu.memory_space<vmem>>, vector<1x16xf32>,
        %parallel_loop3A_186 = vector.shape_cast %parallel_loop3A_185 : vector<1x16xf32> to vector<16xf32>
        %parallel_loop3A_187 = vector.shape_cast %parallel_loop3A_182 : vector<16xf32> to vector<1x16xf32>
        tpu.vector_store %arg15[%parallel_loop3A_183, %parallel_loop3A_184], %parallel_loop3A_187 {strides = array<i32>} : memref<80x128xf32, #tpu.memory_space<vmem>>, vector<1x16xf32>,
        %parallel_loop3A_188 = arith.index_cast %parallel_loop3A_102 : i32 to index
        %parallel_loop3A_189 = arith.constant 80 : index
        %parallel_loop3A_190 = tpu.vector_load %arg13[%parallel_loop3A_188, %parallel_loop3A_189] {strides = array<i32>} : memref<80x128xf32, #tpu.memory_space<vmem>>, vector<1x16xf32>,
        %parallel_loop3A_191 = vector.shape_cast %parallel_loop3A_190 : vector<1x16xf32> to vector<16xf32>
        %parallel_loop3A_192 = arith.index_cast %parallel_loop3A_102 : i32 to index
        %parallel_loop3A_193 = arith.constant 80 : index
        %parallel_loop3A_194 = tpu.vector_load %arg15[%parallel_loop3A_192, %parallel_loop3A_193] {strides = array<i32>} : memref<80x128xf32, #tpu.memory_space<vmem>>, vector<1x16xf32>,
        %parallel_loop3A_195 = vector.shape_cast %parallel_loop3A_194 : vector<1x16xf32> to vector<16xf32>
        %parallel_loop3A_196 = arith.addf %parallel_loop3A_195, %parallel_loop3A_191 : vector<16xf32>
        %parallel_loop3A_197 = arith.constant 0.000000e+00 : f32
        %parallel_loop3A_198 = vector.broadcast %parallel_loop3A_197 : f32 to vector<16xf32>
        %parallel_loop3A_199 = arith.maximumf %parallel_loop3A_196, %parallel_loop3A_198 : vector<16xf32>
        %parallel_loop3A_200 = arith.index_cast %parallel_loop3A_102 : i32 to index
        %parallel_loop3A_201 = arith.constant 80 : index
        %parallel_loop3A_202 = tpu.vector_load %arg15[%parallel_loop3A_200, %parallel_loop3A_201] {strides = array<i32>} : memref<80x128xf32, #tpu.memory_space<vmem>>, vector<1x16xf32>,
        %parallel_loop3A_203 = vector.shape_cast %parallel_loop3A_202 : vector<1x16xf32> to vector<16xf32>
        %parallel_loop3A_204 = vector.shape_cast %parallel_loop3A_199 : vector<16xf32> to vector<1x16xf32>
        tpu.vector_store %arg15[%parallel_loop3A_200, %parallel_loop3A_201], %parallel_loop3A_204 {strides = array<i32>} : memref<80x128xf32, #tpu.memory_space<vmem>>, vector<1x16xf32>,
        %parallel_loop3A_205 = arith.index_cast %parallel_loop3A_102 : i32 to index
        %parallel_loop3A_206 = arith.constant 96 : index
        %parallel_loop3A_207 = tpu.vector_load %arg13[%parallel_loop3A_205, %parallel_loop3A_206] {strides = array<i32>} : memref<80x128xf32, #tpu.memory_space<vmem>>, vector<1x16xf32>,
        %parallel_loop3A_208 = vector.shape_cast %parallel_loop3A_207 : vector<1x16xf32> to vector<16xf32>
        %parallel_loop3A_209 = arith.index_cast %parallel_loop3A_102 : i32 to index
        %parallel_loop3A_210 = arith.constant 96 : index
        %parallel_loop3A_211 = tpu.vector_load %arg15[%parallel_loop3A_209, %parallel_loop3A_210] {strides = array<i32>} : memref<80x128xf32, #tpu.memory_space<vmem>>, vector<1x16xf32>,
        %parallel_loop3A_212 = vector.shape_cast %parallel_loop3A_211 : vector<1x16xf32> to vector<16xf32>
        %parallel_loop3A_213 = arith.addf %parallel_loop3A_212, %parallel_loop3A_208 : vector<16xf32>
        %parallel_loop3A_214 = arith.constant 0.000000e+00 : f32
        %parallel_loop3A_215 = vector.broadcast %parallel_loop3A_214 : f32 to vector<16xf32>
        %parallel_loop3A_216 = arith.maximumf %parallel_loop3A_213, %parallel_loop3A_215 : vector<16xf32>
        %parallel_loop3A_217 = arith.index_cast %parallel_loop3A_102 : i32 to index
        %parallel_loop3A_218 = arith.constant 96 : index
        %parallel_loop3A_219 = tpu.vector_load %arg15[%parallel_loop3A_217, %parallel_loop3A_218] {strides = array<i32>} : memref<80x128xf32, #tpu.memory_space<vmem>>, vector<1x16xf32>,
        %parallel_loop3A_220 = vector.shape_cast %parallel_loop3A_219 : vector<1x16xf32> to vector<16xf32>
        %parallel_loop3A_221 = vector.shape_cast %parallel_loop3A_216 : vector<16xf32> to vector<1x16xf32>
        tpu.vector_store %arg15[%parallel_loop3A_217, %parallel_loop3A_218], %parallel_loop3A_221 {strides = array<i32>} : memref<80x128xf32, #tpu.memory_space<vmem>>, vector<1x16xf32>,
      } {sc.loop_unroll_factor = 8 : i64, sc.parallel_access}
      "tpu.region"() ({
        %run_scoped3A = tpu.sem_alloc : memref<!tpu.dma_semaphore, #tpu.memory_space<semaphore_mem>>
        %dma_start3A_102 = arith.constant 0 : i32
        %dma_start3A_103 = arith.constant 0 : i32
        %dma_start3A_104 = tpu.memref_slice %arg16[%dma_start3A_102, %dma_start3A_103] : memref<10000x128xf32, #tpu.memory_space<vmem_shared>> -> memref<10000x128xf32, #tpu.memory_space<vmem_shared>>
        tpu.enqueue_indirect_dma source(%arg15 : memref<80x128xf32, #tpu.memory_space<vmem>>) target(%dma_start3A_104 : memref<10000x128xf32, #tpu.memory_space<vmem_shared>>) offsets(%arg11 : memref<80xi32, #tpu.memory_space<vmem>>) semaphore(%run_scoped3A : memref<!tpu.dma_semaphore, #tpu.memory_space<semaphore_mem>>) {add = true}
        %dma_wait3A_105 = arith.constant 0 : i32
        %dma_wait3A_106 = arith.constant 0 : i32
        %dma_wait3A_107 = tpu.memref_slice %arg16[%dma_wait3A_105, %dma_wait3A_106] : memref<10000x128xf32, #tpu.memory_space<vmem_shared>> -> memref<10000x128xf32, #tpu.memory_space<vmem_shared>>
        tpu.wait_indirect_dma semaphore(%run_scoped3A : memref<!tpu.dma_semaphore, #tpu.memory_space<semaphore_mem>>) src(%arg15 : memref<80x128xf32, #tpu.memory_space<vmem>>) dst(%dma_wait3A_107 : memref<10000x128xf32, #tpu.memory_space<vmem_shared>>)
        tpu.yield
      }) : () -> ()
      %add3A_88 = arith.constant 1 : i32
      %add3A_89 = arith.addi %add3A_81, %add3A_88 : i32
      %lt3A_90 = arith.constant 250 : i32
      %lt3A_91 = arith.cmpi slt, %add3A_89, %lt3A_90 : i32
      %convert_element_type3A_92 = arith.extui %lt3A_91 : i1 to i32
      %cond3A_93 = arith.constant 0 : i32
      %cond3A_94 = arith.cmpi ne, %convert_element_type3A_92, %cond3A_93 : i32
      scf.if %cond3A_94 {
        %dma_wait3A_102 = arith.constant 0 : i32
        %dma_wait3A_103 = tpu.memref_slice %arg4[%dma_wait3A_102] : memref<640000xi32, #tpu.memory_space<hbm>> -> memref<80xi32, #tpu.memory_space<hbm>>
        %dma_wait3A_104 = arith.constant 0 : i32
        %dma_wait3A_105 = tpu.memref_slice %arg4[%dma_wait3A_104] : memref<640000xi32, #tpu.memory_space<hbm>> -> memref<80xi32, #tpu.memory_space<hbm>>
        tpu.wait_dma2 semaphore(%arg17 : memref<!tpu.dma_semaphore, #tpu.memory_space<semaphore_mem>>) src(%dma_wait3A_105 : memref<80xi32, #tpu.memory_space<hbm>>) dst(%arg8 : memref<80xi32, #tpu.memory_space<vmem>>)
        %dma_wait3A_106 = arith.constant 0 : i32
        %dma_wait3A_107 = tpu.memref_slice %arg5[%dma_wait3A_106] : memref<640000xi32, #tpu.memory_space<hbm>> -> memref<80xi32, #tpu.memory_space<hbm>>
        %dma_wait3A_108 = arith.constant 0 : i32
        %dma_wait3A_109 = tpu.memref_slice %arg5[%dma_wait3A_108] : memref<640000xi32, #tpu.memory_space<hbm>> -> memref<80xi32, #tpu.memory_space<hbm>>
        tpu.wait_dma2 semaphore(%arg17 : memref<!tpu.dma_semaphore, #tpu.memory_space<semaphore_mem>>) src(%dma_wait3A_109 : memref<80xi32, #tpu.memory_space<hbm>>) dst(%arg10 : memref<80xi32, #tpu.memory_space<vmem>>)
        %dma_wait3A_110 = arith.constant 0 : i32
        %dma_wait3A_111 = arith.constant 0 : i32
        %dma_wait3A_112 = tpu.memref_slice %arg6[%dma_wait3A_110, %dma_wait3A_111] : memref<640000x128xf32, #tpu.memory_space<hbm>> -> memref<80x128xf32, #tpu.memory_space<hbm>>
        %dma_wait3A_113 = arith.constant 0 : i32
        %dma_wait3A_114 = arith.constant 0 : i32
        %dma_wait3A_115 = tpu.memref_slice %arg6[%dma_wait3A_113, %dma_wait3A_114] : memref<640000x128xf32, #tpu.memory_space<hbm>> -> memref<80x128xf32, #tpu.memory_space<hbm>>
        tpu.wait_dma2 semaphore(%arg17 : memref<!tpu.dma_semaphore, #tpu.memory_space<semaphore_mem>>) src(%dma_wait3A_115 : memref<80x128xf32, #tpu.memory_space<hbm>>) dst(%arg12 : memref<80x128xf32, #tpu.memory_space<vmem>>)
        %dma_start3A_116 = arith.constant 0 : i32
        %dma_start3A_117 = arith.constant 0 : i32
        %dma_start3A_118 = tpu.memref_slice %arg2[%dma_start3A_116, %dma_start3A_117] : memref<10000x128xf32, #tpu.memory_space<hbm>> -> memref<10000x128xf32, #tpu.memory_space<hbm>>
        tpu.enqueue_indirect_dma source(%dma_start3A_118 : memref<10000x128xf32, #tpu.memory_space<hbm>>) target(%arg14 : memref<80x128xf32, #tpu.memory_space<vmem>>) offsets(%arg8 : memref<80xi32, #tpu.memory_space<vmem>>) semaphore(%arg19 : memref<!tpu.dma_semaphore, #tpu.memory_space<semaphore_mem>>)
      } else {
      }
      %add3A_95 = arith.constant 2 : i32
      %add3A_96 = arith.addi %add3A_81, %add3A_95 : i32
      %lt3A_97 = arith.constant 250 : i32
      %lt3A_98 = arith.cmpi slt, %add3A_96, %lt3A_97 : i32
      %convert_element_type3A_99 = arith.extui %lt3A_98 : i1 to i32
      %cond3A_100 = arith.constant 0 : i32
      %cond3A_101 = arith.cmpi ne, %convert_element_type3A_99, %cond3A_100 : i32
      scf.if %cond3A_101 {
        %add3A_102 = arith.constant 2 : i32
        %add3A_103 = arith.addi %add3A_81, %add3A_102 : i32
        %mul3A_104 = arith.constant 80 : i32
        %mul3A_105 = arith.muli %add3A_103, %mul3A_104 : i32
        %add3A_106 = arith.addi %mul3A_10, %mul3A_105 : i32
        %dma_start3A_107 = tpu.memref_slice %arg4[%add3A_106] : memref<640000xi32, #tpu.memory_space<hbm>> -> memref<80xi32, #tpu.memory_space<hbm>>
        %dma_start3A_108 = tpu.memref_slice %arg4[%add3A_106] : memref<640000xi32, #tpu.memory_space<hbm>> -> memref<80xi32, #tpu.memory_space<hbm>>
        tpu.enqueue_dma source(%dma_start3A_108 : memref<80xi32, #tpu.memory_space<hbm>>) target(%arg9 : memref<80xi32, #tpu.memory_space<vmem>>) target_semaphore(%arg18 : memref<!tpu.dma_semaphore, #tpu.memory_space<semaphore_mem>>)
        %dma_start3A_109 = tpu.memref_slice %arg5[%add3A_106] : memref<640000xi32, #tpu.memory_space<hbm>> -> memref<80xi32, #tpu.memory_space<hbm>>
        %dma_start3A_110 = tpu.memref_slice %arg5[%add3A_106] : memref<640000xi32, #tpu.memory_space<hbm>> -> memref<80xi32, #tpu.memory_space<hbm>>
        tpu.enqueue_dma source(%dma_start3A_110 : memref<80xi32, #tpu.memory_space<hbm>>) target(%arg11 : memref<80xi32, #tpu.memory_space<vmem>>) target_semaphore(%arg18 : memref<!tpu.dma_semaphore, #tpu.memory_space<semaphore_mem>>)
        %dma_start3A_111 = arith.constant 0 : i32
        %dma_start3A_112 = tpu.memref_slice %arg6[%add3A_106, %dma_start3A_111] : memref<640000x128xf32, #tpu.memory_space<hbm>> -> memref<80x128xf32, #tpu.memory_space<hbm>>
        %dma_start3A_113 = arith.constant 0 : i32
        %dma_start3A_114 = tpu.memref_slice %arg6[%add3A_106, %dma_start3A_113] : memref<640000x128xf32, #tpu.memory_space<hbm>> -> memref<80x128xf32, #tpu.memory_space<hbm>>
        tpu.enqueue_dma source(%dma_start3A_114 : memref<80x128xf32, #tpu.memory_space<hbm>>) target(%arg13 : memref<80x128xf32, #tpu.memory_space<vmem>>) target_semaphore(%arg18 : memref<!tpu.dma_semaphore, #tpu.memory_space<semaphore_mem>>)
      } else {
      }
    }
    %scan3A_50 = arith.constant 125 : i32
    %barrier3A_51 = arith.constant 0 : index
    tpu.barrier barrier_id(%barrier3A_51)
    "tpu.region"() ({
      %run_scoped3A = tpu.sem_alloc : memref<!tpu.dma_semaphore, #tpu.memory_space<semaphore_mem>>
      %dma_start3A_57 = arith.constant 0 : i32
      %dma_start3A_58 = tpu.memref_slice %arg7[%arg0, %mul3A_0, %dma_start3A_57] : memref<2x10000x128xf32, #tpu.memory_space<hbm>> -> memref<1x624x128xf32, #tpu.memory_space<hbm>>
      %dma_start3A_59 = tpu.memref_squeeze %dma_start3A_58 : memref<1x624x128xf32, #tpu.memory_space<hbm>> -> memref<624x128xf32, #tpu.memory_space<hbm>>
      %dma_start3A_60 = arith.constant 0 : i32
      %dma_start3A_61 = tpu.memref_slice %arg16[%mul3A_0, %dma_start3A_60] : memref<10000x128xf32, #tpu.memory_space<vmem_shared>> -> memref<624x128xf32, #tpu.memory_space<vmem_shared>>
      tpu.enqueue_dma source(%dma_start3A_61 : memref<624x128xf32, #tpu.memory_space<vmem_shared>>) target(%dma_start3A_59 : memref<624x128xf32, #tpu.memory_space<hbm>>) target_semaphore(%run_scoped3A : memref<!tpu.dma_semaphore, #tpu.memory_space<semaphore_mem>>)
      %dma_wait3A_62 = arith.constant 0 : i32
      %dma_wait3A_63 = tpu.memref_slice %arg7[%arg0, %mul3A_0, %dma_wait3A_62] : memref<2x10000x128xf32, #tpu.memory_space<hbm>> -> memref<1x624x128xf32, #tpu.memory_space<hbm>>
      %dma_wait3A_64 = tpu.memref_squeeze %dma_wait3A_63 : memref<1x624x128xf32, #tpu.memory_space<hbm>> -> memref<624x128xf32, #tpu.memory_space<hbm>>
      %dma_wait3A_65 = arith.constant 0 : i32
      %dma_wait3A_66 = tpu.memref_slice %arg16[%mul3A_0, %dma_wait3A_65] : memref<10000x128xf32, #tpu.memory_space<vmem_shared>> -> memref<624x128xf32, #tpu.memory_space<vmem_shared>>
      tpu.wait_dma2 semaphore(%run_scoped3A : memref<!tpu.dma_semaphore, #tpu.memory_space<semaphore_mem>>) src(%dma_wait3A_66 : memref<624x128xf32, #tpu.memory_space<vmem_shared>>) dst(%dma_wait3A_64 : memref<624x128xf32, #tpu.memory_space<hbm>>)
      tpu.yield
    }) : () -> ()
    %eq3A_52 = arith.constant 15 : i32
    %eq3A_53 = arith.cmpi eq, %arg1, %eq3A_52 : i32
    %convert_element_type3A_54 = arith.extui %eq3A_53 : i1 to i32
    %cond3A_55 = arith.constant 0 : i32
    %cond3A_56 = arith.cmpi ne, %convert_element_type3A_54, %cond3A_55 : i32
    scf.if %cond3A_56 {
      "tpu.region"() ({
        %run_scoped3A = tpu.sem_alloc : memref<!tpu.dma_semaphore, #tpu.memory_space<semaphore_mem>>
        %dma_start3A_57 = arith.constant 9984 : i32
        %dma_start3A_58 = arith.constant 0 : i32
        %dma_start3A_59 = tpu.memref_slice %arg7[%arg0, %dma_start3A_57, %dma_start3A_58] : memref<2x10000x128xf32, #tpu.memory_space<hbm>> -> memref<1x16x128xf32, #tpu.memory_space<hbm>>
        %dma_start3A_60 = tpu.memref_squeeze %dma_start3A_59 : memref<1x16x128xf32, #tpu.memory_space<hbm>> -> memref<16x128xf32, #tpu.memory_space<hbm>>
        %dma_start3A_61 = arith.constant 9984 : i32
        %dma_start3A_62 = arith.constant 0 : i32
        %dma_start3A_63 = tpu.memref_slice %arg16[%dma_start3A_61, %dma_start3A_62] : memref<10000x128xf32, #tpu.memory_space<vmem_shared>> -> memref<16x128xf32, #tpu.memory_space<vmem_shared>>
        tpu.enqueue_dma source(%dma_start3A_63 : memref<16x128xf32, #tpu.memory_space<vmem_shared>>) target(%dma_start3A_60 : memref<16x128xf32, #tpu.memory_space<hbm>>) target_semaphore(%run_scoped3A : memref<!tpu.dma_semaphore, #tpu.memory_space<semaphore_mem>>)
        %dma_wait3A_64 = arith.constant 9984 : i32
        %dma_wait3A_65 = arith.constant 0 : i32
        %dma_wait3A_66 = tpu.memref_slice %arg7[%arg0, %dma_wait3A_64, %dma_wait3A_65] : memref<2x10000x128xf32, #tpu.memory_space<hbm>> -> memref<1x16x128xf32, #tpu.memory_space<hbm>>
        %dma_wait3A_67 = tpu.memref_squeeze %dma_wait3A_66 : memref<1x16x128xf32, #tpu.memory_space<hbm>> -> memref<16x128xf32, #tpu.memory_space<hbm>>
        %dma_wait3A_68 = arith.constant 9984 : i32
        %dma_wait3A_69 = arith.constant 0 : i32
        %dma_wait3A_70 = tpu.memref_slice %arg16[%dma_wait3A_68, %dma_wait3A_69] : memref<10000x128xf32, #tpu.memory_space<vmem_shared>> -> memref<16x128xf32, #tpu.memory_space<vmem_shared>>
        tpu.wait_dma2 semaphore(%run_scoped3A : memref<!tpu.dma_semaphore, #tpu.memory_space<semaphore_mem>>) src(%dma_wait3A_70 : memref<16x128xf32, #tpu.memory_space<vmem_shared>>) dst(%dma_wait3A_67 : memref<16x128xf32, #tpu.memory_space<hbm>>)
        tpu.yield
      }) : () -> ()
    } else {
    }
    return
  }
}

#map = affine_map<(d0, d1) -> (0, 0)>
#map1 = affine_map<(d0, d1) -> (0)>
#map2 = affine_map<(d0, d1) -> (0, 0, 0)>
module attributes {stable_mosaic.version = 14 : i64} {
  func.func @_edge_body(%arg0: i32, %arg1: i32, %arg2: memref<10000x128xf32, #tpu.memory_space<hbm>>, %arg3: memref<10000x128xf32, #tpu.memory_space<hbm>>, %arg4: memref<640000xi32, #tpu.memory_space<hbm>>, %arg5: memref<640000xi32, #tpu.memory_space<hbm>>, %arg6: memref<640000x128xf32, #tpu.memory_space<hbm>>, %arg7: memref<2x10000x128xf32, #tpu.memory_space<hbm>>, %arg8: memref<80xi32, #tpu.memory_space<vmem>>, %arg9: memref<80xi32, #tpu.memory_space<vmem>>, %arg10: memref<80xi32, #tpu.memory_space<vmem>>, %arg11: memref<80xi32, #tpu.memory_space<vmem>>, %arg12: memref<80x128xf32, #tpu.memory_space<vmem>>, %arg13: memref<80x128xf32, #tpu.memory_space<vmem>>, %arg14: memref<80x128xf32, #tpu.memory_space<vmem>>, %arg15: memref<80x128xf32, #tpu.memory_space<vmem>>, %arg16: memref<10000x128xf32, #tpu.memory_space<vmem_shared>>, %arg17: memref<!tpu.dma_semaphore, #tpu.memory_space<semaphore_mem>>, %arg18: memref<!tpu.dma_semaphore, #tpu.memory_space<semaphore_mem>>, %arg19: memref<!tpu.dma_semaphore, #tpu.memory_space<semaphore_mem>>, %arg20: memref<!tpu.dma_semaphore, #tpu.memory_space<semaphore_mem>>) attributes {dimension_semantics = [#tpu.dimension_semantics<core_parallel>, #tpu.dimension_semantics<subcore_parallel>], iteration_bounds = array<i64: 2, 16>, scalar_prefetch = 0 : i64, scratch_operands = 13 : i64, tpu.core_type = #tpu.core_type<sc_vector_subcore>, window_params = [{transform_indices = #map}, {transform_indices = #map}, {transform_indices = #map1}, {transform_indices = #map1}, {transform_indices = #map}, {transform_indices = #map2}]} {
    %mul3A = arith.constant 624 : i32
    %mul3A_0 = arith.muli %arg1, %mul3A : i32
    %eq3A = arith.constant 0 : i32
    %eq3A_1 = arith.cmpi eq, %arg0, %eq3A : i32
    %convert_element_type3A = arith.extui %eq3A_1 : i1 to i32
    %cond3A = arith.constant 0 : i32
    %cond3A_2 = arith.cmpi ne, %convert_element_type3A, %cond3A : i32
    scf.if %cond3A_2 {
      "tpu.region"() ({
        %run_scoped3A = tpu.sem_alloc : memref<!tpu.dma_semaphore, #tpu.memory_space<semaphore_mem>>
        %dma_start3A_62 = arith.constant 0 : i32
        %dma_start3A_63 = tpu.memref_slice %arg16[%mul3A_0, %dma_start3A_62] : memref<10000x128xf32, #tpu.memory_space<vmem_shared>> -> memref<624x128xf32, #tpu.memory_space<vmem_shared>>
        %dma_start3A_64 = arith.constant 0 : i32
        %dma_start3A_65 = tpu.memref_slice %arg2[%mul3A_0, %dma_start3A_64] : memref<10000x128xf32, #tpu.memory_space<hbm>> -> memref<624x128xf32, #tpu.memory_space<hbm>>
        tpu.enqueue_dma source(%dma_start3A_65 : memref<624x128xf32, #tpu.memory_space<hbm>>) target(%dma_start3A_63 : memref<624x128xf32, #tpu.memory_space<vmem_shared>>) target_semaphore(%run_scoped3A : memref<!tpu.dma_semaphore, #tpu.memory_space<semaphore_mem>>)
        %dma_wait3A_66 = arith.constant 0 : i32
        %dma_wait3A_67 = tpu.memref_slice %arg16[%mul3A_0, %dma_wait3A_66] : memref<10000x128xf32, #tpu.memory_space<vmem_shared>> -> memref<624x128xf32, #tpu.memory_space<vmem_shared>>
        %dma_wait3A_68 = arith.constant 0 : i32
        %dma_wait3A_69 = tpu.memref_slice %arg2[%mul3A_0, %dma_wait3A_68] : memref<10000x128xf32, #tpu.memory_space<hbm>> -> memref<624x128xf32, #tpu.memory_space<hbm>>
        tpu.wait_dma2 semaphore(%run_scoped3A : memref<!tpu.dma_semaphore, #tpu.memory_space<semaphore_mem>>) src(%dma_wait3A_69 : memref<624x128xf32, #tpu.memory_space<hbm>>) dst(%dma_wait3A_67 : memref<624x128xf32, #tpu.memory_space<vmem_shared>>)
        tpu.yield
      }) : () -> ()
      %eq3A_57 = arith.constant 15 : i32
      %eq3A_58 = arith.cmpi eq, %arg1, %eq3A_57 : i32
      %convert_element_type3A_59 = arith.extui %eq3A_58 : i1 to i32
      %cond3A_60 = arith.constant 0 : i32
      %cond3A_61 = arith.cmpi ne, %convert_element_type3A_59, %cond3A_60 : i32
      scf.if %cond3A_61 {
        "tpu.region"() ({
          %run_scoped3A = tpu.sem_alloc : memref<!tpu.dma_semaphore, #tpu.memory_space<semaphore_mem>>
          %dma_start3A_62 = arith.constant 9984 : i32
          %dma_start3A_63 = arith.constant 0 : i32
          %dma_start3A_64 = tpu.memref_slice %arg16[%dma_start3A_62, %dma_start3A_63] : memref<10000x128xf32, #tpu.memory_space<vmem_shared>> -> memref<16x128xf32, #tpu.memory_space<vmem_shared>>
          %dma_start3A_65 = arith.constant 9984 : i32
          %dma_start3A_66 = arith.constant 0 : i32
          %dma_start3A_67 = tpu.memref_slice %arg2[%dma_start3A_65, %dma_start3A_66] : memref<10000x128xf32, #tpu.memory_space<hbm>> -> memref<16x128xf32, #tpu.memory_space<hbm>>
          tpu.enqueue_dma source(%dma_start3A_67 : memref<16x128xf32, #tpu.memory_space<hbm>>) target(%dma_start3A_64 : memref<16x128xf32, #tpu.memory_space<vmem_shared>>) target_semaphore(%run_scoped3A : memref<!tpu.dma_semaphore, #tpu.memory_space<semaphore_mem>>)
          %dma_wait3A_68 = arith.constant 9984 : i32
          %dma_wait3A_69 = arith.constant 0 : i32
          %dma_wait3A_70 = tpu.memref_slice %arg16[%dma_wait3A_68, %dma_wait3A_69] : memref<10000x128xf32, #tpu.memory_space<vmem_shared>> -> memref<16x128xf32, #tpu.memory_space<vmem_shared>>
          %dma_wait3A_71 = arith.constant 9984 : i32
          %dma_wait3A_72 = arith.constant 0 : i32
          %dma_wait3A_73 = tpu.memref_slice %arg2[%dma_wait3A_71, %dma_wait3A_72] : memref<10000x128xf32, #tpu.memory_space<hbm>> -> memref<16x128xf32, #tpu.memory_space<hbm>>
          tpu.wait_dma2 semaphore(%run_scoped3A : memref<!tpu.dma_semaphore, #tpu.memory_space<semaphore_mem>>) src(%dma_wait3A_73 : memref<16x128xf32, #tpu.memory_space<hbm>>) dst(%dma_wait3A_70 : memref<16x128xf32, #tpu.memory_space<vmem_shared>>)
          tpu.yield
        }) : () -> ()
      } else {
      }
    } else {
    }
    %ne3A = arith.constant 0 : i32
    %ne3A_3 = arith.cmpi ne, %arg0, %ne3A : i32
    %convert_element_type3A_4 = arith.extui %ne3A_3 : i1 to i32
    %cond3A_5 = arith.constant 0 : i32
    %cond3A_6 = arith.cmpi ne, %convert_element_type3A_4, %cond3A_5 : i32
    scf.if %cond3A_6 {
      "tpu.region"() ({
        %run_scoped3A = tpu.sem_alloc : memref<!tpu.dma_semaphore, #tpu.memory_space<semaphore_mem>>
        %dma_start3A_62 = arith.constant 0 : i32
        %dma_start3A_63 = tpu.memref_slice %arg16[%mul3A_0, %dma_start3A_62] : memref<10000x128xf32, #tpu.memory_space<vmem_shared>> -> memref<624x128xf32, #tpu.memory_space<vmem_shared>>
        %dma_start3A_64 = arith.constant 0 : i32
        %dma_start3A_65 = tpu.memref_slice %arg3[%mul3A_0, %dma_start3A_64] : memref<10000x128xf32, #tpu.memory_space<hbm>> -> memref<624x128xf32, #tpu.memory_space<hbm>>
        tpu.enqueue_dma source(%dma_start3A_65 : memref<624x128xf32, #tpu.memory_space<hbm>>) target(%dma_start3A_63 : memref<624x128xf32, #tpu.memory_space<vmem_shared>>) target_semaphore(%run_scoped3A : memref<!tpu.dma_semaphore, #tpu.memory_space<semaphore_mem>>)
        %dma_wait3A_66 = arith.constant 0 : i32
        %dma_wait3A_67 = tpu.memref_slice %arg16[%mul3A_0, %dma_wait3A_66] : memref<10000x128xf32, #tpu.memory_space<vmem_shared>> -> memref<624x128xf32, #tpu.memory_space<vmem_shared>>
        %dma_wait3A_68 = arith.constant 0 : i32
        %dma_wait3A_69 = tpu.memref_slice %arg3[%mul3A_0, %dma_wait3A_68] : memref<10000x128xf32, #tpu.memory_space<hbm>> -> memref<624x128xf32, #tpu.memory_space<hbm>>
        tpu.wait_dma2 semaphore(%run_scoped3A : memref<!tpu.dma_semaphore, #tpu.memory_space<semaphore_mem>>) src(%dma_wait3A_69 : memref<624x128xf32, #tpu.memory_space<hbm>>) dst(%dma_wait3A_67 : memref<624x128xf32, #tpu.memory_space<vmem_shared>>)
        tpu.yield
      }) : () -> ()
      %eq3A_57 = arith.constant 15 : i32
      %eq3A_58 = arith.cmpi eq, %arg1, %eq3A_57 : i32
      %convert_element_type3A_59 = arith.extui %eq3A_58 : i1 to i32
      %cond3A_60 = arith.constant 0 : i32
      %cond3A_61 = arith.cmpi ne, %convert_element_type3A_59, %cond3A_60 : i32
      scf.if %cond3A_61 {
        "tpu.region"() ({
          %run_scoped3A = tpu.sem_alloc : memref<!tpu.dma_semaphore, #tpu.memory_space<semaphore_mem>>
          %dma_start3A_62 = arith.constant 9984 : i32
          %dma_start3A_63 = arith.constant 0 : i32
          %dma_start3A_64 = tpu.memref_slice %arg16[%dma_start3A_62, %dma_start3A_63] : memref<10000x128xf32, #tpu.memory_space<vmem_shared>> -> memref<16x128xf32, #tpu.memory_space<vmem_shared>>
          %dma_start3A_65 = arith.constant 9984 : i32
          %dma_start3A_66 = arith.constant 0 : i32
          %dma_start3A_67 = tpu.memref_slice %arg3[%dma_start3A_65, %dma_start3A_66] : memref<10000x128xf32, #tpu.memory_space<hbm>> -> memref<16x128xf32, #tpu.memory_space<hbm>>
          tpu.enqueue_dma source(%dma_start3A_67 : memref<16x128xf32, #tpu.memory_space<hbm>>) target(%dma_start3A_64 : memref<16x128xf32, #tpu.memory_space<vmem_shared>>) target_semaphore(%run_scoped3A : memref<!tpu.dma_semaphore, #tpu.memory_space<semaphore_mem>>)
          %dma_wait3A_68 = arith.constant 9984 : i32
          %dma_wait3A_69 = arith.constant 0 : i32
          %dma_wait3A_70 = tpu.memref_slice %arg16[%dma_wait3A_68, %dma_wait3A_69] : memref<10000x128xf32, #tpu.memory_space<vmem_shared>> -> memref<16x128xf32, #tpu.memory_space<vmem_shared>>
          %dma_wait3A_71 = arith.constant 9984 : i32
          %dma_wait3A_72 = arith.constant 0 : i32
          %dma_wait3A_73 = tpu.memref_slice %arg3[%dma_wait3A_71, %dma_wait3A_72] : memref<10000x128xf32, #tpu.memory_space<hbm>> -> memref<16x128xf32, #tpu.memory_space<hbm>>
          tpu.wait_dma2 semaphore(%run_scoped3A : memref<!tpu.dma_semaphore, #tpu.memory_space<semaphore_mem>>) src(%dma_wait3A_73 : memref<16x128xf32, #tpu.memory_space<hbm>>) dst(%dma_wait3A_70 : memref<16x128xf32, #tpu.memory_space<vmem_shared>>)
          tpu.yield
        }) : () -> ()
      } else {
      }
    } else {
    }
    %barrier3A = arith.constant 0 : index
    tpu.barrier barrier_id(%barrier3A)
    %mul3A_7 = arith.constant 16 : i32
    %mul3A_8 = arith.muli %arg0, %mul3A_7 : i32
    %add3A = arith.addi %mul3A_8, %arg1 : i32
    %mul3A_9 = arith.constant 20000 : i32
    %mul3A_10 = arith.muli %add3A, %mul3A_9 : i32
    %add3A_11 = arith.constant 0 : i32
    %add3A_12 = arith.addi %mul3A_10, %add3A_11 : i32
    %dma_start3A = tpu.memref_slice %arg4[%add3A_12] : memref<640000xi32, #tpu.memory_space<hbm>> -> memref<80xi32, #tpu.memory_space<hbm>>
    %dma_start3A_13 = tpu.memref_slice %arg4[%add3A_12] : memref<640000xi32, #tpu.memory_space<hbm>> -> memref<80xi32, #tpu.memory_space<hbm>>
    tpu.enqueue_dma source(%dma_start3A_13 : memref<80xi32, #tpu.memory_space<hbm>>) target(%arg8 : memref<80xi32, #tpu.memory_space<vmem>>) target_semaphore(%arg17 : memref<!tpu.dma_semaphore, #tpu.memory_space<semaphore_mem>>)
    %dma_start3A_14 = tpu.memref_slice %arg5[%add3A_12] : memref<640000xi32, #tpu.memory_space<hbm>> -> memref<80xi32, #tpu.memory_space<hbm>>
    %dma_start3A_15 = tpu.memref_slice %arg5[%add3A_12] : memref<640000xi32, #tpu.memory_space<hbm>> -> memref<80xi32, #tpu.memory_space<hbm>>
    tpu.enqueue_dma source(%dma_start3A_15 : memref<80xi32, #tpu.memory_space<hbm>>) target(%arg10 : memref<80xi32, #tpu.memory_space<vmem>>) target_semaphore(%arg17 : memref<!tpu.dma_semaphore, #tpu.memory_space<semaphore_mem>>)
    %dma_start3A_16 = arith.constant 0 : i32
    %dma_start3A_17 = tpu.memref_slice %arg6[%add3A_12, %dma_start3A_16] : memref<640000x128xf32, #tpu.memory_space<hbm>> -> memref<80x128xf32, #tpu.memory_space<hbm>>
    %dma_start3A_18 = arith.constant 0 : i32
    %dma_start3A_19 = tpu.memref_slice %arg6[%add3A_12, %dma_start3A_18] : memref<640000x128xf32, #tpu.memory_space<hbm>> -> memref<80x128xf32, #tpu.memory_space<hbm>>
    tpu.enqueue_dma source(%dma_start3A_19 : memref<80x128xf32, #tpu.memory_space<hbm>>) target(%arg12 : memref<80x128xf32, #tpu.memory_space<vmem>>) target_semaphore(%arg17 : memref<!tpu.dma_semaphore, #tpu.memory_space<semaphore_mem>>)
    %add3A_20 = arith.constant 80 : i32
    %add3A_21 = arith.addi %mul3A_10, %add3A_20 : i32
    %dma_start3A_22 = tpu.memref_slice %arg4[%add3A_21] : memref<640000xi32, #tpu.memory_space<hbm>> -> memref<80xi32, #tpu.memory_space<hbm>>
    %dma_start3A_23 = tpu.memref_slice %arg4[%add3A_21] : memref<640000xi32, #tpu.memory_space<hbm>> -> memref<80xi32, #tpu.memory_space<hbm>>
    tpu.enqueue_dma source(%dma_start3A_23 : memref<80xi32, #tpu.memory_space<hbm>>) target(%arg9 : memref<80xi32, #tpu.memory_space<vmem>>) target_semaphore(%arg18 : memref<!tpu.dma_semaphore, #tpu.memory_space<semaphore_mem>>)
    %dma_start3A_24 = tpu.memref_slice %arg5[%add3A_21] : memref<640000xi32, #tpu.memory_space<hbm>> -> memref<80xi32, #tpu.memory_space<hbm>>
    %dma_start3A_25 = tpu.memref_slice %arg5[%add3A_21] : memref<640000xi32, #tpu.memory_space<hbm>> -> memref<80xi32, #tpu.memory_space<hbm>>
    tpu.enqueue_dma source(%dma_start3A_25 : memref<80xi32, #tpu.memory_space<hbm>>) target(%arg11 : memref<80xi32, #tpu.memory_space<vmem>>) target_semaphore(%arg18 : memref<!tpu.dma_semaphore, #tpu.memory_space<semaphore_mem>>)
    %dma_start3A_26 = arith.constant 0 : i32
    %dma_start3A_27 = tpu.memref_slice %arg6[%add3A_21, %dma_start3A_26] : memref<640000x128xf32, #tpu.memory_space<hbm>> -> memref<80x128xf32, #tpu.memory_space<hbm>>
    %dma_start3A_28 = arith.constant 0 : i32
    %dma_start3A_29 = tpu.memref_slice %arg6[%add3A_21, %dma_start3A_28] : memref<640000x128xf32, #tpu.memory_space<hbm>> -> memref<80x128xf32, #tpu.memory_space<hbm>>
    tpu.enqueue_dma source(%dma_start3A_29 : memref<80x128xf32, #tpu.memory_space<hbm>>) target(%arg13 : memref<80x128xf32, #tpu.memory_space<vmem>>) target_semaphore(%arg18 : memref<!tpu.dma_semaphore, #tpu.memory_space<semaphore_mem>>)
    %dma_wait3A = arith.constant 0 : i32
    %dma_wait3A_30 = tpu.memref_slice %arg4[%dma_wait3A] : memref<640000xi32, #tpu.memory_space<hbm>> -> memref<80xi32, #tpu.memory_space<hbm>>
    %dma_wait3A_31 = arith.constant 0 : i32
    %dma_wait3A_32 = tpu.memref_slice %arg4[%dma_wait3A_31] : memref<640000xi32, #tpu.memory_space<hbm>> -> memref<80xi32, #tpu.memory_space<hbm>>
    tpu.wait_dma2 semaphore(%arg17 : memref<!tpu.dma_semaphore, #tpu.memory_space<semaphore_mem>>) src(%dma_wait3A_32 : memref<80xi32, #tpu.memory_space<hbm>>) dst(%arg8 : memref<80xi32, #tpu.memory_space<vmem>>)
    %dma_wait3A_33 = arith.constant 0 : i32
    %dma_wait3A_34 = tpu.memref_slice %arg5[%dma_wait3A_33] : memref<640000xi32, #tpu.memory_space<hbm>> -> memref<80xi32, #tpu.memory_space<hbm>>
    %dma_wait3A_35 = arith.constant 0 : i32
    %dma_wait3A_36 = tpu.memref_slice %arg5[%dma_wait3A_35] : memref<640000xi32, #tpu.memory_space<hbm>> -> memref<80xi32, #tpu.memory_space<hbm>>
    tpu.wait_dma2 semaphore(%arg17 : memref<!tpu.dma_semaphore, #tpu.memory_space<semaphore_mem>>) src(%dma_wait3A_36 : memref<80xi32, #tpu.memory_space<hbm>>) dst(%arg10 : memref<80xi32, #tpu.memory_space<vmem>>)
    %dma_wait3A_37 = arith.constant 0 : i32
    %dma_wait3A_38 = arith.constant 0 : i32
    %dma_wait3A_39 = tpu.memref_slice %arg6[%dma_wait3A_37, %dma_wait3A_38] : memref<640000x128xf32, #tpu.memory_space<hbm>> -> memref<80x128xf32, #tpu.memory_space<hbm>>
    %dma_wait3A_40 = arith.constant 0 : i32
    %dma_wait3A_41 = arith.constant 0 : i32
    %dma_wait3A_42 = tpu.memref_slice %arg6[%dma_wait3A_40, %dma_wait3A_41] : memref<640000x128xf32, #tpu.memory_space<hbm>> -> memref<80x128xf32, #tpu.memory_space<hbm>>
    tpu.wait_dma2 semaphore(%arg17 : memref<!tpu.dma_semaphore, #tpu.memory_space<semaphore_mem>>) src(%dma_wait3A_42 : memref<80x128xf32, #tpu.memory_space<hbm>>) dst(%arg12 : memref<80x128xf32, #tpu.memory_space<vmem>>)
    %dma_start3A_43 = arith.constant 0 : i32
    %dma_start3A_44 = arith.constant 0 : i32
    %dma_start3A_45 = tpu.memref_slice %arg2[%dma_start3A_43, %dma_start3A_44] : memref<10000x128xf32, #tpu.memory_space<hbm>> -> memref<10000x128xf32, #tpu.memory_space<hbm>>
    tpu.enqueue_indirect_dma source(%dma_start3A_45 : memref<10000x128xf32, #tpu.memory_space<hbm>>) target(%arg14 : memref<80x128xf32, #tpu.memory_space<vmem>>) offsets(%arg8 : memref<80xi32, #tpu.memory_space<vmem>>) semaphore(%arg19 : memref<!tpu.dma_semaphore, #tpu.memory_space<semaphore_mem>>)
    %scan3A = arith.constant 0 : i32
    %scan3A_46 = arith.constant 0 : i32
    %scan3A_47 = arith.constant 125 : i32
    %scan3A_48 = arith.addi %scan3A_46, %scan3A_47 : i32
    %scan3A_49 = arith.constant 1 : i32
    scf.for %scan3A_57 = %scan3A_46 to %scan3A_48 step %scan3A_49  : i32 {
      %mul3A_58 = arith.constant 2 : i32
      %mul3A_59 = arith.muli %mul3A_58, %scan3A_57 : i32
      %dma_wait3A_60 = arith.constant 0 : i32
      %dma_wait3A_61 = arith.constant 0 : i32
      %dma_wait3A_62 = tpu.memref_slice %arg2[%dma_wait3A_60, %dma_wait3A_61] : memref<10000x128xf32, #tpu.memory_space<hbm>> -> memref<10000x128xf32, #tpu.memory_space<hbm>>
      tpu.wait_indirect_dma semaphore(%arg19 : memref<!tpu.dma_semaphore, #tpu.memory_space<semaphore_mem>>) src(%dma_wait3A_62 : memref<10000x128xf32, #tpu.memory_space<hbm>>) dst(%arg14 : memref<80x128xf32, #tpu.memory_space<vmem>>)
      %parallel_loop3A = arith.constant 0 : i32
      %parallel_loop3A_63 = arith.constant 80 : i32
      %parallel_loop3A_64 = arith.constant 1 : i32
      scf.for %parallel_loop3A_102 = %parallel_loop3A to %parallel_loop3A_63 step %parallel_loop3A_64  : i32 {
        %parallel_loop3A_103 = arith.index_cast %parallel_loop3A_102 : i32 to index
        %parallel_loop3A_104 = arith.constant 0 : index
        %parallel_loop3A_105 = tpu.vector_load %arg12[%parallel_loop3A_103, %parallel_loop3A_104] {strides = array<i32>} : memref<80x128xf32, #tpu.memory_space<vmem>>, vector<1x16xf32>,
        %parallel_loop3A_106 = vector.shape_cast %parallel_loop3A_105 : vector<1x16xf32> to vector<16xf32>
        %parallel_loop3A_107 = arith.index_cast %parallel_loop3A_102 : i32 to index
        %parallel_loop3A_108 = arith.constant 0 : index
        %parallel_loop3A_109 = tpu.vector_load %arg14[%parallel_loop3A_107, %parallel_loop3A_108] {strides = array<i32>} : memref<80x128xf32, #tpu.memory_space<vmem>>, vector<1x16xf32>,
        %parallel_loop3A_110 = vector.shape_cast %parallel_loop3A_109 : vector<1x16xf32> to vector<16xf32>
        %parallel_loop3A_111 = arith.addf %parallel_loop3A_110, %parallel_loop3A_106 : vector<16xf32>
        %parallel_loop3A_112 = arith.constant 0.000000e+00 : f32
        %parallel_loop3A_113 = vector.broadcast %parallel_loop3A_112 : f32 to vector<16xf32>
        %parallel_loop3A_114 = arith.maximumf %parallel_loop3A_111, %parallel_loop3A_113 : vector<16xf32>
        %parallel_loop3A_115 = arith.index_cast %parallel_loop3A_102 : i32 to index
        %parallel_loop3A_116 = arith.constant 0 : index
        %parallel_loop3A_117 = tpu.vector_load %arg14[%parallel_loop3A_115, %parallel_loop3A_116] {strides = array<i32>} : memref<80x128xf32, #tpu.memory_space<vmem>>, vector<1x16xf32>,
        %parallel_loop3A_118 = vector.shape_cast %parallel_loop3A_117 : vector<1x16xf32> to vector<16xf32>
        %parallel_loop3A_119 = vector.shape_cast %parallel_loop3A_114 : vector<16xf32> to vector<1x16xf32>
        tpu.vector_store %arg14[%parallel_loop3A_115, %parallel_loop3A_116], %parallel_loop3A_119 {strides = array<i32>} : memref<80x128xf32, #tpu.memory_space<vmem>>, vector<1x16xf32>,
        %parallel_loop3A_120 = arith.index_cast %parallel_loop3A_102 : i32 to index
        %parallel_loop3A_121 = arith.constant 16 : index
        %parallel_loop3A_122 = tpu.vector_load %arg12[%parallel_loop3A_120, %parallel_loop3A_121] {strides = array<i32>} : memref<80x128xf32, #tpu.memory_space<vmem>>, vector<1x16xf32>,
        %parallel_loop3A_123 = vector.shape_cast %parallel_loop3A_122 : vector<1x16xf32> to vector<16xf32>
        %parallel_loop3A_124 = arith.index_cast %parallel_loop3A_102 : i32 to index
        %parallel_loop3A_125 = arith.constant 16 : index
        %parallel_loop3A_126 = tpu.vector_load %arg14[%parallel_loop3A_124, %parallel_loop3A_125] {strides = array<i32>} : memref<80x128xf32, #tpu.memory_space<vmem>>, vector<1x16xf32>,
        %parallel_loop3A_127 = vector.shape_cast %parallel_loop3A_126 : vector<1x16xf32> to vector<16xf32>
        %parallel_loop3A_128 = arith.addf %parallel_loop3A_127, %parallel_loop3A_123 : vector<16xf32>
        %parallel_loop3A_129 = arith.constant 0.000000e+00 : f32
        %parallel_loop3A_130 = vector.broadcast %parallel_loop3A_129 : f32 to vector<16xf32>
        %parallel_loop3A_131 = arith.maximumf %parallel_loop3A_128, %parallel_loop3A_130 : vector<16xf32>
        %parallel_loop3A_132 = arith.index_cast %parallel_loop3A_102 : i32 to index
        %parallel_loop3A_133 = arith.constant 16 : index
        %parallel_loop3A_134 = tpu.vector_load %arg14[%parallel_loop3A_132, %parallel_loop3A_133] {strides = array<i32>} : memref<80x128xf32, #tpu.memory_space<vmem>>, vector<1x16xf32>,
        %parallel_loop3A_135 = vector.shape_cast %parallel_loop3A_134 : vector<1x16xf32> to vector<16xf32>
        %parallel_loop3A_136 = vector.shape_cast %parallel_loop3A_131 : vector<16xf32> to vector<1x16xf32>
        tpu.vector_store %arg14[%parallel_loop3A_132, %parallel_loop3A_133], %parallel_loop3A_136 {strides = array<i32>} : memref<80x128xf32, #tpu.memory_space<vmem>>, vector<1x16xf32>,
        %parallel_loop3A_137 = arith.index_cast %parallel_loop3A_102 : i32 to index
        %parallel_loop3A_138 = arith.constant 32 : index
        %parallel_loop3A_139 = tpu.vector_load %arg12[%parallel_loop3A_137, %parallel_loop3A_138] {strides = array<i32>} : memref<80x128xf32, #tpu.memory_space<vmem>>, vector<1x16xf32>,
        %parallel_loop3A_140 = vector.shape_cast %parallel_loop3A_139 : vector<1x16xf32> to vector<16xf32>
        %parallel_loop3A_141 = arith.index_cast %parallel_loop3A_102 : i32 to index
        %parallel_loop3A_142 = arith.constant 32 : index
        %parallel_loop3A_143 = tpu.vector_load %arg14[%parallel_loop3A_141, %parallel_loop3A_142] {strides = array<i32>} : memref<80x128xf32, #tpu.memory_space<vmem>>, vector<1x16xf32>,
        %parallel_loop3A_144 = vector.shape_cast %parallel_loop3A_143 : vector<1x16xf32> to vector<16xf32>
        %parallel_loop3A_145 = arith.addf %parallel_loop3A_144, %parallel_loop3A_140 : vector<16xf32>
        %parallel_loop3A_146 = arith.constant 0.000000e+00 : f32
        %parallel_loop3A_147 = vector.broadcast %parallel_loop3A_146 : f32 to vector<16xf32>
        %parallel_loop3A_148 = arith.maximumf %parallel_loop3A_145, %parallel_loop3A_147 : vector<16xf32>
        %parallel_loop3A_149 = arith.index_cast %parallel_loop3A_102 : i32 to index
        %parallel_loop3A_150 = arith.constant 32 : index
        %parallel_loop3A_151 = tpu.vector_load %arg14[%parallel_loop3A_149, %parallel_loop3A_150] {strides = array<i32>} : memref<80x128xf32, #tpu.memory_space<vmem>>, vector<1x16xf32>,
        %parallel_loop3A_152 = vector.shape_cast %parallel_loop3A_151 : vector<1x16xf32> to vector<16xf32>
        %parallel_loop3A_153 = vector.shape_cast %parallel_loop3A_148 : vector<16xf32> to vector<1x16xf32>
        tpu.vector_store %arg14[%parallel_loop3A_149, %parallel_loop3A_150], %parallel_loop3A_153 {strides = array<i32>} : memref<80x128xf32, #tpu.memory_space<vmem>>, vector<1x16xf32>,
        %parallel_loop3A_154 = arith.index_cast %parallel_loop3A_102 : i32 to index
        %parallel_loop3A_155 = arith.constant 48 : index
        %parallel_loop3A_156 = tpu.vector_load %arg12[%parallel_loop3A_154, %parallel_loop3A_155] {strides = array<i32>} : memref<80x128xf32, #tpu.memory_space<vmem>>, vector<1x16xf32>,
        %parallel_loop3A_157 = vector.shape_cast %parallel_loop3A_156 : vector<1x16xf32> to vector<16xf32>
        %parallel_loop3A_158 = arith.index_cast %parallel_loop3A_102 : i32 to index
        %parallel_loop3A_159 = arith.constant 48 : index
        %parallel_loop3A_160 = tpu.vector_load %arg14[%parallel_loop3A_158, %parallel_loop3A_159] {strides = array<i32>} : memref<80x128xf32, #tpu.memory_space<vmem>>, vector<1x16xf32>,
        %parallel_loop3A_161 = vector.shape_cast %parallel_loop3A_160 : vector<1x16xf32> to vector<16xf32>
        %parallel_loop3A_162 = arith.addf %parallel_loop3A_161, %parallel_loop3A_157 : vector<16xf32>
        %parallel_loop3A_163 = arith.constant 0.000000e+00 : f32
        %parallel_loop3A_164 = vector.broadcast %parallel_loop3A_163 : f32 to vector<16xf32>
        %parallel_loop3A_165 = arith.maximumf %parallel_loop3A_162, %parallel_loop3A_164 : vector<16xf32>
        %parallel_loop3A_166 = arith.index_cast %parallel_loop3A_102 : i32 to index
        %parallel_loop3A_167 = arith.constant 48 : index
        %parallel_loop3A_168 = tpu.vector_load %arg14[%parallel_loop3A_166, %parallel_loop3A_167] {strides = array<i32>} : memref<80x128xf32, #tpu.memory_space<vmem>>, vector<1x16xf32>,
        %parallel_loop3A_169 = vector.shape_cast %parallel_loop3A_168 : vector<1x16xf32> to vector<16xf32>
        %parallel_loop3A_170 = vector.shape_cast %parallel_loop3A_165 : vector<16xf32> to vector<1x16xf32>
        tpu.vector_store %arg14[%parallel_loop3A_166, %parallel_loop3A_167], %parallel_loop3A_170 {strides = array<i32>} : memref<80x128xf32, #tpu.memory_space<vmem>>, vector<1x16xf32>,
        %parallel_loop3A_171 = arith.index_cast %parallel_loop3A_102 : i32 to index
        %parallel_loop3A_172 = arith.constant 64 : index
        %parallel_loop3A_173 = tpu.vector_load %arg12[%parallel_loop3A_171, %parallel_loop3A_172] {strides = array<i32>} : memref<80x128xf32, #tpu.memory_space<vmem>>, vector<1x16xf32>,
        %parallel_loop3A_174 = vector.shape_cast %parallel_loop3A_173 : vector<1x16xf32> to vector<16xf32>
        %parallel_loop3A_175 = arith.index_cast %parallel_loop3A_102 : i32 to index
        %parallel_loop3A_176 = arith.constant 64 : index
        %parallel_loop3A_177 = tpu.vector_load %arg14[%parallel_loop3A_175, %parallel_loop3A_176] {strides = array<i32>} : memref<80x128xf32, #tpu.memory_space<vmem>>, vector<1x16xf32>,
        %parallel_loop3A_178 = vector.shape_cast %parallel_loop3A_177 : vector<1x16xf32> to vector<16xf32>
        %parallel_loop3A_179 = arith.addf %parallel_loop3A_178, %parallel_loop3A_174 : vector<16xf32>
        %parallel_loop3A_180 = arith.constant 0.000000e+00 : f32
        %parallel_loop3A_181 = vector.broadcast %parallel_loop3A_180 : f32 to vector<16xf32>
        %parallel_loop3A_182 = arith.maximumf %parallel_loop3A_179, %parallel_loop3A_181 : vector<16xf32>
        %parallel_loop3A_183 = arith.index_cast %parallel_loop3A_102 : i32 to index
        %parallel_loop3A_184 = arith.constant 64 : index
        %parallel_loop3A_185 = tpu.vector_load %arg14[%parallel_loop3A_183, %parallel_loop3A_184] {strides = array<i32>} : memref<80x128xf32, #tpu.memory_space<vmem>>, vector<1x16xf32>,
        %parallel_loop3A_186 = vector.shape_cast %parallel_loop3A_185 : vector<1x16xf32> to vector<16xf32>
        %parallel_loop3A_187 = vector.shape_cast %parallel_loop3A_182 : vector<16xf32> to vector<1x16xf32>
        tpu.vector_store %arg14[%parallel_loop3A_183, %parallel_loop3A_184], %parallel_loop3A_187 {strides = array<i32>} : memref<80x128xf32, #tpu.memory_space<vmem>>, vector<1x16xf32>,
        %parallel_loop3A_188 = arith.index_cast %parallel_loop3A_102 : i32 to index
        %parallel_loop3A_189 = arith.constant 80 : index
        %parallel_loop3A_190 = tpu.vector_load %arg12[%parallel_loop3A_188, %parallel_loop3A_189] {strides = array<i32>} : memref<80x128xf32, #tpu.memory_space<vmem>>, vector<1x16xf32>,
        %parallel_loop3A_191 = vector.shape_cast %parallel_loop3A_190 : vector<1x16xf32> to vector<16xf32>
        %parallel_loop3A_192 = arith.index_cast %parallel_loop3A_102 : i32 to index
        %parallel_loop3A_193 = arith.constant 80 : index
        %parallel_loop3A_194 = tpu.vector_load %arg14[%parallel_loop3A_192, %parallel_loop3A_193] {strides = array<i32>} : memref<80x128xf32, #tpu.memory_space<vmem>>, vector<1x16xf32>,
        %parallel_loop3A_195 = vector.shape_cast %parallel_loop3A_194 : vector<1x16xf32> to vector<16xf32>
        %parallel_loop3A_196 = arith.addf %parallel_loop3A_195, %parallel_loop3A_191 : vector<16xf32>
        %parallel_loop3A_197 = arith.constant 0.000000e+00 : f32
        %parallel_loop3A_198 = vector.broadcast %parallel_loop3A_197 : f32 to vector<16xf32>
        %parallel_loop3A_199 = arith.maximumf %parallel_loop3A_196, %parallel_loop3A_198 : vector<16xf32>
        %parallel_loop3A_200 = arith.index_cast %parallel_loop3A_102 : i32 to index
        %parallel_loop3A_201 = arith.constant 80 : index
        %parallel_loop3A_202 = tpu.vector_load %arg14[%parallel_loop3A_200, %parallel_loop3A_201] {strides = array<i32>} : memref<80x128xf32, #tpu.memory_space<vmem>>, vector<1x16xf32>,
        %parallel_loop3A_203 = vector.shape_cast %parallel_loop3A_202 : vector<1x16xf32> to vector<16xf32>
        %parallel_loop3A_204 = vector.shape_cast %parallel_loop3A_199 : vector<16xf32> to vector<1x16xf32>
        tpu.vector_store %arg14[%parallel_loop3A_200, %parallel_loop3A_201], %parallel_loop3A_204 {strides = array<i32>} : memref<80x128xf32, #tpu.memory_space<vmem>>, vector<1x16xf32>,
        %parallel_loop3A_205 = arith.index_cast %parallel_loop3A_102 : i32 to index
        %parallel_loop3A_206 = arith.constant 96 : index
        %parallel_loop3A_207 = tpu.vector_load %arg12[%parallel_loop3A_205, %parallel_loop3A_206] {strides = array<i32>} : memref<80x128xf32, #tpu.memory_space<vmem>>, vector<1x16xf32>,
        %parallel_loop3A_208 = vector.shape_cast %parallel_loop3A_207 : vector<1x16xf32> to vector<16xf32>
        %parallel_loop3A_209 = arith.index_cast %parallel_loop3A_102 : i32 to index
        %parallel_loop3A_210 = arith.constant 96 : index
        %parallel_loop3A_211 = tpu.vector_load %arg14[%parallel_loop3A_209, %parallel_loop3A_210] {strides = array<i32>} : memref<80x128xf32, #tpu.memory_space<vmem>>, vector<1x16xf32>,
        %parallel_loop3A_212 = vector.shape_cast %parallel_loop3A_211 : vector<1x16xf32> to vector<16xf32>
        %parallel_loop3A_213 = arith.addf %parallel_loop3A_212, %parallel_loop3A_208 : vector<16xf32>
        %parallel_loop3A_214 = arith.constant 0.000000e+00 : f32
        %parallel_loop3A_215 = vector.broadcast %parallel_loop3A_214 : f32 to vector<16xf32>
        %parallel_loop3A_216 = arith.maximumf %parallel_loop3A_213, %parallel_loop3A_215 : vector<16xf32>
        %parallel_loop3A_217 = arith.index_cast %parallel_loop3A_102 : i32 to index
        %parallel_loop3A_218 = arith.constant 96 : index
        %parallel_loop3A_219 = tpu.vector_load %arg14[%parallel_loop3A_217, %parallel_loop3A_218] {strides = array<i32>} : memref<80x128xf32, #tpu.memory_space<vmem>>, vector<1x16xf32>,
        %parallel_loop3A_220 = vector.shape_cast %parallel_loop3A_219 : vector<1x16xf32> to vector<16xf32>
        %parallel_loop3A_221 = vector.shape_cast %parallel_loop3A_216 : vector<16xf32> to vector<1x16xf32>
        tpu.vector_store %arg14[%parallel_loop3A_217, %parallel_loop3A_218], %parallel_loop3A_221 {strides = array<i32>} : memref<80x128xf32, #tpu.memory_space<vmem>>, vector<1x16xf32>,
      } {sc.loop_unroll_factor = 8 : i64, sc.parallel_access}
      "tpu.region"() ({
        %run_scoped3A = tpu.sem_alloc : memref<!tpu.dma_semaphore, #tpu.memory_space<semaphore_mem>>
        %dma_start3A_102 = arith.constant 0 : i32
        %dma_start3A_103 = arith.constant 0 : i32
        %dma_start3A_104 = tpu.memref_slice %arg16[%dma_start3A_102, %dma_start3A_103] : memref<10000x128xf32, #tpu.memory_space<vmem_shared>> -> memref<10000x128xf32, #tpu.memory_space<vmem_shared>>
        tpu.enqueue_indirect_dma source(%arg14 : memref<80x128xf32, #tpu.memory_space<vmem>>) target(%dma_start3A_104 : memref<10000x128xf32, #tpu.memory_space<vmem_shared>>) offsets(%arg10 : memref<80xi32, #tpu.memory_space<vmem>>) semaphore(%run_scoped3A : memref<!tpu.dma_semaphore, #tpu.memory_space<semaphore_mem>>) {add = true}
        %dma_wait3A_105 = arith.constant 0 : i32
        %dma_wait3A_106 = arith.constant 0 : i32
        %dma_wait3A_107 = tpu.memref_slice %arg16[%dma_wait3A_105, %dma_wait3A_106] : memref<10000x128xf32, #tpu.memory_space<vmem_shared>> -> memref<10000x128xf32, #tpu.memory_space<vmem_shared>>
        tpu.wait_indirect_dma semaphore(%run_scoped3A : memref<!tpu.dma_semaphore, #tpu.memory_space<semaphore_mem>>) src(%arg14 : memref<80x128xf32, #tpu.memory_space<vmem>>) dst(%dma_wait3A_107 : memref<10000x128xf32, #tpu.memory_space<vmem_shared>>)
        tpu.yield
      }) : () -> ()
      %add3A_65 = arith.constant 1 : i32
      %add3A_66 = arith.addi %mul3A_59, %add3A_65 : i32
      %lt3A = arith.constant 250 : i32
      %lt3A_67 = arith.cmpi slt, %add3A_66, %lt3A : i32
      %convert_element_type3A_68 = arith.extui %lt3A_67 : i1 to i32
      %cond3A_69 = arith.constant 0 : i32
      %cond3A_70 = arith.cmpi ne, %convert_element_type3A_68, %cond3A_69 : i32
      scf.if %cond3A_70 {
        %dma_wait3A_102 = arith.constant 0 : i32
        %dma_wait3A_103 = tpu.memref_slice %arg4[%dma_wait3A_102] : memref<640000xi32, #tpu.memory_space<hbm>> -> memref<80xi32, #tpu.memory_space<hbm>>
        %dma_wait3A_104 = arith.constant 0 : i32
        %dma_wait3A_105 = tpu.memref_slice %arg4[%dma_wait3A_104] : memref<640000xi32, #tpu.memory_space<hbm>> -> memref<80xi32, #tpu.memory_space<hbm>>
        tpu.wait_dma2 semaphore(%arg18 : memref<!tpu.dma_semaphore, #tpu.memory_space<semaphore_mem>>) src(%dma_wait3A_105 : memref<80xi32, #tpu.memory_space<hbm>>) dst(%arg9 : memref<80xi32, #tpu.memory_space<vmem>>)
        %dma_wait3A_106 = arith.constant 0 : i32
        %dma_wait3A_107 = tpu.memref_slice %arg5[%dma_wait3A_106] : memref<640000xi32, #tpu.memory_space<hbm>> -> memref<80xi32, #tpu.memory_space<hbm>>
        %dma_wait3A_108 = arith.constant 0 : i32
        %dma_wait3A_109 = tpu.memref_slice %arg5[%dma_wait3A_108] : memref<640000xi32, #tpu.memory_space<hbm>> -> memref<80xi32, #tpu.memory_space<hbm>>
        tpu.wait_dma2 semaphore(%arg18 : memref<!tpu.dma_semaphore, #tpu.memory_space<semaphore_mem>>) src(%dma_wait3A_109 : memref<80xi32, #tpu.memory_space<hbm>>) dst(%arg11 : memref<80xi32, #tpu.memory_space<vmem>>)
        %dma_wait3A_110 = arith.constant 0 : i32
        %dma_wait3A_111 = arith.constant 0 : i32
        %dma_wait3A_112 = tpu.memref_slice %arg6[%dma_wait3A_110, %dma_wait3A_111] : memref<640000x128xf32, #tpu.memory_space<hbm>> -> memref<80x128xf32, #tpu.memory_space<hbm>>
        %dma_wait3A_113 = arith.constant 0 : i32
        %dma_wait3A_114 = arith.constant 0 : i32
        %dma_wait3A_115 = tpu.memref_slice %arg6[%dma_wait3A_113, %dma_wait3A_114] : memref<640000x128xf32, #tpu.memory_space<hbm>> -> memref<80x128xf32, #tpu.memory_space<hbm>>
        tpu.wait_dma2 semaphore(%arg18 : memref<!tpu.dma_semaphore, #tpu.memory_space<semaphore_mem>>) src(%dma_wait3A_115 : memref<80x128xf32, #tpu.memory_space<hbm>>) dst(%arg13 : memref<80x128xf32, #tpu.memory_space<vmem>>)
        %dma_start3A_116 = arith.constant 0 : i32
        %dma_start3A_117 = arith.constant 0 : i32
        %dma_start3A_118 = tpu.memref_slice %arg2[%dma_start3A_116, %dma_start3A_117] : memref<10000x128xf32, #tpu.memory_space<hbm>> -> memref<10000x128xf32, #tpu.memory_space<hbm>>
        tpu.enqueue_indirect_dma source(%dma_start3A_118 : memref<10000x128xf32, #tpu.memory_space<hbm>>) target(%arg15 : memref<80x128xf32, #tpu.memory_space<vmem>>) offsets(%arg9 : memref<80xi32, #tpu.memory_space<vmem>>) semaphore(%arg20 : memref<!tpu.dma_semaphore, #tpu.memory_space<semaphore_mem>>)
      } else {
      }
      %add3A_71 = arith.constant 2 : i32
      %add3A_72 = arith.addi %mul3A_59, %add3A_71 : i32
      %lt3A_73 = arith.constant 250 : i32
      %lt3A_74 = arith.cmpi slt, %add3A_72, %lt3A_73 : i32
      %convert_element_type3A_75 = arith.extui %lt3A_74 : i1 to i32
      %cond3A_76 = arith.constant 0 : i32
      %cond3A_77 = arith.cmpi ne, %convert_element_type3A_75, %cond3A_76 : i32
      scf.if %cond3A_77 {
        %add3A_102 = arith.constant 2 : i32
        %add3A_103 = arith.addi %mul3A_59, %add3A_102 : i32
        %mul3A_104 = arith.constant 80 : i32
        %mul3A_105 = arith.muli %add3A_103, %mul3A_104 : i32
        %add3A_106 = arith.addi %mul3A_10, %mul3A_105 : i32
        %dma_start3A_107 = tpu.memref_slice %arg4[%add3A_106] : memref<640000xi32, #tpu.memory_space<hbm>> -> memref<80xi32, #tpu.memory_space<hbm>>
        %dma_start3A_108 = tpu.memref_slice %arg4[%add3A_106] : memref<640000xi32, #tpu.memory_space<hbm>> -> memref<80xi32, #tpu.memory_space<hbm>>
        tpu.enqueue_dma source(%dma_start3A_108 : memref<80xi32, #tpu.memory_space<hbm>>) target(%arg8 : memref<80xi32, #tpu.memory_space<vmem>>) target_semaphore(%arg17 : memref<!tpu.dma_semaphore, #tpu.memory_space<semaphore_mem>>)
        %dma_start3A_109 = tpu.memref_slice %arg5[%add3A_106] : memref<640000xi32, #tpu.memory_space<hbm>> -> memref<80xi32, #tpu.memory_space<hbm>>
        %dma_start3A_110 = tpu.memref_slice %arg5[%add3A_106] : memref<640000xi32, #tpu.memory_space<hbm>> -> memref<80xi32, #tpu.memory_space<hbm>>
        tpu.enqueue_dma source(%dma_start3A_110 : memref<80xi32, #tpu.memory_space<hbm>>) target(%arg10 : memref<80xi32, #tpu.memory_space<vmem>>) target_semaphore(%arg17 : memref<!tpu.dma_semaphore, #tpu.memory_space<semaphore_mem>>)
        %dma_start3A_111 = arith.constant 0 : i32
        %dma_start3A_112 = tpu.memref_slice %arg6[%add3A_106, %dma_start3A_111] : memref<640000x128xf32, #tpu.memory_space<hbm>> -> memref<80x128xf32, #tpu.memory_space<hbm>>
        %dma_start3A_113 = arith.constant 0 : i32
        %dma_start3A_114 = tpu.memref_slice %arg6[%add3A_106, %dma_start3A_113] : memref<640000x128xf32, #tpu.memory_space<hbm>> -> memref<80x128xf32, #tpu.memory_space<hbm>>
        tpu.enqueue_dma source(%dma_start3A_114 : memref<80x128xf32, #tpu.memory_space<hbm>>) target(%arg12 : memref<80x128xf32, #tpu.memory_space<vmem>>) target_semaphore(%arg17 : memref<!tpu.dma_semaphore, #tpu.memory_space<semaphore_mem>>)
      } else {
      }
      %mul3A_78 = arith.constant 2 : i32
      %mul3A_79 = arith.muli %mul3A_78, %scan3A_57 : i32
      %add3A_80 = arith.constant 1 : i32
      %add3A_81 = arith.addi %mul3A_79, %add3A_80 : i32
      %dma_wait3A_82 = arith.constant 0 : i32
      %dma_wait3A_83 = arith.constant 0 : i32
      %dma_wait3A_84 = tpu.memref_slice %arg2[%dma_wait3A_82, %dma_wait3A_83] : memref<10000x128xf32, #tpu.memory_space<hbm>> -> memref<10000x128xf32, #tpu.memory_space<hbm>>
      tpu.wait_indirect_dma semaphore(%arg20 : memref<!tpu.dma_semaphore, #tpu.memory_space<semaphore_mem>>) src(%dma_wait3A_84 : memref<10000x128xf32, #tpu.memory_space<hbm>>) dst(%arg15 : memref<80x128xf32, #tpu.memory_space<vmem>>)
      %parallel_loop3A_85 = arith.constant 0 : i32
      %parallel_loop3A_86 = arith.constant 80 : i32
      %parallel_loop3A_87 = arith.constant 1 : i32
      scf.for %parallel_loop3A_102 = %parallel_loop3A_85 to %parallel_loop3A_86 step %parallel_loop3A_87  : i32 {
        %parallel_loop3A_103 = arith.index_cast %parallel_loop3A_102 : i32 to index
        %parallel_loop3A_104 = arith.constant 0 : index
        %parallel_loop3A_105 = tpu.vector_load %arg13[%parallel_loop3A_103, %parallel_loop3A_104] {strides = array<i32>} : memref<80x128xf32, #tpu.memory_space<vmem>>, vector<1x16xf32>,
        %parallel_loop3A_106 = vector.shape_cast %parallel_loop3A_105 : vector<1x16xf32> to vector<16xf32>
        %parallel_loop3A_107 = arith.index_cast %parallel_loop3A_102 : i32 to index
        %parallel_loop3A_108 = arith.constant 0 : index
        %parallel_loop3A_109 = tpu.vector_load %arg15[%parallel_loop3A_107, %parallel_loop3A_108] {strides = array<i32>} : memref<80x128xf32, #tpu.memory_space<vmem>>, vector<1x16xf32>,
        %parallel_loop3A_110 = vector.shape_cast %parallel_loop3A_109 : vector<1x16xf32> to vector<16xf32>
        %parallel_loop3A_111 = arith.addf %parallel_loop3A_110, %parallel_loop3A_106 : vector<16xf32>
        %parallel_loop3A_112 = arith.constant 0.000000e+00 : f32
        %parallel_loop3A_113 = vector.broadcast %parallel_loop3A_112 : f32 to vector<16xf32>
        %parallel_loop3A_114 = arith.maximumf %parallel_loop3A_111, %parallel_loop3A_113 : vector<16xf32>
        %parallel_loop3A_115 = arith.index_cast %parallel_loop3A_102 : i32 to index
        %parallel_loop3A_116 = arith.constant 0 : index
        %parallel_loop3A_117 = tpu.vector_load %arg15[%parallel_loop3A_115, %parallel_loop3A_116] {strides = array<i32>} : memref<80x128xf32, #tpu.memory_space<vmem>>, vector<1x16xf32>,
        %parallel_loop3A_118 = vector.shape_cast %parallel_loop3A_117 : vector<1x16xf32> to vector<16xf32>
        %parallel_loop3A_119 = vector.shape_cast %parallel_loop3A_114 : vector<16xf32> to vector<1x16xf32>
        tpu.vector_store %arg15[%parallel_loop3A_115, %parallel_loop3A_116], %parallel_loop3A_119 {strides = array<i32>} : memref<80x128xf32, #tpu.memory_space<vmem>>, vector<1x16xf32>,
        %parallel_loop3A_120 = arith.index_cast %parallel_loop3A_102 : i32 to index
        %parallel_loop3A_121 = arith.constant 16 : index
        %parallel_loop3A_122 = tpu.vector_load %arg13[%parallel_loop3A_120, %parallel_loop3A_121] {strides = array<i32>} : memref<80x128xf32, #tpu.memory_space<vmem>>, vector<1x16xf32>,
        %parallel_loop3A_123 = vector.shape_cast %parallel_loop3A_122 : vector<1x16xf32> to vector<16xf32>
        %parallel_loop3A_124 = arith.index_cast %parallel_loop3A_102 : i32 to index
        %parallel_loop3A_125 = arith.constant 16 : index
        %parallel_loop3A_126 = tpu.vector_load %arg15[%parallel_loop3A_124, %parallel_loop3A_125] {strides = array<i32>} : memref<80x128xf32, #tpu.memory_space<vmem>>, vector<1x16xf32>,
        %parallel_loop3A_127 = vector.shape_cast %parallel_loop3A_126 : vector<1x16xf32> to vector<16xf32>
        %parallel_loop3A_128 = arith.addf %parallel_loop3A_127, %parallel_loop3A_123 : vector<16xf32>
        %parallel_loop3A_129 = arith.constant 0.000000e+00 : f32
        %parallel_loop3A_130 = vector.broadcast %parallel_loop3A_129 : f32 to vector<16xf32>
        %parallel_loop3A_131 = arith.maximumf %parallel_loop3A_128, %parallel_loop3A_130 : vector<16xf32>
        %parallel_loop3A_132 = arith.index_cast %parallel_loop3A_102 : i32 to index
        %parallel_loop3A_133 = arith.constant 16 : index
        %parallel_loop3A_134 = tpu.vector_load %arg15[%parallel_loop3A_132, %parallel_loop3A_133] {strides = array<i32>} : memref<80x128xf32, #tpu.memory_space<vmem>>, vector<1x16xf32>,
        %parallel_loop3A_135 = vector.shape_cast %parallel_loop3A_134 : vector<1x16xf32> to vector<16xf32>
        %parallel_loop3A_136 = vector.shape_cast %parallel_loop3A_131 : vector<16xf32> to vector<1x16xf32>
        tpu.vector_store %arg15[%parallel_loop3A_132, %parallel_loop3A_133], %parallel_loop3A_136 {strides = array<i32>} : memref<80x128xf32, #tpu.memory_space<vmem>>, vector<1x16xf32>,
        %parallel_loop3A_137 = arith.index_cast %parallel_loop3A_102 : i32 to index
        %parallel_loop3A_138 = arith.constant 32 : index
        %parallel_loop3A_139 = tpu.vector_load %arg13[%parallel_loop3A_137, %parallel_loop3A_138] {strides = array<i32>} : memref<80x128xf32, #tpu.memory_space<vmem>>, vector<1x16xf32>,
        %parallel_loop3A_140 = vector.shape_cast %parallel_loop3A_139 : vector<1x16xf32> to vector<16xf32>
        %parallel_loop3A_141 = arith.index_cast %parallel_loop3A_102 : i32 to index
        %parallel_loop3A_142 = arith.constant 32 : index
        %parallel_loop3A_143 = tpu.vector_load %arg15[%parallel_loop3A_141, %parallel_loop3A_142] {strides = array<i32>} : memref<80x128xf32, #tpu.memory_space<vmem>>, vector<1x16xf32>,
        %parallel_loop3A_144 = vector.shape_cast %parallel_loop3A_143 : vector<1x16xf32> to vector<16xf32>
        %parallel_loop3A_145 = arith.addf %parallel_loop3A_144, %parallel_loop3A_140 : vector<16xf32>
        %parallel_loop3A_146 = arith.constant 0.000000e+00 : f32
        %parallel_loop3A_147 = vector.broadcast %parallel_loop3A_146 : f32 to vector<16xf32>
        %parallel_loop3A_148 = arith.maximumf %parallel_loop3A_145, %parallel_loop3A_147 : vector<16xf32>
        %parallel_loop3A_149 = arith.index_cast %parallel_loop3A_102 : i32 to index
        %parallel_loop3A_150 = arith.constant 32 : index
        %parallel_loop3A_151 = tpu.vector_load %arg15[%parallel_loop3A_149, %parallel_loop3A_150] {strides = array<i32>} : memref<80x128xf32, #tpu.memory_space<vmem>>, vector<1x16xf32>,
        %parallel_loop3A_152 = vector.shape_cast %parallel_loop3A_151 : vector<1x16xf32> to vector<16xf32>
        %parallel_loop3A_153 = vector.shape_cast %parallel_loop3A_148 : vector<16xf32> to vector<1x16xf32>
        tpu.vector_store %arg15[%parallel_loop3A_149, %parallel_loop3A_150], %parallel_loop3A_153 {strides = array<i32>} : memref<80x128xf32, #tpu.memory_space<vmem>>, vector<1x16xf32>,
        %parallel_loop3A_154 = arith.index_cast %parallel_loop3A_102 : i32 to index
        %parallel_loop3A_155 = arith.constant 48 : index
        %parallel_loop3A_156 = tpu.vector_load %arg13[%parallel_loop3A_154, %parallel_loop3A_155] {strides = array<i32>} : memref<80x128xf32, #tpu.memory_space<vmem>>, vector<1x16xf32>,
        %parallel_loop3A_157 = vector.shape_cast %parallel_loop3A_156 : vector<1x16xf32> to vector<16xf32>
        %parallel_loop3A_158 = arith.index_cast %parallel_loop3A_102 : i32 to index
        %parallel_loop3A_159 = arith.constant 48 : index
        %parallel_loop3A_160 = tpu.vector_load %arg15[%parallel_loop3A_158, %parallel_loop3A_159] {strides = array<i32>} : memref<80x128xf32, #tpu.memory_space<vmem>>, vector<1x16xf32>,
        %parallel_loop3A_161 = vector.shape_cast %parallel_loop3A_160 : vector<1x16xf32> to vector<16xf32>
        %parallel_loop3A_162 = arith.addf %parallel_loop3A_161, %parallel_loop3A_157 : vector<16xf32>
        %parallel_loop3A_163 = arith.constant 0.000000e+00 : f32
        %parallel_loop3A_164 = vector.broadcast %parallel_loop3A_163 : f32 to vector<16xf32>
        %parallel_loop3A_165 = arith.maximumf %parallel_loop3A_162, %parallel_loop3A_164 : vector<16xf32>
        %parallel_loop3A_166 = arith.index_cast %parallel_loop3A_102 : i32 to index
        %parallel_loop3A_167 = arith.constant 48 : index
        %parallel_loop3A_168 = tpu.vector_load %arg15[%parallel_loop3A_166, %parallel_loop3A_167] {strides = array<i32>} : memref<80x128xf32, #tpu.memory_space<vmem>>, vector<1x16xf32>,
        %parallel_loop3A_169 = vector.shape_cast %parallel_loop3A_168 : vector<1x16xf32> to vector<16xf32>
        %parallel_loop3A_170 = vector.shape_cast %parallel_loop3A_165 : vector<16xf32> to vector<1x16xf32>
        tpu.vector_store %arg15[%parallel_loop3A_166, %parallel_loop3A_167], %parallel_loop3A_170 {strides = array<i32>} : memref<80x128xf32, #tpu.memory_space<vmem>>, vector<1x16xf32>,
        %parallel_loop3A_171 = arith.index_cast %parallel_loop3A_102 : i32 to index
        %parallel_loop3A_172 = arith.constant 64 : index
        %parallel_loop3A_173 = tpu.vector_load %arg13[%parallel_loop3A_171, %parallel_loop3A_172] {strides = array<i32>} : memref<80x128xf32, #tpu.memory_space<vmem>>, vector<1x16xf32>,
        %parallel_loop3A_174 = vector.shape_cast %parallel_loop3A_173 : vector<1x16xf32> to vector<16xf32>
        %parallel_loop3A_175 = arith.index_cast %parallel_loop3A_102 : i32 to index
        %parallel_loop3A_176 = arith.constant 64 : index
        %parallel_loop3A_177 = tpu.vector_load %arg15[%parallel_loop3A_175, %parallel_loop3A_176] {strides = array<i32>} : memref<80x128xf32, #tpu.memory_space<vmem>>, vector<1x16xf32>,
        %parallel_loop3A_178 = vector.shape_cast %parallel_loop3A_177 : vector<1x16xf32> to vector<16xf32>
        %parallel_loop3A_179 = arith.addf %parallel_loop3A_178, %parallel_loop3A_174 : vector<16xf32>
        %parallel_loop3A_180 = arith.constant 0.000000e+00 : f32
        %parallel_loop3A_181 = vector.broadcast %parallel_loop3A_180 : f32 to vector<16xf32>
        %parallel_loop3A_182 = arith.maximumf %parallel_loop3A_179, %parallel_loop3A_181 : vector<16xf32>
        %parallel_loop3A_183 = arith.index_cast %parallel_loop3A_102 : i32 to index
        %parallel_loop3A_184 = arith.constant 64 : index
        %parallel_loop3A_185 = tpu.vector_load %arg15[%parallel_loop3A_183, %parallel_loop3A_184] {strides = array<i32>} : memref<80x128xf32, #tpu.memory_space<vmem>>, vector<1x16xf32>,
        %parallel_loop3A_186 = vector.shape_cast %parallel_loop3A_185 : vector<1x16xf32> to vector<16xf32>
        %parallel_loop3A_187 = vector.shape_cast %parallel_loop3A_182 : vector<16xf32> to vector<1x16xf32>
        tpu.vector_store %arg15[%parallel_loop3A_183, %parallel_loop3A_184], %parallel_loop3A_187 {strides = array<i32>} : memref<80x128xf32, #tpu.memory_space<vmem>>, vector<1x16xf32>,
        %parallel_loop3A_188 = arith.index_cast %parallel_loop3A_102 : i32 to index
        %parallel_loop3A_189 = arith.constant 80 : index
        %parallel_loop3A_190 = tpu.vector_load %arg13[%parallel_loop3A_188, %parallel_loop3A_189] {strides = array<i32>} : memref<80x128xf32, #tpu.memory_space<vmem>>, vector<1x16xf32>,
        %parallel_loop3A_191 = vector.shape_cast %parallel_loop3A_190 : vector<1x16xf32> to vector<16xf32>
        %parallel_loop3A_192 = arith.index_cast %parallel_loop3A_102 : i32 to index
        %parallel_loop3A_193 = arith.constant 80 : index
        %parallel_loop3A_194 = tpu.vector_load %arg15[%parallel_loop3A_192, %parallel_loop3A_193] {strides = array<i32>} : memref<80x128xf32, #tpu.memory_space<vmem>>, vector<1x16xf32>,
        %parallel_loop3A_195 = vector.shape_cast %parallel_loop3A_194 : vector<1x16xf32> to vector<16xf32>
        %parallel_loop3A_196 = arith.addf %parallel_loop3A_195, %parallel_loop3A_191 : vector<16xf32>
        %parallel_loop3A_197 = arith.constant 0.000000e+00 : f32
        %parallel_loop3A_198 = vector.broadcast %parallel_loop3A_197 : f32 to vector<16xf32>
        %parallel_loop3A_199 = arith.maximumf %parallel_loop3A_196, %parallel_loop3A_198 : vector<16xf32>
        %parallel_loop3A_200 = arith.index_cast %parallel_loop3A_102 : i32 to index
        %parallel_loop3A_201 = arith.constant 80 : index
        %parallel_loop3A_202 = tpu.vector_load %arg15[%parallel_loop3A_200, %parallel_loop3A_201] {strides = array<i32>} : memref<80x128xf32, #tpu.memory_space<vmem>>, vector<1x16xf32>,
        %parallel_loop3A_203 = vector.shape_cast %parallel_loop3A_202 : vector<1x16xf32> to vector<16xf32>
        %parallel_loop3A_204 = vector.shape_cast %parallel_loop3A_199 : vector<16xf32> to vector<1x16xf32>
        tpu.vector_store %arg15[%parallel_loop3A_200, %parallel_loop3A_201], %parallel_loop3A_204 {strides = array<i32>} : memref<80x128xf32, #tpu.memory_space<vmem>>, vector<1x16xf32>,
        %parallel_loop3A_205 = arith.index_cast %parallel_loop3A_102 : i32 to index
        %parallel_loop3A_206 = arith.constant 96 : index
        %parallel_loop3A_207 = tpu.vector_load %arg13[%parallel_loop3A_205, %parallel_loop3A_206] {strides = array<i32>} : memref<80x128xf32, #tpu.memory_space<vmem>>, vector<1x16xf32>,
        %parallel_loop3A_208 = vector.shape_cast %parallel_loop3A_207 : vector<1x16xf32> to vector<16xf32>
        %parallel_loop3A_209 = arith.index_cast %parallel_loop3A_102 : i32 to index
        %parallel_loop3A_210 = arith.constant 96 : index
        %parallel_loop3A_211 = tpu.vector_load %arg15[%parallel_loop3A_209, %parallel_loop3A_210] {strides = array<i32>} : memref<80x128xf32, #tpu.memory_space<vmem>>, vector<1x16xf32>,
        %parallel_loop3A_212 = vector.shape_cast %parallel_loop3A_211 : vector<1x16xf32> to vector<16xf32>
        %parallel_loop3A_213 = arith.addf %parallel_loop3A_212, %parallel_loop3A_208 : vector<16xf32>
        %parallel_loop3A_214 = arith.constant 0.000000e+00 : f32
        %parallel_loop3A_215 = vector.broadcast %parallel_loop3A_214 : f32 to vector<16xf32>
        %parallel_loop3A_216 = arith.maximumf %parallel_loop3A_213, %parallel_loop3A_215 : vector<16xf32>
        %parallel_loop3A_217 = arith.index_cast %parallel_loop3A_102 : i32 to index
        %parallel_loop3A_218 = arith.constant 96 : index
        %parallel_loop3A_219 = tpu.vector_load %arg15[%parallel_loop3A_217, %parallel_loop3A_218] {strides = array<i32>} : memref<80x128xf32, #tpu.memory_space<vmem>>, vector<1x16xf32>,
        %parallel_loop3A_220 = vector.shape_cast %parallel_loop3A_219 : vector<1x16xf32> to vector<16xf32>
        %parallel_loop3A_221 = vector.shape_cast %parallel_loop3A_216 : vector<16xf32> to vector<1x16xf32>
        tpu.vector_store %arg15[%parallel_loop3A_217, %parallel_loop3A_218], %parallel_loop3A_221 {strides = array<i32>} : memref<80x128xf32, #tpu.memory_space<vmem>>, vector<1x16xf32>,
      } {sc.loop_unroll_factor = 8 : i64, sc.parallel_access}
      "tpu.region"() ({
        %run_scoped3A = tpu.sem_alloc : memref<!tpu.dma_semaphore, #tpu.memory_space<semaphore_mem>>
        %dma_start3A_102 = arith.constant 0 : i32
        %dma_start3A_103 = arith.constant 0 : i32
        %dma_start3A_104 = tpu.memref_slice %arg16[%dma_start3A_102, %dma_start3A_103] : memref<10000x128xf32, #tpu.memory_space<vmem_shared>> -> memref<10000x128xf32, #tpu.memory_space<vmem_shared>>
        tpu.enqueue_indirect_dma source(%arg15 : memref<80x128xf32, #tpu.memory_space<vmem>>) target(%dma_start3A_104 : memref<10000x128xf32, #tpu.memory_space<vmem_shared>>) offsets(%arg11 : memref<80xi32, #tpu.memory_space<vmem>>) semaphore(%run_scoped3A : memref<!tpu.dma_semaphore, #tpu.memory_space<semaphore_mem>>) {add = true}
        %dma_wait3A_105 = arith.constant 0 : i32
        %dma_wait3A_106 = arith.constant 0 : i32
        %dma_wait3A_107 = tpu.memref_slice %arg16[%dma_wait3A_105, %dma_wait3A_106] : memref<10000x128xf32, #tpu.memory_space<vmem_shared>> -> memref<10000x128xf32, #tpu.memory_space<vmem_shared>>
        tpu.wait_indirect_dma semaphore(%run_scoped3A : memref<!tpu.dma_semaphore, #tpu.memory_space<semaphore_mem>>) src(%arg15 : memref<80x128xf32, #tpu.memory_space<vmem>>) dst(%dma_wait3A_107 : memref<10000x128xf32, #tpu.memory_space<vmem_shared>>)
        tpu.yield
      }) : () -> ()
      %add3A_88 = arith.constant 1 : i32
      %add3A_89 = arith.addi %add3A_81, %add3A_88 : i32
      %lt3A_90 = arith.constant 250 : i32
      %lt3A_91 = arith.cmpi slt, %add3A_89, %lt3A_90 : i32
      %convert_element_type3A_92 = arith.extui %lt3A_91 : i1 to i32
      %cond3A_93 = arith.constant 0 : i32
      %cond3A_94 = arith.cmpi ne, %convert_element_type3A_92, %cond3A_93 : i32
      scf.if %cond3A_94 {
        %dma_wait3A_102 = arith.constant 0 : i32
        %dma_wait3A_103 = tpu.memref_slice %arg4[%dma_wait3A_102] : memref<640000xi32, #tpu.memory_space<hbm>> -> memref<80xi32, #tpu.memory_space<hbm>>
        %dma_wait3A_104 = arith.constant 0 : i32
        %dma_wait3A_105 = tpu.memref_slice %arg4[%dma_wait3A_104] : memref<640000xi32, #tpu.memory_space<hbm>> -> memref<80xi32, #tpu.memory_space<hbm>>
        tpu.wait_dma2 semaphore(%arg17 : memref<!tpu.dma_semaphore, #tpu.memory_space<semaphore_mem>>) src(%dma_wait3A_105 : memref<80xi32, #tpu.memory_space<hbm>>) dst(%arg8 : memref<80xi32, #tpu.memory_space<vmem>>)
        %dma_wait3A_106 = arith.constant 0 : i32
        %dma_wait3A_107 = tpu.memref_slice %arg5[%dma_wait3A_106] : memref<640000xi32, #tpu.memory_space<hbm>> -> memref<80xi32, #tpu.memory_space<hbm>>
        %dma_wait3A_108 = arith.constant 0 : i32
        %dma_wait3A_109 = tpu.memref_slice %arg5[%dma_wait3A_108] : memref<640000xi32, #tpu.memory_space<hbm>> -> memref<80xi32, #tpu.memory_space<hbm>>
        tpu.wait_dma2 semaphore(%arg17 : memref<!tpu.dma_semaphore, #tpu.memory_space<semaphore_mem>>) src(%dma_wait3A_109 : memref<80xi32, #tpu.memory_space<hbm>>) dst(%arg10 : memref<80xi32, #tpu.memory_space<vmem>>)
        %dma_wait3A_110 = arith.constant 0 : i32
        %dma_wait3A_111 = arith.constant 0 : i32
        %dma_wait3A_112 = tpu.memref_slice %arg6[%dma_wait3A_110, %dma_wait3A_111] : memref<640000x128xf32, #tpu.memory_space<hbm>> -> memref<80x128xf32, #tpu.memory_space<hbm>>
        %dma_wait3A_113 = arith.constant 0 : i32
        %dma_wait3A_114 = arith.constant 0 : i32
        %dma_wait3A_115 = tpu.memref_slice %arg6[%dma_wait3A_113, %dma_wait3A_114] : memref<640000x128xf32, #tpu.memory_space<hbm>> -> memref<80x128xf32, #tpu.memory_space<hbm>>
        tpu.wait_dma2 semaphore(%arg17 : memref<!tpu.dma_semaphore, #tpu.memory_space<semaphore_mem>>) src(%dma_wait3A_115 : memref<80x128xf32, #tpu.memory_space<hbm>>) dst(%arg12 : memref<80x128xf32, #tpu.memory_space<vmem>>)
        %dma_start3A_116 = arith.constant 0 : i32
        %dma_start3A_117 = arith.constant 0 : i32
        %dma_start3A_118 = tpu.memref_slice %arg2[%dma_start3A_116, %dma_start3A_117] : memref<10000x128xf32, #tpu.memory_space<hbm>> -> memref<10000x128xf32, #tpu.memory_space<hbm>>
        tpu.enqueue_indirect_dma source(%dma_start3A_118 : memref<10000x128xf32, #tpu.memory_space<hbm>>) target(%arg14 : memref<80x128xf32, #tpu.memory_space<vmem>>) offsets(%arg8 : memref<80xi32, #tpu.memory_space<vmem>>) semaphore(%arg19 : memref<!tpu.dma_semaphore, #tpu.memory_space<semaphore_mem>>)
      } else {
      }
      %add3A_95 = arith.constant 2 : i32
      %add3A_96 = arith.addi %add3A_81, %add3A_95 : i32
      %lt3A_97 = arith.constant 250 : i32
      %lt3A_98 = arith.cmpi slt, %add3A_96, %lt3A_97 : i32
      %convert_element_type3A_99 = arith.extui %lt3A_98 : i1 to i32
      %cond3A_100 = arith.constant 0 : i32
      %cond3A_101 = arith.cmpi ne, %convert_element_type3A_99, %cond3A_100 : i32
      scf.if %cond3A_101 {
        %add3A_102 = arith.constant 2 : i32
        %add3A_103 = arith.addi %add3A_81, %add3A_102 : i32
        %mul3A_104 = arith.constant 80 : i32
        %mul3A_105 = arith.muli %add3A_103, %mul3A_104 : i32
        %add3A_106 = arith.addi %mul3A_10, %mul3A_105 : i32
        %dma_start3A_107 = tpu.memref_slice %arg4[%add3A_106] : memref<640000xi32, #tpu.memory_space<hbm>> -> memref<80xi32, #tpu.memory_space<hbm>>
        %dma_start3A_108 = tpu.memref_slice %arg4[%add3A_106] : memref<640000xi32, #tpu.memory_space<hbm>> -> memref<80xi32, #tpu.memory_space<hbm>>
        tpu.enqueue_dma source(%dma_start3A_108 : memref<80xi32, #tpu.memory_space<hbm>>) target(%arg9 : memref<80xi32, #tpu.memory_space<vmem>>) target_semaphore(%arg18 : memref<!tpu.dma_semaphore, #tpu.memory_space<semaphore_mem>>)
        %dma_start3A_109 = tpu.memref_slice %arg5[%add3A_106] : memref<640000xi32, #tpu.memory_space<hbm>> -> memref<80xi32, #tpu.memory_space<hbm>>
        %dma_start3A_110 = tpu.memref_slice %arg5[%add3A_106] : memref<640000xi32, #tpu.memory_space<hbm>> -> memref<80xi32, #tpu.memory_space<hbm>>
        tpu.enqueue_dma source(%dma_start3A_110 : memref<80xi32, #tpu.memory_space<hbm>>) target(%arg11 : memref<80xi32, #tpu.memory_space<vmem>>) target_semaphore(%arg18 : memref<!tpu.dma_semaphore, #tpu.memory_space<semaphore_mem>>)
        %dma_start3A_111 = arith.constant 0 : i32
        %dma_start3A_112 = tpu.memref_slice %arg6[%add3A_106, %dma_start3A_111] : memref<640000x128xf32, #tpu.memory_space<hbm>> -> memref<80x128xf32, #tpu.memory_space<hbm>>
        %dma_start3A_113 = arith.constant 0 : i32
        %dma_start3A_114 = tpu.memref_slice %arg6[%add3A_106, %dma_start3A_113] : memref<640000x128xf32, #tpu.memory_space<hbm>> -> memref<80x128xf32, #tpu.memory_space<hbm>>
        tpu.enqueue_dma source(%dma_start3A_114 : memref<80x128xf32, #tpu.memory_space<hbm>>) target(%arg13 : memref<80x128xf32, #tpu.memory_space<vmem>>) target_semaphore(%arg18 : memref<!tpu.dma_semaphore, #tpu.memory_space<semaphore_mem>>)
      } else {
      }
    }
    %scan3A_50 = arith.constant 125 : i32
    %barrier3A_51 = arith.constant 0 : index
    tpu.barrier barrier_id(%barrier3A_51)
    "tpu.region"() ({
      %run_scoped3A = tpu.sem_alloc : memref<!tpu.dma_semaphore, #tpu.memory_space<semaphore_mem>>
      %dma_start3A_57 = arith.constant 0 : i32
      %dma_start3A_58 = tpu.memref_slice %arg7[%arg0, %mul3A_0, %dma_start3A_57] : memref<2x10000x128xf32, #tpu.memory_space<hbm>> -> memref<1x624x128xf32, #tpu.memory_space<hbm>>
      %dma_start3A_59 = tpu.memref_squeeze %dma_start3A_58 : memref<1x624x128xf32, #tpu.memory_space<hbm>> -> memref<624x128xf32, #tpu.memory_space<hbm>>
      %dma_start3A_60 = arith.constant 0 : i32
      %dma_start3A_61 = tpu.memref_slice %arg16[%mul3A_0, %dma_start3A_60] : memref<10000x128xf32, #tpu.memory_space<vmem_shared>> -> memref<624x128xf32, #tpu.memory_space<vmem_shared>>
      tpu.enqueue_dma source(%dma_start3A_61 : memref<624x128xf32, #tpu.memory_space<vmem_shared>>) target(%dma_start3A_59 : memref<624x128xf32, #tpu.memory_space<hbm>>) target_semaphore(%run_scoped3A : memref<!tpu.dma_semaphore, #tpu.memory_space<semaphore_mem>>)
      %dma_wait3A_62 = arith.constant 0 : i32
      %dma_wait3A_63 = tpu.memref_slice %arg7[%arg0, %mul3A_0, %dma_wait3A_62] : memref<2x10000x128xf32, #tpu.memory_space<hbm>> -> memref<1x624x128xf32, #tpu.memory_space<hbm>>
      %dma_wait3A_64 = tpu.memref_squeeze %dma_wait3A_63 : memref<1x624x128xf32, #tpu.memory_space<hbm>> -> memref<624x128xf32, #tpu.memory_space<hbm>>
      %dma_wait3A_65 = arith.constant 0 : i32
      %dma_wait3A_66 = tpu.memref_slice %arg16[%mul3A_0, %dma_wait3A_65] : memref<10000x128xf32, #tpu.memory_space<vmem_shared>> -> memref<624x128xf32, #tpu.memory_space<vmem_shared>>
      tpu.wait_dma2 semaphore(%run_scoped3A : memref<!tpu.dma_semaphore, #tpu.memory_space<semaphore_mem>>) src(%dma_wait3A_66 : memref<624x128xf32, #tpu.memory_space<vmem_shared>>) dst(%dma_wait3A_64 : memref<624x128xf32, #tpu.memory_space<hbm>>)
      tpu.yield
    }) : () -> ()
    %eq3A_52 = arith.constant 15 : i32
    %eq3A_53 = arith.cmpi eq, %arg1, %eq3A_52 : i32
    %convert_element_type3A_54 = arith.extui %eq3A_53 : i1 to i32
    %cond3A_55 = arith.constant 0 : i32
    %cond3A_56 = arith.cmpi ne, %convert_element_type3A_54, %cond3A_55 : i32
    scf.if %cond3A_56 {
      "tpu.region"() ({
        %run_scoped3A = tpu.sem_alloc : memref<!tpu.dma_semaphore, #tpu.memory_space<semaphore_mem>>
        %dma_start3A_57 = arith.constant 9984 : i32
        %dma_start3A_58 = arith.constant 0 : i32
        %dma_start3A_59 = tpu.memref_slice %arg7[%arg0, %dma_start3A_57, %dma_start3A_58] : memref<2x10000x128xf32, #tpu.memory_space<hbm>> -> memref<1x16x128xf32, #tpu.memory_space<hbm>>
        %dma_start3A_60 = tpu.memref_squeeze %dma_start3A_59 : memref<1x16x128xf32, #tpu.memory_space<hbm>> -> memref<16x128xf32, #tpu.memory_space<hbm>>
        %dma_start3A_61 = arith.constant 9984 : i32
        %dma_start3A_62 = arith.constant 0 : i32
        %dma_start3A_63 = tpu.memref_slice %arg16[%dma_start3A_61, %dma_start3A_62] : memref<10000x128xf32, #tpu.memory_space<vmem_shared>> -> memref<16x128xf32, #tpu.memory_space<vmem_shared>>
        tpu.enqueue_dma source(%dma_start3A_63 : memref<16x128xf32, #tpu.memory_space<vmem_shared>>) target(%dma_start3A_60 : memref<16x128xf32, #tpu.memory_space<hbm>>) target_semaphore(%run_scoped3A : memref<!tpu.dma_semaphore, #tpu.memory_space<semaphore_mem>>)
        %dma_wait3A_64 = arith.constant 9984 : i32
        %dma_wait3A_65 = arith.constant 0 : i32
        %dma_wait3A_66 = tpu.memref_slice %arg7[%arg0, %dma_wait3A_64, %dma_wait3A_65] : memref<2x10000x128xf32, #tpu.memory_space<hbm>> -> memref<1x16x128xf32, #tpu.memory_space<hbm>>
        %dma_wait3A_67 = tpu.memref_squeeze %dma_wait3A_66 : memref<1x16x128xf32, #tpu.memory_space<hbm>> -> memref<16x128xf32, #tpu.memory_space<hbm>>
        %dma_wait3A_68 = arith.constant 9984 : i32
        %dma_wait3A_69 = arith.constant 0 : i32
        %dma_wait3A_70 = tpu.memref_slice %arg16[%dma_wait3A_68, %dma_wait3A_69] : memref<10000x128xf32, #tpu.memory_space<vmem_shared>> -> memref<16x128xf32, #tpu.memory_space<vmem_shared>>
        tpu.wait_dma2 semaphore(%run_scoped3A : memref<!tpu.dma_semaphore, #tpu.memory_space<semaphore_mem>>) src(%dma_wait3A_70 : memref<16x128xf32, #tpu.memory_space<vmem_shared>>) dst(%dma_wait3A_67 : memref<16x128xf32, #tpu.memory_space<hbm>>)
        tpu.yield
      }) : () -> ()
    } else {
    }
    return
  }
}

module attributes {stable_mosaic.version = 14 : i64} {
  func.func @_mlp1_body(%arg0: i32, %arg1: memref<2x2000x128xf32, #tpu.memory_space<vmem>>, %arg2: memref<128x128xf32, #tpu.memory_space<vmem>>, %arg3: memref<1x128xf32, #tpu.memory_space<vmem>>, %arg4: memref<128x128xf32, #tpu.memory_space<vmem>>, %arg5: memref<1x128xf32, #tpu.memory_space<vmem>>, %arg6: memref<2000x128xf32, #tpu.memory_space<vmem>>) attributes {dimension_semantics = [#tpu.dimension_semantics<arbitrary>], iteration_bounds = array<i64: 5>, scalar_prefetch = 0 : i64, scratch_operands = 0 : i64, tpu.core_type = #tpu.core_type<tc>, window_params = [{transform_indices = @transform_0, window_bounds = array<i64: 2, 2000, 128>}, {pipeline_mode = #tpu.pipeline_mode<synchronous>, transform_indices = @transform_1, window_bounds = array<i64: 128, 128>}, {pipeline_mode = #tpu.pipeline_mode<synchronous>, transform_indices = @transform_2, window_bounds = array<i64: 1, 128>}, {pipeline_mode = #tpu.pipeline_mode<synchronous>, transform_indices = @transform_3, window_bounds = array<i64: 128, 128>}, {pipeline_mode = #tpu.pipeline_mode<synchronous>, transform_indices = @transform_4, window_bounds = array<i64: 1, 128>}, {transform_indices = @transform_5, window_bounds = array<i64: 2000, 128>}]} {
    %get3A = arith.constant 0 : index
    %get3A_0 = arith.constant 0 : index
    %get3A_1 = arith.constant 0 : index
    %get3A_2 = vector.load %arg1[%get3A, %get3A_0, %get3A_1] : memref<2x2000x128xf32, #tpu.memory_space<vmem>>, vector<1x2000x128xf32>
    %get3A_3 = vector.shape_cast %get3A_2 : vector<1x2000x128xf32> to vector<2000x128xf32>
    %get3A_4 = arith.constant 1 : index
    %get3A_5 = arith.constant 0 : index
    %get3A_6 = arith.constant 0 : index
    %get3A_7 = vector.load %arg1[%get3A_4, %get3A_5, %get3A_6] : memref<2x2000x128xf32, #tpu.memory_space<vmem>>, vector<1x2000x128xf32>
    %get3A_8 = vector.shape_cast %get3A_7 : vector<1x2000x128xf32> to vector<2000x128xf32>
    %add3A = arith.addf %get3A_3, %get3A_8 : vector<2000x128xf32>
    %get3A_9 = arith.constant 0 : index
    %get3A_10 = arith.constant 0 : index
    %get3A_11 = vector.load %arg2[%get3A_9, %get3A_10] : memref<128x128xf32, #tpu.memory_space<vmem>>, vector<128x128xf32>
    %dot_general3A = arith.constant dense<0.000000e+00> : vector<2000x128xf32>
    %dot_general3A_12 = tpu.matmul %add3A, %get3A_11, %dot_general3A {dimension_numbers = #tpu.dot_dimension_numbers<[1], [0], [0], [1], [0, 0, 1, 1], [], []>, transpose_lhs_hint = false} : vector<2000x128xf32>, vector<128x128xf32>, vector<2000x128xf32> -> vector<2000x128xf32>
    %get3A_13 = arith.constant 0 : index
    %get3A_14 = arith.constant 0 : index
    %get3A_15 = vector.load %arg3[%get3A_13, %get3A_14] : memref<1x128xf32, #tpu.memory_space<vmem>>, vector<1x128xf32>
    %add3A_16 = vector.broadcast %get3A_15 : vector<1x128xf32> to vector<2000x128xf32>
    %add3A_17 = arith.addf %dot_general3A_12, %add3A_16 : vector<2000x128xf32>
    %max3A = arith.constant 0.000000e+00 : f32
    %max3A_18 = vector.broadcast %max3A : f32 to vector<2000x128xf32>
    %max3A_19 = arith.maximumf %add3A_17, %max3A_18 : vector<2000x128xf32>
    %get3A_20 = arith.constant 0 : index
    %get3A_21 = arith.constant 0 : index
    %get3A_22 = vector.load %arg4[%get3A_20, %get3A_21] : memref<128x128xf32, #tpu.memory_space<vmem>>, vector<128x128xf32>
    %dot_general3A_23 = arith.constant dense<0.000000e+00> : vector<2000x128xf32>
    %dot_general3A_24 = tpu.matmul %max3A_19, %get3A_22, %dot_general3A_23 {dimension_numbers = #tpu.dot_dimension_numbers<[1], [0], [0], [1], [0, 0, 1, 1], [], []>, transpose_lhs_hint = false} : vector<2000x128xf32>, vector<128x128xf32>, vector<2000x128xf32> -> vector<2000x128xf32>
    %get3A_25 = arith.constant 0 : index
    %get3A_26 = arith.constant 0 : index
    %get3A_27 = vector.load %arg5[%get3A_25, %get3A_26] : memref<1x128xf32, #tpu.memory_space<vmem>>, vector<1x128xf32>
    %add3A_28 = vector.broadcast %get3A_27 : vector<1x128xf32> to vector<2000x128xf32>
    %add3A_29 = arith.addf %dot_general3A_24, %add3A_28 : vector<2000x128xf32>
    %max3A_30 = arith.constant 0.000000e+00 : f32
    %max3A_31 = vector.broadcast %max3A_30 : f32 to vector<2000x128xf32>
    %max3A_32 = arith.maximumf %add3A_29, %max3A_31 : vector<2000x128xf32>
    %swap3A = arith.constant 0 : index
    %swap3A_33 = arith.constant 0 : index
    %swap3A_34 = vector.load %arg6[%swap3A, %swap3A_33] : memref<2000x128xf32, #tpu.memory_space<vmem>>, vector<2000x128xf32>
    tpu.vector_store %arg6[%swap3A, %swap3A_33], %max3A_32 {strides = array<i32>} : memref<2000x128xf32, #tpu.memory_space<vmem>>, vector<2000x128xf32>,
    return
  }
  func.func @transform_0(%arg0: i32) -> (i32, i32, i32) {
    %c0_i32 = arith.constant 0 : i32
    %c0_i32_0 = arith.constant 0 : i32
    %c0_i32_1 = arith.constant 0 : i32
    return %c0_i32, %arg0, %c0_i32_0 : i32, i32, i32
  }
  func.func @transform_1(%arg0: i32) -> (i32, i32) {
    %c0_i32 = arith.constant 0 : i32
    %c0_i32_0 = arith.constant 0 : i32
    %c0_i32_1 = arith.constant 0 : i32
    return %c0_i32, %c0_i32_0 : i32, i32
  }
  func.func @transform_2(%arg0: i32) -> (i32, i32) {
    %c0_i32 = arith.constant 0 : i32
    %c0_i32_0 = arith.constant 0 : i32
    %c0_i32_1 = arith.constant 0 : i32
    return %c0_i32, %c0_i32_0 : i32, i32
  }
  func.func @transform_3(%arg0: i32) -> (i32, i32) {
    %c0_i32 = arith.constant 0 : i32
    %c0_i32_0 = arith.constant 0 : i32
    %c0_i32_1 = arith.constant 0 : i32
    return %c0_i32, %c0_i32_0 : i32, i32
  }
  func.func @transform_4(%arg0: i32) -> (i32, i32) {
    %c0_i32 = arith.constant 0 : i32
    %c0_i32_0 = arith.constant 0 : i32
    %c0_i32_1 = arith.constant 0 : i32
    return %c0_i32, %c0_i32_0 : i32, i32
  }
  func.func @transform_5(%arg0: i32) -> (i32, i32) {
    %c0_i32 = arith.constant 0 : i32
    %c0_i32_0 = arith.constant 0 : i32
    return %arg0, %c0_i32 : i32, i32
  }
}

module attributes {stable_mosaic.version = 14 : i64} {
  func.func @_mlp2_body(%arg0: i32, %arg1: memref<2x2000x128xf32, #tpu.memory_space<vmem>>, %arg2: memref<2000x1xi32, #tpu.memory_space<vmem>>, %arg3: memref<128x128xf32, #tpu.memory_space<vmem>>, %arg4: memref<1x128xf32, #tpu.memory_space<vmem>>, %arg5: memref<128x208xf32, #tpu.memory_space<vmem>>, %arg6: memref<1x208xf32, #tpu.memory_space<vmem>>, %arg7: memref<128x208xf32, #tpu.memory_space<vmem>>) attributes {dimension_semantics = [#tpu.dimension_semantics<arbitrary>], iteration_bounds = array<i64: 5>, scalar_prefetch = 0 : i64, scratch_operands = 0 : i64, tpu.core_type = #tpu.core_type<tc>, window_params = [{transform_indices = @transform_0, window_bounds = array<i64: 2, 2000, 128>}, {transform_indices = @transform_1, window_bounds = array<i64: 2000, 1>}, {pipeline_mode = #tpu.pipeline_mode<synchronous>, transform_indices = @transform_2, window_bounds = array<i64: 128, 128>}, {pipeline_mode = #tpu.pipeline_mode<synchronous>, transform_indices = @transform_3, window_bounds = array<i64: 1, 128>}, {pipeline_mode = #tpu.pipeline_mode<synchronous>, transform_indices = @transform_4, window_bounds = array<i64: 128, 208>}, {pipeline_mode = #tpu.pipeline_mode<synchronous>, transform_indices = @transform_5, window_bounds = array<i64: 1, 208>}, {pipeline_mode = #tpu.pipeline_mode<synchronous>, transform_indices = @transform_6, window_bounds = array<i64: 128, 208>}]} {
    %get3A = arith.constant 0 : index
    %get3A_0 = arith.constant 0 : index
    %get3A_1 = arith.constant 0 : index
    %get3A_2 = vector.load %arg1[%get3A, %get3A_0, %get3A_1] : memref<2x2000x128xf32, #tpu.memory_space<vmem>>, vector<1x2000x128xf32>
    %get3A_3 = vector.shape_cast %get3A_2 : vector<1x2000x128xf32> to vector<2000x128xf32>
    %get3A_4 = arith.constant 1 : index
    %get3A_5 = arith.constant 0 : index
    %get3A_6 = arith.constant 0 : index
    %get3A_7 = vector.load %arg1[%get3A_4, %get3A_5, %get3A_6] : memref<2x2000x128xf32, #tpu.memory_space<vmem>>, vector<1x2000x128xf32>
    %get3A_8 = vector.shape_cast %get3A_7 : vector<1x2000x128xf32> to vector<2000x128xf32>
    %add3A = arith.addf %get3A_3, %get3A_8 : vector<2000x128xf32>
    %get3A_9 = arith.constant 0 : index
    %get3A_10 = arith.constant 0 : index
    %get3A_11 = vector.load %arg3[%get3A_9, %get3A_10] : memref<128x128xf32, #tpu.memory_space<vmem>>, vector<128x128xf32>
    %dot_general3A = arith.constant dense<0.000000e+00> : vector<2000x128xf32>
    %dot_general3A_12 = tpu.matmul %add3A, %get3A_11, %dot_general3A {dimension_numbers = #tpu.dot_dimension_numbers<[1], [0], [0], [1], [0, 0, 1, 1], [], []>, transpose_lhs_hint = false} : vector<2000x128xf32>, vector<128x128xf32>, vector<2000x128xf32> -> vector<2000x128xf32>
    %get3A_13 = arith.constant 0 : index
    %get3A_14 = arith.constant 0 : index
    %get3A_15 = vector.load %arg4[%get3A_13, %get3A_14] : memref<1x128xf32, #tpu.memory_space<vmem>>, vector<1x128xf32>
    %add3A_16 = vector.broadcast %get3A_15 : vector<1x128xf32> to vector<2000x128xf32>
    %add3A_17 = arith.addf %dot_general3A_12, %add3A_16 : vector<2000x128xf32>
    %max3A = arith.constant 0.000000e+00 : f32
    %max3A_18 = vector.broadcast %max3A : f32 to vector<2000x128xf32>
    %max3A_19 = arith.maximumf %add3A_17, %max3A_18 : vector<2000x128xf32>
    %get3A_20 = arith.constant 0 : index
    %get3A_21 = arith.constant 0 : index
    %get3A_22 = vector.load %arg5[%get3A_20, %get3A_21] : memref<128x208xf32, #tpu.memory_space<vmem>>, vector<128x208xf32>
    %dot_general3A_23 = arith.constant dense<0.000000e+00> : vector<2000x208xf32>
    %dot_general3A_24 = tpu.matmul %max3A_19, %get3A_22, %dot_general3A_23 {dimension_numbers = #tpu.dot_dimension_numbers<[1], [0], [0], [1], [0, 0, 1, 1], [], []>, transpose_lhs_hint = false} : vector<2000x128xf32>, vector<128x208xf32>, vector<2000x208xf32> -> vector<2000x208xf32>
    %get3A_25 = arith.constant 0 : index
    %get3A_26 = arith.constant 0 : index
    %get3A_27 = vector.load %arg6[%get3A_25, %get3A_26] : memref<1x208xf32, #tpu.memory_space<vmem>>, vector<1x208xf32>
    %add3A_28 = vector.broadcast %get3A_27 : vector<1x208xf32> to vector<2000x208xf32>
    %add3A_29 = arith.addf %dot_general3A_24, %add3A_28 : vector<2000x208xf32>
    %max3A_30 = arith.constant 0.000000e+00 : f32
    %max3A_31 = vector.broadcast %max3A_30 : f32 to vector<2000x208xf32>
    %max3A_32 = arith.maximumf %add3A_29, %max3A_31 : vector<2000x208xf32>
    %iota3A = tpu.iota {dimensions = array<i32: 1>} : vector<2000x128xi32>
    %get3A_33 = arith.constant 0 : index
    %get3A_34 = arith.constant 0 : index
    %get3A_35 = vector.load %arg2[%get3A_33, %get3A_34] : memref<2000x1xi32, #tpu.memory_space<vmem>>, vector<2000x1xi32>
    %eq3A = vector.broadcast %get3A_35 : vector<2000x1xi32> to vector<2000x128xi32>
    %eq3A_36 = arith.cmpi eq, %eq3A, %iota3A : vector<2000x128xi32>
    %convert_element_type3A = arith.extui %eq3A_36 : vector<2000x128xi1> to vector<2000x128xi32>
    %convert_element_type3A_37 = arith.sitofp %convert_element_type3A : vector<2000x128xi32> to vector<2000x128xf32>
    %dot_general3A_38 = arith.constant dense<0.000000e+00> : vector<128x208xf32>
    %dot_general3A_39 = tpu.matmul %convert_element_type3A_37, %max3A_32, %dot_general3A_38 {dimension_numbers = #tpu.dot_dimension_numbers<[0], [0], [1], [1], [0, 1, 1, 1], [], []>, precision = #tpu.contract_precision<fp32>, transpose_lhs_hint = false} : vector<2000x128xf32>, vector<2000x208xf32>, vector<128x208xf32> -> vector<128x208xf32>
    %eq3A_40 = arith.constant 0 : i32
    %eq3A_41 = arith.cmpi eq, %arg0, %eq3A_40 : i32
    %convert_element_type3A_42 = arith.extui %eq3A_41 : i1 to i32
    %cond3A = arith.constant 0 : i32
    %cond3A_43 = arith.cmpi ne, %convert_element_type3A_42, %cond3A : i32
    scf.if %cond3A_43 {
      %swap3A = arith.constant 0 : index
      %swap3A_48 = arith.constant 0 : index
      %swap3A_49 = vector.load %arg7[%swap3A, %swap3A_48] : memref<128x208xf32, #tpu.memory_space<vmem>>, vector<128x208xf32>
      tpu.vector_store %arg7[%swap3A, %swap3A_48], %dot_general3A_39 {strides = array<i32>} : memref<128x208xf32, #tpu.memory_space<vmem>>, vector<128x208xf32>,
    } else {
    }
    %ne3A = arith.constant 0 : i32
    %ne3A_44 = arith.cmpi ne, %arg0, %ne3A : i32
    %convert_element_type3A_45 = arith.extui %ne3A_44 : i1 to i32
    %cond3A_46 = arith.constant 0 : i32
    %cond3A_47 = arith.cmpi ne, %convert_element_type3A_45, %cond3A_46 : i32
    scf.if %cond3A_47 {
      %get3A_48 = arith.constant 0 : index
      %get3A_49 = arith.constant 0 : index
      %get3A_50 = vector.load %arg7[%get3A_48, %get3A_49] : memref<128x208xf32, #tpu.memory_space<vmem>>, vector<128x208xf32>
      %add3A_51 = arith.addf %get3A_50, %dot_general3A_39 : vector<128x208xf32>
      %swap3A = arith.constant 0 : index
      %swap3A_52 = arith.constant 0 : index
      %swap3A_53 = vector.load %arg7[%swap3A, %swap3A_52] : memref<128x208xf32, #tpu.memory_space<vmem>>, vector<128x208xf32>
      tpu.vector_store %arg7[%swap3A, %swap3A_52], %add3A_51 {strides = array<i32>} : memref<128x208xf32, #tpu.memory_space<vmem>>, vector<128x208xf32>,
    } else {
    }
    return
  }
  func.func @transform_0(%arg0: i32) -> (i32, i32, i32) {
    %c0_i32 = arith.constant 0 : i32
    %c0_i32_0 = arith.constant 0 : i32
    %c0_i32_1 = arith.constant 0 : i32
    return %c0_i32, %arg0, %c0_i32_0 : i32, i32, i32
  }
  func.func @transform_1(%arg0: i32) -> (i32, i32) {
    %c0_i32 = arith.constant 0 : i32
    %c0_i32_0 = arith.constant 0 : i32
    return %arg0, %c0_i32 : i32, i32
  }
  func.func @transform_2(%arg0: i32) -> (i32, i32) {
    %c0_i32 = arith.constant 0 : i32
    %c0_i32_0 = arith.constant 0 : i32
    %c0_i32_1 = arith.constant 0 : i32
    return %c0_i32, %c0_i32_0 : i32, i32
  }
  func.func @transform_3(%arg0: i32) -> (i32, i32) {
    %c0_i32 = arith.constant 0 : i32
    %c0_i32_0 = arith.constant 0 : i32
    %c0_i32_1 = arith.constant 0 : i32
    return %c0_i32, %c0_i32_0 : i32, i32
  }
  func.func @transform_4(%arg0: i32) -> (i32, i32) {
    %c0_i32 = arith.constant 0 : i32
    %c0_i32_0 = arith.constant 0 : i32
    %c0_i32_1 = arith.constant 0 : i32
    return %c0_i32, %c0_i32_0 : i32, i32
  }
  func.func @transform_5(%arg0: i32) -> (i32, i32) {
    %c0_i32 = arith.constant 0 : i32
    %c0_i32_0 = arith.constant 0 : i32
    %c0_i32_1 = arith.constant 0 : i32
    return %c0_i32, %c0_i32_0 : i32, i32
  }
  func.func @transform_6(%arg0: i32) -> (i32, i32) {
    %c0_i32 = arith.constant 0 : i32
    %c0_i32_0 = arith.constant 0 : i32
    %c0_i32_1 = arith.constant 0 : i32
    return %c0_i32, %c0_i32_0 : i32, i32
  }
}

module attributes {stable_mosaic.version = 14 : i64} {
  func.func @_head_body(%arg0: memref<128x208xf32, #tpu.memory_space<vmem>>, %arg1: memref<208x64xf32, #tpu.memory_space<vmem>>, %arg2: memref<1x64xf32, #tpu.memory_space<vmem>>, %arg3: memref<64x128xf32, #tpu.memory_space<vmem>>, %arg4: memref<1x128xf32, #tpu.memory_space<vmem>>, %arg5: memref<128x128xf32, #tpu.memory_space<vmem>>) attributes {dimension_semantics = [], scalar_prefetch = 0 : i64, scratch_operands = 0 : i64, tpu.core_type = #tpu.core_type<tc>} {
    %get3A = arith.constant 0 : index
    %get3A_0 = arith.constant 0 : index
    %get3A_1 = vector.load %arg0[%get3A, %get3A_0] : memref<128x208xf32, #tpu.memory_space<vmem>>, vector<128x208xf32>
    %get3A_2 = arith.constant 0 : index
    %get3A_3 = arith.constant 0 : index
    %get3A_4 = vector.load %arg1[%get3A_2, %get3A_3] : memref<208x64xf32, #tpu.memory_space<vmem>>, vector<208x64xf32>
    %dot_general3A = arith.constant dense<0.000000e+00> : vector<128x64xf32>
    %dot_general3A_5 = tpu.matmul %get3A_1, %get3A_4, %dot_general3A {dimension_numbers = #tpu.dot_dimension_numbers<[1], [0], [0], [1], [0, 0, 1, 1], [], []>, transpose_lhs_hint = false} : vector<128x208xf32>, vector<208x64xf32>, vector<128x64xf32> -> vector<128x64xf32>
    %get3A_6 = arith.constant 0 : index
    %get3A_7 = arith.constant 0 : index
    %get3A_8 = vector.load %arg2[%get3A_6, %get3A_7] : memref<1x64xf32, #tpu.memory_space<vmem>>, vector<1x64xf32>
    %add3A = vector.broadcast %get3A_8 : vector<1x64xf32> to vector<128x64xf32>
    %add3A_9 = arith.addf %dot_general3A_5, %add3A : vector<128x64xf32>
    %max3A = arith.constant 0.000000e+00 : f32
    %max3A_10 = vector.broadcast %max3A : f32 to vector<128x64xf32>
    %max3A_11 = arith.maximumf %add3A_9, %max3A_10 : vector<128x64xf32>
    %get3A_12 = arith.constant 0 : index
    %get3A_13 = arith.constant 0 : index
    %get3A_14 = vector.load %arg3[%get3A_12, %get3A_13] : memref<64x128xf32, #tpu.memory_space<vmem>>, vector<64x128xf32>
    %dot_general3A_15 = arith.constant dense<0.000000e+00> : vector<128x128xf32>
    %dot_general3A_16 = tpu.matmul %max3A_11, %get3A_14, %dot_general3A_15 {dimension_numbers = #tpu.dot_dimension_numbers<[1], [0], [0], [1], [0, 0, 1, 1], [], []>, transpose_lhs_hint = false} : vector<128x64xf32>, vector<64x128xf32>, vector<128x128xf32> -> vector<128x128xf32>
    %get3A_17 = arith.constant 0 : index
    %get3A_18 = arith.constant 0 : index
    %get3A_19 = vector.load %arg4[%get3A_17, %get3A_18] : memref<1x128xf32, #tpu.memory_space<vmem>>, vector<1x128xf32>
    %add3A_20 = vector.broadcast %get3A_19 : vector<1x128xf32> to vector<128x128xf32>
    %add3A_21 = arith.addf %dot_general3A_16, %add3A_20 : vector<128x128xf32>
    %abs3A = math.absf %add3A_21 : vector<128x128xf32>
    %swap3A = arith.constant 0 : index
    %swap3A_22 = arith.constant 0 : index
    %swap3A_23 = vector.load %arg5[%swap3A, %swap3A_22] : memref<128x128xf32, #tpu.memory_space<vmem>>, vector<128x128xf32>
    tpu.vector_store %arg5[%swap3A, %swap3A_22], %abs3A {strides = array<i32>} : memref<128x128xf32, #tpu.memory_space<vmem>>, vector<128x128xf32>,
    return
  }
}

</mosaic_0001>

<sc_bundles>
// kernel: kernel.10.cloned.1.call-start
scs
__scs_entry_jumppad:
0x0: {  	(pc) =	sbr.rel $0x88, $3  }
0x1: {  	(tag) =	ssettag $0x0;
	lr =	simm.s32 $0x1  }
0x2: {  	[smem:$0x3F91] =	sst lr;
	_ =	strace $0xD0000000  }
0x3: {  	_ = 	snop  }
0x4: {  	_ = 	snop  }
0x5: {  	_ = 	snop  }
0x6: {  	_ = 	snop  }
0x7: {  	_ = 	snop  }
__scs_overlays_trampoline_lowered:
0x8: {  	[smem:$0x3FA0] =	sst s0  }
0x9: {  	[smem:$0x3FA1] =	sst s1  }
0xa: {  	[smem:$0x3FA2] =	sst s2  }
0xb: {  	[smem:$0x3FA3] =	sst s3  }
0xc: {  	[smem:$0x3FA4] =	sst s4  }
0xd: {  	[smem:$0x3FA5] =	sst s5  }
0xe: {  	[smem:$0x3FA6] =	sst s6  }
0xf: {  	[smem:$0x3FA7] =	sst s7  }
0x10: {  	[smem:$0x3FA8] =	sst s8  }
0x11: {  	[smem:$0x3FA9] =	sst s9;
	s0 =	simm.s32 @!p0 $0x0  }
0x12: {  	s1 =	sld [smem:$0x3F8F];
	s0 =	simm.s32 @p0 $0x1  }
0x13: {  	[smem:$0x3FAA] =	sst s0;
	s0 =	simm.s32 @!p1 $0x0  }
0x14: {  	s2 =	sld [smem:$0x3F8E];
	s0 =	simm.s32 @p1 $0x1  }
0x15: {  	[smem:$0x3FAB] =	sst s0;
	s0 =	simm.s32 @!p2 $0x0  }
0x16: {  	s3 =	sld [smem:$0x3FDB];
	s0 =	simm.s32 @p2 $0x1  }
0x17: {  	s4 =	simm.s32 $0x1BF5;
	[smem:$0x3FAD] =	sst s0  }
0x18: {  	s0 =	sld [smem:$0x3F90];
	_ =	swait.ge [sflag:s4], $0x0  }
0x19: {  	s7 =	sld [smem:$0x3F91]  }
0x1a: {  	s8 =	sadd.s32 $0xFFFFE003, lr  }
0x1b: {  	s9 =	sadd.s32 $0xFFFFFEF7, lr;
	s5 =	simm.s32 $0xFFFFFFFF;
	p2 =	slt.u32 s8, $0xFFFFF086  }
0x1c: {  	p1 =	slt.u32 s9, $0xF7A;
	s5 =	simm.s32 @!p2 $0x0  }
0x1d: {  	s5 =	simm.s32 @p1 $0x1;
	p0 =	seq.s32 s7, s2  }
0x1e: {  	s7 =	smul.u32 @!p0 $0xF7A, s2;
	p2 =	seq.s32 @!p0 s5, $0x0  }
0x1f: {  	s9 =	smul.u32 $0xF7A, s1;
	s8 =	simm.s32 @!p0 $0x1BF5;
	p2 =	por !p2, p0  }
0x20: {  	[sflag:s8] =	ssyncset.s32 @!p0 $0xFFFFF086;
	s6 =	sadd.s32 @!p0 s3, s7;
	s7 =	simm.s32 @!p0 $0x108  }
0x21: {  	s3 =	sadd.s32 s3, s9;
	s6 =	sadd.s32 @!p0 $0x88, s6;
	s7 =	simm.s32 @p2 $0x1082  }
0x22: {  	[simem:s7], [sflag:s8] =	dma.local @!p0 [hbm:s6], $0xF7A  }
0x23: {  	s9 =	sor.u32 $0xD0000000, s2;
	s6 =	simm.s32 $0x108;
	_ =	swait.ge @!p0 [sflag:s8], $0x0  }
0x24: {  	s3 =	sadd.s32 $0x88, s3;
	s6 =	simm.s32 @!p1 $0x1082;
	[sflag:s4] =	ssyncset.s32 $0xFFFFF086  }
0x25: {  	[simem:s6], [sflag:s4] =	dma.local [hbm:s3], $0xF7A  }
0x26: {  	[smem:$0x3F91] =	sst s1;
	(tag) =	ssettag s2;
	_ =	strace s9  }
0x27: {  	s1 =	sld [smem:$0x3FA1]  }
0x28: {  	s2 =	sld [smem:$0x3FA2]  }
0x29: {  	s4 =	sld [smem:$0x3FA4]  }
0x2a: {  	p0 =	seq.s32 s5, $0x0;
	s5 =	sld [smem:$0x3FA5]  }
0x2b: {  	s6 =	sld [smem:$0x3FA6]  }
0x2c: {  	s7 =	sld [smem:$0x3FA7]  }
0x2d: {  	s3 =	simm.s32 $0x108;
	s8 =	sld [smem:$0x3FA8]  }
0x2e: {  	s3 =	simm.s32 @!p0 $0x1082;
	s9 =	sld [smem:$0x3FA9]  }
0x2f: {  	lr =	sadd.s32 s0, s3;
	s0 =	sld [smem:$0x3FA0]  }
0x30: {  	s3 =	sld [smem:$0x3FA3]  }
0x31: {  	[smem:$0x3FAC] =	sst s10  }
0x32: {  	s10 =	sld [smem:$0x3FAA];
	_ =	sdelay $0x3  }
0x33: {  	p0 =	seq.s32 s10, $0x1;
	s10 =	sld [smem:$0x3FAC];
	_ =	sdelay $0x3  }
0x34: {  	[smem:$0x3FAC] =	sst s10  }
0x35: {  	s10 =	sld [smem:$0x3FAB];
	_ =	sdelay $0x3  }
0x36: {  	p1 =	seq.s32 s10, $0x1;
	s10 =	sld [smem:$0x3FAC];
	_ =	sdelay $0x3  }
0x37: {  	[smem:$0x3FAC] =	sst s10  }
0x38: {  	s10 =	sld [smem:$0x3FAD]  }
0x39: {  	_ = 	snop;
	(pc) =	sbr.ind lr, $3  }
0x3a: {  	_ = 	snop  }
0x3b: {  	_ = 	snop  }
0x3c: {  	p2 =	seq.s32 s10, $0x1;
	s10 =	sld [smem:$0x3FAC]  }
0x3d: {  	_ =	shalt  }
0x3e: {  	_ =	shalt  }
0x3f: {  	_ =	shalt  }
0x40: {  	_ =	shalt  }
0x41: {  	_ =	shalt  }
0x42: {  	_ =	shalt  }
0x43: {  	_ =	shalt  }
0x44: {  	_ =	shalt  }
0x45: {  	_ =	shalt  }
0x46: {  	_ =	shalt  }
0x47: {  	_ =	shalt  }
0x48: {  	_ =	shalt  }
0x49: {  	_ =	shalt  }
0x4a: {  	_ =	shalt  }
0x4b: {  	_ =	shalt  }
0x4c: {  	_ =	shalt  }
0x4d: {  	_ =	shalt  }
0x4e: {  	_ =	shalt  }
0x4f: {  	_ =	shalt  }
0x50: {  	_ =	shalt  }
0x51: {  	_ =	shalt  }
0x52: {  	_ =	shalt  }
0x53: {  	_ =	shalt  }
0x54: {  	_ =	shalt  }
0x55: {  	_ =	shalt  }
0x56: {  	_ =	shalt  }
0x57: {  	_ =	shalt  }
0x58: {  	_ =	shalt  }
0x59: {  	_ =	shalt  }
0x5a: {  	_ =	shalt  }
0x5b: {  	_ =	shalt  }
0x5c: {  	_ =	shalt  }
0x5d: {  	_ =	shalt  }
0x5e: {  	_ =	shalt  }
0x5f: {  	_ =	shalt  }
0x60: {  	_ =	shalt  }
0x61: {  	_ =	shalt  }
0x62: {  	_ =	shalt  }
0x63: {  	_ =	shalt  }
0x64: {  	_ =	shalt  }
0x65: {  	_ =	shalt  }
0x66: {  	_ =	shalt  }
0x67: {  	_ =	shalt  }
0x68: {  	_ =	shalt  }
0x69: {  	_ =	shalt  }
0x6a: {  	_ =	shalt  }
0x6b: {  	_ =	shalt  }
0x6c: {  	_ =	shalt  }
0x6d: {  	_ =	shalt  }
0x6e: {  	_ =	shalt  }
0x6f: {  	_ =	shalt  }
0x70: {  	_ =	shalt  }
0x71: {  	_ =	shalt  }
0x72: {  	_ =	shalt  }
0x73: {  	_ =	shalt  }
0x74: {  	_ =	shalt  }
0x75: {  	_ =	shalt  }
0x76: {  	_ =	shalt  }
0x77: {  	_ =	shalt  }
0x78: {  	_ =	shalt  }
0x79: {  	_ =	shalt  }
0x7a: {  	_ =	shalt  }
0x7b: {  	_ =	shalt  }
0x7c: {  	_ =	shalt  }
0x7d: {  	_ =	shalt  }
0x7e: {  	_ =	shalt  }
0x7f: {  	_ =	shalt  }
0x80: {  	_ =	shalt  }
0x81: {  	_ =	shalt  }
0x82: {  	_ =	shalt  }
0x83: {  	_ =	shalt  }
0x84: {  	_ =	shalt  }
0x85: {  	_ =	shalt  }
0x86: {  	_ =	shalt  }
0x87: {  	_ =	shalt  }
.Lfunc_end0:
.L_simem_size_0:
called_computation.1_lowered:
.L_overlay_start_0:
0x88: {  	s2 =	sld [smem:$0x3FD9]  }
0x89: {  	s3 =	sld [smem:$0x3FFE];
	_ =	sdelay $0x1  }
0x8a: {  	s1 =	srdreg.scid  }
0x8b: {  	s0 =	sand.u32 $0x1, s1  }
0x8c: {  	s16 =	sshll.u32 s0, $0xA;
	s2 =	sadd.s32 s3, s2  }
0x8d: {  	s2 =	sadd.s32 s2, s16  }
0x8e: {  	[smem:$0x3FB8] =	sst s2  }
0x8f: {  	_ = 	snop  }
0x90: {  	(tm) =	ssettm $0x1  }
0x91: {  	s17 =	sld [smem:$0x3FFB];
	_ =	sdelay $0x3  }
0x92: {  	_ =	strace s17  }
0x93: {  	s2 =	sld [smem:$0x3FFC];
	_ =	sdelay $0x3  }
0x94: {  	_ =	strace s2  }
0x95: {  	s2 =	sld [smem:$0x3FFD];
	_ =	sdelay $0x3  }
0x96: {  	_ =	strace s2  }
0x97: {  	_ =	strace $0x8FFFFFFF  }
0x98: {  	s18 =	sld [smem:$0x3FDB];
	_ =	sdelay $0x1  }
0x99: {  	s19 =	simm.s32 $_scs_section_size  }
0x9a: {  	s4 =	simm.s32 $_size__tile_overlayer_lowered;
	s5 =	simm.s32 $_tile_overlayer_lowered  }
0x9b: {  	s22 =	simm.s32 $0x1BFF;
	s21 =	sshll.u32 s5, $0x1;
	s2 =	sadd.s32 s19, s18  }
0x9c: {  	s6 =	simm.s32 $0x0;
	s20 =	sshll.u32 s4, $0x1;
	s4 =	sadd.s32 s21, s2  }
0x9d: {  	[timem:s6], [sflag:s22] =	dma.local [hbm:s4], s20  }
0x9e: {  	_ =	swait.ge [sflag:s22], s20  }
0x9f: {  	s3 =	ssub.s32 $0x0, s20;
	[sflag:s22] =	ssyncset.done $0x0  }
0xa0: {  	[sflag:s22] =	ssyncadd.s32 s3;
	_ =	sdelay $0x1  }
0xa1: {  	s23 =	simm.s32 $0x1B8B  }
0xa2: {  	_ =	swait.ge [sflag:s23], $0x1  }
0xa3: {  	[sflag:s23] =	ssyncset.done $0x0  }
0xa4: {  	s25 =	simm.s32 $0x1B8E;
	s24 =	sld [smem:$0x3FFE];
	[sflag:s23] =	ssyncadd.s32 $0xFFFFFFFF  }
0xa5: {  	s26 =	simm.s32 $execute0_lowered;
	[smem:$0x3FD2] =	sst s25  }
0xa6: {  	s4 =	sshll.u32 s26, $0x1;
	_ =	strace $0x80000049;
	[dreg:$0x1] =	wrdreg $0xFFFFFFFF  }
0xa7: {  	s28 =	simm.s32 $_size_execute0_lowered;
	s2 =	sadd.s32 s2, s4;
	[dreg:$0x0] =	wrdreg $0x0  }
0xa8: {  	s4 =	sshll.u32 s28, $0x1;
	[dreg:$0x2] =	wrdreg s2  }
0xa9: {  	[dreg:$0x3] =	wrdreg s4  }
0xaa: {  	[dreg:$0x4] =	wrdreg $0xC0  }
0xab: {  	_ =	task [dreg:s6], $0x5FFFF  }
0xac: {  	[dreg:$0x1] =	wrdreg $0xFFFFFFFF  }
0xad: {  	[dreg:$0x0] =	wrdreg $0x60  }
0xae: {  	[dreg:$0x2] =	wrdreg s24  }
0xaf: {  	[dreg:$0x3] =	wrdreg $0xA2000  }
0xb0: {  	[dreg:$0x4] =	wrdreg $0x9  }
0xb1: {  	_ =	task.clear_ibuf [dreg:s6], $0x5FFFF;
	_ =	strace $0x90000049  }
0xb2: {  	s29 =	simm.s32 $0x9;
	_ =	strace $0x8000004B  }
0xb3: {  	_ =	swait.ge [sflag:s29], $0x1  }
0xb4: {  	[sflag:s29] =	ssyncadd.s32 $0xFFFFFFFF  }
0xb5: {  	_ =	strace $0x9000004B  }
0xb6: {  	_ =	sfence  }
0xb7: {  	s30 =	sld [smem:$0x0];
	_ =	sdelay $0x2  }
0xb8: {  	s31 =	sshll.u32 s1, $0xD;
	s1 =	sshrl.u32 s1, $0x2  }
0xb9: {  	s3 =	sand.u32 $0x4000, s31;
	s1 =	sadd.s32 s1, s30  }
0xba: {  	s0 =	sor.u32 s3, s0;
	s1 =	sshll.u32 s1, $0x11  }
0xbb: {  	s0 =	sor.u32 s1, s0  }
0xbc: {  	s0 =	sadd.s32 $0x8F2B, s0  }
0xbd: {  	[sflag:s0] =	ssyncadd.remote.s32 $0x1  }
0xbe: {  	_ =	sfence.sel $0xFFFF  }
0xbf: {  	[dreg:$0x0] =	wrdreg $0xFFFFFFFF;
	(pc) =	sbr.abs _section_cstart, $3  }
0xc0: {  	[dreg:$0x1] =	wrdreg $0xFFFFFFFF  }
0xc1: {  	_ =	task.clear_ibuf [dreg:s6], $0x2FFFF;
	_ =	strace $0x9FFFFFFF  }
0xc2: {  	(tm) =	ssettm $0x7FFFFFFF  }
0xc3: {  	_ =	shalt  }
tec
execute0_lowered:
.L_overlay_start_1:
0x0: {  	(tag) =	ssettag $0x1  }
0x1: {  	s0 =	rddreg [dreg:$0x0]  }
0x2: {  	s1 =	rddreg [dreg:$0x1]  }
0x3: {  	s2 =	simm.s32 $0x0;
	s4 =	srdreg.scid;
	s15 =	stileid.u32  }
0x4: {  	s28 =	simm.s32 $0x80;
	s29 =	simm.s32 $0x180;
	s30 =	simm.s32 $0x2A00  }
0x5: {  	s31 =	simm.s32 $0x1;
	[smem:$0x7FF] =	sst s2;
	s3 =	sadd.s32 $0x2A200, s0  }
0x6: {  	s14 =	sadd.s32 $0x51400, s0;
	s6 =	sadd.s32 $0x16800, s0;
	s5 =	smul.u32 $0x4E000, s15  }
0x7: {  	s7 =	sadd.s32 $0x2E00, s0;
	s4 =	sand.u32 $0x1, s4;
	s12 =	smul.u32 $0x2700, s15  }
0x8: {  	s8 =	sadd.s32 $0xA15400, s0;
	s0 =	sadd.s32 $0x78600, s0;
	s24 =	smul.u32 $0x13800, s15  }
0x9: {  	p1 =	seq.s32 s15, $0xF;
	p2 =	sne.s32 s15, $0xF;
	_ =	strace $0x8000004A  }
0xa: {  	s9 =	sshll.u32 s4, $0x4;
	s10 =	ssub.s32 $0x2, s4;
	[dreg:$0x3] =	wrdreg s14  }
0xb: {  	s22 =	smul.u32 $0x138800, s4;
	p0 =	sne.s32 s4, $0x0;
	s4 =	simm.s32 $0x4  }
0xc: {  	s9 =	sor.u32 s15, s9;
	s11 =	sshrl.u32 s10, $0x1;
	s5 =	sshrl.u32 s5, $0x2  }
0xd: {  	s18 =	sadd.s32 s14, s12;
	s12 =	sadd.s32 s3, s12;
	s13 =	smul.u32 $0x4E20, s9  }
0xe: {  	s10 =	ssub.s32 s10, s11;
	s5 =	sadd.s32 s5, s1;
	[dreg:$0x5] =	wrdreg s18  }
0xf: {  	s11 =	sadd.s32 $0x138000, s1;
	[dreg:$0x6] =	wrdreg s12;
	s9 =	smul.u32 $0x4E200, s9  }
0x10: {  	s25 =	sadd.s32 s24, s22;
	s26 =	sshrl.u32 s22, $0x3;
	s24 =	simm.s32 $0x5  }
0x11: {  	[dreg:$0x4] =	wrdreg s5;
	s19 =	sshrl.u32 s13, $0x3;
	s9 =	sadd.s32 s8, s9  }
0x12: {  	s12 =	simm.s32 $0x2;
	s20 =	sadd.s32 s6, s19;
	[dreg:$0x9] =	wrdreg s9  }
0x13: {  	s21 =	sadd.s32 $0x50, s13;
	s5 =	sadd.s32 s7, s19;
	[dreg:$0x7] =	wrdreg s20  }
0x14: {  	s23 =	sshrl.u32 s21, $0x3;
	s19 =	sadd.s32 $0xA0, s13;
	[dreg:$0x8] =	wrdreg s5  }
0x15: {  	s16 =	sadd.s32 s6, s23;
	s9 =	sadd.s32 s7, s23;
	s5 =	sshll.u32 s21, $0x4  }
0x16: {  	s20 =	sadd.s32 $0xF0, s13;
	s23 =	smax.u32 s10, $0x1;
	[dreg:$0xa] =	wrdreg s16  }
.Ltmp0:
0x17: {  	s10 =	simm.s32 $0x3;
	[dreg:$0xb] =	wrdreg s9;
	(pc) =	sbr.rel .LBB2_1-.Ltmp0, $4  }
0x18: {  	s5 =	sadd.s32 s8, s5;
	s9 =	sadd.s32 s0, s26;
	s26 =	simm.s32 $0x5200  }
0x19: {  	[dreg:$0xc] =	wrdreg s5;
	s5 =	sshrl.u32 s25, $0x3;
	s22 =	sadd.s32 $0x27000, s9  }
0x1a: {  	s25 =	simm.s32 $0x100;
	s9 =	simm.s32 $0x0;
	s0 =	sadd.s32 s0, s5  }
0x1b: {  	s5 =	simm.s32 $0x7A00;
	[dreg:$0xd] =	wrdreg s0;
	s0 =	simm.s32 $0x50  }
.LBB2_12:
0x1c: {  	[bflag:$0x0] =	sbarrier.arrive $0xFFFF  }
0x1d: {  	s13 =	sor.u32 $0x1C05, s13;
	s15 =	rddreg [dreg:$0xd]  }
0x1e: {  	[hbm:s15], [sflag:s13] =	dma.local [spmem:s14], $0x2700  }
0x1f: {  	_ =	swait.ge [sflag:s24], $0x2700  }
0x20: {  	s9 =	sadd.s32 $0x1, s9;
	[sflag:s24] =	ssyncset.done $0x0  }
0x21: {  	p3 =	sne.s32 s9, s23;
	s14 =	sshrl.u32 @!p2 s11, $0x3;
	[sflag:s24] =	ssyncadd.s32 $0xFFFFD900  }
0x22: {  	[hbm:s22], [sflag:s13] =	dma.local @!p2 [spmem:s14], $0x100  }
.Ltmp1:
0x23: {  	_ = 	snop;
	(pc) =	sbr.rel @!p3 .LBB2_13-.Ltmp1, $4  }
0x24: {  	s13 =	simm.s32 @!p2 $0x5  }
0x25: {  	_ =	swait.ge @!p2 [sflag:s13], $0x100  }
0x26: {  	[sflag:s13] =	ssyncset.done @!p2 $0x0  }
0x27: {  	[sflag:s13] =	ssyncadd.s32 @!p2 $0xFFFFFF00  }
.LBB2_1:
.Ltmp2:
0x28: {  	(pc) =	sbr.rel @p0 .LBB2_3-.Ltmp2, $4  }
0x29: {  	_ = 	snop  }
0x2a: {  	s13 =	stileid.u32  }
0x2b: {  	s14 =	rddreg [dreg:$0x4];
	s13 =	sshll.u32 s13, $0x6  }
0x2c: {  	s14 =	sshrl.u32 s14, $0x3;
	s15 =	sor.u32 $0x1C05, s13  }
0x2d: {  	s15 =	sor.u32 $0x1C05, s13;
	s16 =	rddreg [dreg:$0x6]  }
0x2e: {  	[spmem:s14], [sflag:s15] =	dma.local [hbm:s16], $0x2700  }
.Ltmp3:
0x2f: {  	_ = 	snop;
	(pc) =	sbr.rel @p1 .LBB2_4-.Ltmp3, $4  }
.Ltmp4:
0x30: {  	_ = 	snop;
	(pc) =	sbr.rel @!p1 .LBB2_5-.Ltmp4, $4  }
0x31: {  	_ =	swait.ge [sflag:s24], $0x2700  }
0x32: {  	[sflag:s24] =	ssyncset.done $0x0  }
0x33: {  	s16 =	smov.u32 s3;
	[sflag:s24] =	ssyncadd.s32 $0xFFFFD900  }
0x34: {  	_ = 	snop  }
.LBB2_3:
.Ltmp5:
0x35: {  	s16 =	rddreg [dreg:$0x5];
	(pc) =	sbr.rel @p2 .LBB2_5-.Ltmp5, $4  }
0x36: {  	[spmem:s14], [sflag:s15] =	dma.local [hbm:s16], $0x2700  }
0x37: {  	_ =	swait.ge [sflag:s24], $0x2700  }
0x38: {  	[sflag:s24] =	ssyncset.done $0x0  }
0x39: {  	s16 =	rddreg [dreg:$0x3];
	[sflag:s24] =	ssyncadd.s32 $0xFFFFD900  }
.LBB2_4:
0x3a: {  	s16 =	sadd.s32 $0x27000, s16;
	s17 =	sshrl.u32 s11, $0x3  }
0x3b: {  	[spmem:s17], [sflag:s15] =	dma.local [hbm:s16], $0x100  }
0x3c: {  	_ =	swait.ge [sflag:s24], $0x100  }
0x3d: {  	[sflag:s24] =	ssyncset.done $0x0  }
0x3e: {  	[sflag:s24] =	ssyncadd.s32 $0xFFFFFF00  }
.LBB2_5:
0x3f: {  	[bflag:$0x0] =	sbarrier.arrive $0xFFFF  }
0x40: {  	s15 =	simm.s32 $0x0;
	s16 =	rddreg [dreg:$0x7]  }
0x41: {  	[tilespmem:s15], [sflag:$0x1] =	stream.linear.gather [hbm4b:s16+s15], $0x50, $0x38;
	[tilespmem:$0x1DA80] =	vst v63  }
0x42: {  	s18 =	rddreg [dreg:$0x8]  }
0x43: {  	[tilespmem:s25], [sflag:$0x1] =	stream.linear.gather [hbm4b:s18+s15], $0x50, $0x38;
	[tilespmem:$0x1DA80] =	vst v63  }
0x44: {  	s17 =	simm.s32 $0x200;
	s21 =	rddreg [dreg:$0x9]  }
0x45: {  	[tilespmem:s17], [sflag:$0x1] =	stream.linear.gather [hbm4b:s21+s15], $0x2800, $0x38;
	[tilespmem:$0x1DA80] =	vst v63  }
0x46: {  	s17 =	rddreg [dreg:$0xa]  }
0x47: {  	[tilespmem:s28], [sflag:$0x2] =	stream.linear.gather [hbm4b:s17+s15], $0x50, $0x38;
	[tilespmem:$0x1DA80] =	vst v63  }
0x48: {  	s18 =	rddreg [dreg:$0xb]  }
0x49: {  	[tilespmem:s29], [sflag:$0x2] =	stream.linear.gather [hbm4b:s18+s15], $0x50, $0x38;
	[tilespmem:$0x1DA80] =	vst v63  }
0x4a: {  	s21 =	rddreg [dreg:$0xc]  }
0x4b: {  	[tilespmem:s30], [sflag:$0x2] =	stream.linear.gather [hbm4b:s21+s15], $0x2800, $0x38;
	[tilespmem:$0x1DA80] =	vst v63  }
0x4c: {  	_ =	swait.ge [sflag:s31], $0x50  }
0x4d: {  	[sflag:s31] =	ssyncset.done $0x0  }
0x4e: {  	[sflag:s31] =	ssyncadd.s32 $0xFFFFFFB0  }
0x4f: {  	_ =	swait.ge [sflag:s31], $0x50  }
0x50: {  	[sflag:s31] =	ssyncset.done $0x0  }
0x51: {  	[sflag:s31] =	ssyncadd.s32 $0xFFFFFFB0  }
0x52: {  	_ =	swait.ge [sflag:s31], $0x2800  }
0x53: {  	[sflag:s31] =	ssyncset.done $0x0  }
0x54: {  	[sflag:s31] =	ssyncadd.s32 $0xFFFFD800  }
0x55: {  	[tilespmem:s26], [sflag:$0x3] =	stream.indirect.gather [hbm4b:s3+s0], $0x80, s15, s0, $0xb8;
	[tilespmem:$0x1DA80] =	vst v63  }
.LBB2_6:
0x56: {  	_ =	swait.ge [sflag:s10], $0x2800  }
0x57: {  	[sflag:s10] =	ssyncset.done $0x0  }
0x58: {  	s17 =	simm.s32 $0x400;
	[sflag:s10] =	ssyncadd.s32 $0xFFFFD800  }
0x59: {  	s16 =	simm.s32 $0x5400;
	v0 =	vld [tilespmem:s17+$0x180]  }
0x5a: {  	v1 =	vld [tilespmem:s16+$0x180]  }
0x5b: {  	v2 =	vld [tilespmem:s17+$0xFFFFFE80]  }
0x5c: {  	v4 =	vld [tilespmem:s16+$0xFFFFFE80]  }
0x5d: {  	v5 =	vld [tilespmem:s17+$0xFFFFFF00]  }
0x5e: {  	v6 =	vld [tilespmem:s16+$0xFFFFFF00]  }
0x5f: {  	v7 =	vld [tilespmem:s17+$0xFFFFFF80]  }
0x60: {  	v8 =	vld [tilespmem:s16+$0xFFFFFF80]  }
0x61: {  	v9 =	vld [tilespmem:s16+$0x0]  }
0x62: {  	v10 =	vld [tilespmem:s17+$0x80];
	v0 =	vadd.f32 v1, v0  }
0x63: {  	v12 =	vld [tilespmem:s16+$0xFFFFFF10]  }
0x64: {  	v13 =	vld [tilespmem:s16+$0x90];
	v0 =	vmax.f32 v0, $0.0e+00  }
0x65: {  	[tilespmem:s16+$0x180] =	vst v0;
	v0 =	vld [tilespmem:s16+$0x190]  }
0x66: {  	v3 =	vld [tilespmem:s17+$0x190]  }
0x67: {  	v57 =	vld [tilespmem:s16+$0xFFFFFFA0]  }
0x68: {  	v58 =	vld [tilespmem:s16+$0xFFFFFFB0]  }
0x69: {  	v59 =	vld [tilespmem:s16+$0x30]  }
0x6a: {  	v1 =	vld [tilespmem:s16+$0xFFFFFE00]  }
0x6b: {  	v2 =	vadd.f32 v4, v2;
	v4 =	vld [tilespmem:s16+$0x80];
	v0 =	vadd.f32 v0, v3  }
0x6c: {  	v5 =	vadd.f32 v6, v5;
	v6 =	vld [tilespmem:s17+$0x100]  }
0x6d: {  	v7 =	vadd.f32 v8, v7;
	v8 =	vld [tilespmem:s17+$0xFFFFFE00];
	v0 =	vmax.f32 v0, $0.0e+00  }
0x6e: {  	[tilespmem:s16+$0x190] =	vst v0;
	v0 =	vld [tilespmem:s16+$0x1A0]  }
0x6f: {  	v2 =	vmax.f32 v2, $0.0e+00;
	v11 =	vld [tilespmem:s17+$0x1A0]  }
0x70: {  	[tilespmem:s16+$0xFFFFFE80] =	vst v2;
	v2 =	vmax.f32 v5, $0.0e+00;
	v5 =	vld [tilespmem:s16+$0x100]  }
0x71: {  	v3 =	vld [tilespmem:s17+$0x0]  }
0x72: {  	v61 =	vld [tilespmem:s16+$0xC0]  }
0x73: {  	v62 =	vld [tilespmem:s16+$0xD0]  }
0x74: {  	[tilespmem:s16+$0xFFFFFF00] =	vst v2;
	v2 =	vmax.f32 v7, $0.0e+00;
	v7 =	vld [tilespmem:s17+$0xFFFFFE90];
	v0 =	vadd.f32 v0, v11  }
0x75: {  	v4 =	vadd.f32 v4, v10;
	v1 =	vadd.f32 v1, v8;
	v10 =	vld [tilespmem:s16+$0xFFFFFE10]  }
0x76: {  	[tilespmem:s16+$0xFFFFFF80] =	vst v2;
	v5 =	vadd.f32 v5, v6;
	v6 =	vld [tilespmem:s16+$0x10];
	v3 =	vadd.f32 v9, v3;
	v0 =	vmax.f32 v0, $0.0e+00  }
0x77: {  	[tilespmem:s16+$0x1A0] =	vst v0;
	v0 =	vmax.f32 v4, $0.0e+00;
	v4 =	vld [tilespmem:s16+$0x1B0]  }
0x78: {  	v2 =	vmax.f32 v3, $0.0e+00;
	[tilespmem:s16+$0x80] =	vst v0;
	v0 =	vmax.f32 v1, $0.0e+00;
	v1 =	vld [tilespmem:s17+$0x1B0]  }
0x79: {  	v3 =	vld [tilespmem:s17+$0xFFFFFF10];
	[tilespmem:s16+$0x0] =	vst v2  }
0x7a: {  	v2 =	vld [tilespmem:s17+$0xFFFFFF90];
	[tilespmem:s16+$0xFFFFFE00] =	vst v0  }
0x7b: {  	v0 =	vld [tilespmem:s17+$0xFFFFFE10]  }
0x7c: {  	v11 =	vld [tilespmem:s16+$0xFFFFFE90]  }
0x7d: {  	v8 =	vld [tilespmem:s17+$0x10];
	v1 =	vadd.f32 v4, v1  }
0x7e: {  	v9 =	vld [tilespmem:s17+$0x90]  }
0x7f: {  	v4 =	vld [tilespmem:s16+$0xFFFFFF90];
	v1 =	vmax.f32 v1, $0.0e+00  }
0x80: {  	v0 =	vadd.f32 v10, v0;
	[tilespmem:s16+$0x1B0] =	vst v1;
	v1 =	vmax.f32 v5, $0.0e+00;
	v5 =	vld [tilespmem:s16+$0x1C0]  }
0x81: {  	[tilespmem:s16+$0x100] =	vst v1;
	v1 =	vadd.f32 v11, v7;
	v7 =	vld [tilespmem:s17+$0x1C0]  }
0x82: {  	v0 =	vmax.f32 v0, $0.0e+00;
	v11 =	vld [tilespmem:s16+$0x110]  }
0x83: {  	v3 =	vadd.f32 v12, v3;
	v10 =	vld [tilespmem:s17+$0x110];
	[tilespmem:s16+$0xFFFFFE10] =	vst v0;
	v0 =	vmax.f32 v1, $0.0e+00  }
0x84: {  	v1 =	vadd.f32 v4, v2;
	v2 =	vld [tilespmem:s17+$0xFFFFFE20];
	[tilespmem:s16+$0xFFFFFE90] =	vst v0  }
0x85: {  	v0 =	vmax.f32 v3, $0.0e+00;
	v4 =	vld [tilespmem:s17+$0xFFFFFEA0]  }
0x86: {  	v3 =	vadd.f32 v6, v8;
	[tilespmem:s16+$0xFFFFFF10] =	vst v0;
	v0 =	vmax.f32 v1, $0.0e+00;
	v1 =	vadd.f32 v13, v9;
	v9 =	vld [tilespmem:s16+$0xFFFFFE20]  }
0x87: {  	v6 =	vld [tilespmem:s17+$0xFFFFFF20];
	[tilespmem:s16+$0xFFFFFF90] =	vst v0  }
0x88: {  	v0 =	vmax.f32 v3, $0.0e+00;
	v3 =	vadd.f32 v5, v7;
	v5 =	vld [tilespmem:s17+$0xFFFFFFA0]  }
0x89: {  	[tilespmem:s16+$0x10] =	vst v0;
	v0 =	vmax.f32 v1, $0.0e+00;
	v1 =	vadd.f32 v11, v10;
	v10 =	vld [tilespmem:s16+$0xFFFFFEA0]  }
0x8a: {  	v11 =	vld [tilespmem:s16+$0xFFFFFF20]  }
0x8b: {  	v7 =	vld [tilespmem:s17+$0x20];
	[tilespmem:s16+$0x90] =	vst v0  }
0x8c: {  	v0 =	vmax.f32 v3, $0.0e+00;
	v3 =	vld [tilespmem:s17+$0xA0]  }
0x8d: {  	[tilespmem:s16+$0x1C0] =	vst v0;
	v0 =	vmax.f32 v1, $0.0e+00;
	v1 =	vld [tilespmem:s16+$0x1D0]  }
0x8e: {  	[tilespmem:s16+$0x110] =	vst v0;
	v0 =	vld [tilespmem:s17+$0x1D0];
	v2 =	vadd.f32 v9, v2  }
0x8f: {  	v9 =	vld [tilespmem:s16+$0xA0]  }
0x90: {  	v8 =	vld [tilespmem:s17+$0x120];
	v2 =	vmax.f32 v2, $0.0e+00  }
0x91: {  	v4 =	vadd.f32 v10, v4;
	v10 =	vld [tilespmem:s16+$0x120];
	[tilespmem:s16+$0xFFFFFE20] =	vst v2  }
0x92: {  	v6 =	vadd.f32 v11, v6;
	v11 =	vld [tilespmem:s17+$0xFFFFFE30]  }
0x93: {  	v2 =	vmax.f32 v4, $0.0e+00;
	v0 =	vadd.f32 v1, v0;
	v1 =	vld [tilespmem:s16+$0x20]  }
0x94: {  	v4 =	vadd.f32 v57, v5;
	[tilespmem:s16+$0xFFFFFEA0] =	vst v2;
	v2 =	vmax.f32 v6, $0.0e+00;
	v3 =	vadd.f32 v9, v3;
	v9 =	vld [tilespmem:s16+$0xFFFFFEB0]  }
0x95: {  	v6 =	vld [tilespmem:s17+$0xFFFFFEB0];
	[tilespmem:s16+$0xFFFFFF20] =	vst v2  }
0x96: {  	v2 =	vmax.f32 v4, $0.0e+00;
	v4 =	vld [tilespmem:s17+$0xFFFFFF30]  }
0x97: {  	[tilespmem:s16+$0xFFFFFFA0] =	vst v2;
	v2 =	vadd.f32 v10, v8;
	v8 =	vld [tilespmem:s16+$0xFFFFFE30]  }
0x98: {  	v0 =	vmax.f32 v0, $0.0e+00;
	v10 =	vld [tilespmem:s16+$0xFFFFFF30]  }
0x99: {  	[tilespmem:s16+$0x1D0] =	vst v0;
	v0 =	vld [tilespmem:s16+$0x1E0]  }
0x9a: {  	v5 =	vld [tilespmem:s17+$0x1E0]  }
0x9b: {  	v1 =	vadd.f32 v1, v7;
	v7 =	vld [tilespmem:s17+$0xFFFFFFB0]  }
0x9c: {  	v6 =	vadd.f32 v9, v6;
	v9 =	vld [tilespmem:s16+$0x130]  }
0x9d: {  	v1 =	vmax.f32 v1, $0.0e+00;
	v8 =	vadd.f32 v8, v11;
	v11 =	vld [tilespmem:s16+$0xB0]  }
0x9e: {  	v4 =	vadd.f32 v10, v4;
	v10 =	vld [tilespmem:s16+$0xFFFFFE40];
	[tilespmem:s16+$0x20] =	vst v1;
	v1 =	vmax.f32 v3, $0.0e+00  }
0x9f: {  	v6 =	vmax.f32 v6, $0.0e+00;
	v3 =	vld [tilespmem:s17+$0x30];
	[tilespmem:s16+$0xA0] =	vst v1  }
0xa0: {  	v1 =	vmax.f32 v2, $0.0e+00;
	v8 =	vmax.f32 v8, $0.0e+00;
	[tilespmem:s16+$0xFFFFFEB0] =	vst v6;
	v2 =	vld [tilespmem:s17+$0xB0]  }
0xa1: {  	[tilespmem:s16+$0xFFFFFE30] =	vst v8;
	v8 =	vld [tilespmem:s16+$0xFFFFFEC0]  }
0xa2: {  	[tilespmem:s16+$0x120] =	vst v1;
	v7 =	vadd.f32 v58, v7;
	v6 =	vld [tilespmem:s17+$0xFFFFFEC0]  }
0xa3: {  	v4 =	vmax.f32 v4, $0.0e+00;
	v1 =	vld [tilespmem:s17+$0x130]  }
0xa4: {  	[tilespmem:s16+$0xFFFFFF30] =	vst v4;
	v60 =	vld [tilespmem:s17+$0xFFFFFE40];
	v4 =	vmax.f32 v7, $0.0e+00  }
0xa5: {  	v7 =	vld [tilespmem:s17+$0xFFFFFF40];
	[tilespmem:s16+$0xFFFFFFB0] =	vst v4  }
0xa6: {  	v3 =	vadd.f32 v59, v3;
	v4 =	vld [tilespmem:s17+$0xFFFFFFC0]  }
0xa7: {  	v2 =	vadd.f32 v11, v2;
	v11 =	vld [tilespmem:s16+$0xFFFFFFC0]  }
0xa8: {  	v6 =	vadd.f32 v8, v6;
	v8 =	vld [tilespmem:s16+$0x40];
	v3 =	vmax.f32 v3, $0.0e+00;
	v1 =	vadd.f32 v9, v1  }
0xa9: {  	v9 =	vld [tilespmem:s16+$0xFFFFFF40];
	v10 =	vadd.f32 v10, v60;
	[tilespmem:s16+$0x30] =	vst v3;
	v2 =	vmax.f32 v2, $0.0e+00  }
0xaa: {  	v3 =	vld [tilespmem:s17+$0x40];
	[tilespmem:s16+$0xB0] =	vst v2;
	v1 =	vmax.f32 v1, $0.0e+00  }
0xab: {  	v10 =	vmax.f32 v10, $0.0e+00;
	v2 =	vld [tilespmem:s17+$0xC0];
	[tilespmem:s16+$0x130] =	vst v1  }
0xac: {  	[tilespmem:s16+$0xFFFFFE40] =	vst v10;
	v10 =	vld [tilespmem:s16+$0x140]  }
0xad: {  	v6 =	vmax.f32 v6, $0.0e+00;
	v1 =	vld [tilespmem:s17+$0x140]  }
0xae: {  	[tilespmem:s16+$0xFFFFFEC0] =	vst v6;
	v6 =	vld [tilespmem:s17+$0xFFFFFE50];
	v4 =	vadd.f32 v11, v4  }
0xaf: {  	v11 =	vld [tilespmem:s16+$0xFFFFFE50];
	v7 =	vadd.f32 v9, v7  }
0xb0: {  	v9 =	vld [tilespmem:s17+$0xFFFFFED0];
	v4 =	vmax.f32 v4, $0.0e+00  }
0xb1: {  	v7 =	vmax.f32 v7, $0.0e+00;
	v3 =	vadd.f32 v8, v3;
	v8 =	vld [tilespmem:s16+$0xFFFFFED0];
	[tilespmem:s16+$0xFFFFFFC0] =	vst v4  }
0xb2: {  	[tilespmem:s16+$0xFFFFFF40] =	vst v7;
	v2 =	vadd.f32 v61, v2;
	v4 =	vld [tilespmem:s17+$0xFFFFFFD0]  }
0xb3: {  	v7 =	vld [tilespmem:s17+$0xFFFFFF50];
	v3 =	vmax.f32 v3, $0.0e+00  }
0xb4: {  	v1 =	vadd.f32 v10, v1;
	v6 =	vadd.f32 v11, v6;
	v11 =	vld [tilespmem:s16+$0xFFFFFFD0];
	[tilespmem:s16+$0x40] =	vst v3;
	v2 =	vmax.f32 v2, $0.0e+00  }
0xb5: {  	v3 =	vld [tilespmem:s17+$0x50];
	[tilespmem:s16+$0xC0] =	vst v2  }
0xb6: {  	v1 =	vmax.f32 v1, $0.0e+00;
	v2 =	vld [tilespmem:s17+$0xD0]  }
0xb7: {  	[tilespmem:s16+$0x140] =	vst v1;
	v1 =	vld [tilespmem:s16+$0xFFFFFF50]  }
0xb8: {  	v8 =	vadd.f32 v8, v9;
	v9 =	vld [tilespmem:s16+$0x50]  }
0xb9: {  	v6 =	vmax.f32 v6, $0.0e+00;
	v10 =	vld [tilespmem:s17+$0x150]  }
0xba: {  	[tilespmem:s16+$0xFFFFFE50] =	vst v6;
	v6 =	vmax.f32 v8, $0.0e+00;
	v8 =	vld [tilespmem:s16+$0x150]  }
0xbb: {  	v4 =	vadd.f32 v11, v4;
	[tilespmem:s16+$0xFFFFFED0] =	vst v6;
	v6 =	vld [tilespmem:s17+$0xFFFFFE60]  }
0xbc: {  	v63 =	vld [tilespmem:s17+$0xFFFFFEE0];
	v1 =	vadd.f32 v1, v7  }
0xbd: {  	v4 =	vmax.f32 v4, $0.0e+00;
	v7 =	vld [tilespmem:s16+$0xFFFFFE60];
	v3 =	vadd.f32 v9, v3  }
0xbe: {  	v9 =	vld [tilespmem:s16+$0xFFFFFEE0];
	v11 =	vadd.f32 v62, v2;
	[tilespmem:s16+$0xFFFFFFD0] =	vst v4;
	v1 =	vmax.f32 v1, $0.0e+00  }
0xbf: {  	v2 =	vld [tilespmem:s17+$0xFFFFFFE0];
	v3 =	vmax.f32 v3, $0.0e+00;
	[tilespmem:s16+$0xFFFFFF50] =	vst v1  }
0xc0: {  	v4 =	vadd.f32 v8, v10;
	v8 =	vmax.f32 v11, $0.0e+00;
	[tilespmem:s16+$0x50] =	vst v3;
	v1 =	vld [tilespmem:s17+$0xFFFFFF60]  }
0xc1: {  	[tilespmem:s16+$0xD0] =	vst v8;
	v3 =	vld [tilespmem:s17+$0x60]  }
0xc2: {  	v8 =	vmax.f32 v4, $0.0e+00;
	v4 =	vld [tilespmem:s17+$0xE0]  }
0xc3: {  	v5 =	vadd.f32 v0, v5;
	v6 =	vadd.f32 v7, v6;
	v7 =	vld [tilespmem:s16+$0xFFFFFF60]  }
0xc4: {  	v10 =	vadd.f32 v9, v63;
	v9 =	vld [tilespmem:s16+$0xFFFFFFE0]  }
0xc5: {  	v5 =	vmax.f32 v5, $0.0e+00;
	[tilespmem:s16+$0x150] =	vst v8;
	v8 =	vld [tilespmem:s16+$0x60]  }
0xc6: {  	[tilespmem:s16+$0x1E0] =	vst v5;
	v0 =	vld [tilespmem:s17+$0x160];
	v5 =	vmax.f32 v6, $0.0e+00  }
0xc7: {  	v6 =	vld [tilespmem:s16+$0xE0];
	[tilespmem:s16+$0xFFFFFE60] =	vst v5;
	v5 =	vmax.f32 v10, $0.0e+00  }
0xc8: {  	s18 =	simm.s32 $0x0;
	s21 =	simm.s32 $0x800;
	s17 =	simm.s32 $0x5400;
	[tilespmem:s16+$0xFFFFFEE0] =	vst v5;
	v5 =	vld [tilespmem:s16+$0x160]  }
.LBB2_7:
0xc9: {  	v10 =	vld [tilespmem:s21+$0x180];
	v1 =	vadd.f32 v7, v1;
	s16 =	sadd.s32 $0x400, s16  }
0xca: {  	s18 =	sadd.s32 $0x8, s18;
	v7 =	vld [tilespmem:s16+$0x180];
	v2 =	vadd.f32 v9, v2  }
0xcb: {  	p3 =	slt.u32 s18, $0x48;
	v9 =	vld [tilespmem:s16+$0xFFFFFE00];
	v1 =	vmax.f32 v1, $0.0e+00;
	v3 =	vadd.f32 v8, v3  }
0xcc: {  	v8 =	vld [tilespmem:s21+$0xFFFFFE80];
	[tilespmem:s17+$0xFFFFFF60] =	vst v1;
	v1 =	vmax.f32 v2, $0.0e+00;
	v2 =	vadd.f32 v6, v4  }
0xcd: {  	v4 =	vld [tilespmem:s16+$0xFFFFFE80];
	[tilespmem:s17+$0xFFFFFFE0] =	vst v1;
	v1 =	vmax.f32 v3, $0.0e+00;
	v0 =	vadd.f32 v5, v0  }
0xce: {  	v3 =	vld [tilespmem:s21+$0xFFFFFF00];
	[tilespmem:s17+$0x60] =	vst v1;
	v1 =	vmax.f32 v2, $0.0e+00  }
0xcf: {  	v2 =	vld [tilespmem:s16+$0xFFFFFF00];
	v5 =	vadd.f32 v7, v10;
	[tilespmem:s17+$0xE0] =	vst v1;
	v0 =	vmax.f32 v0, $0.0e+00  }
0xd0: {  	v1 =	vld [tilespmem:s21+$0xFFFFFF80];
	[tilespmem:s17+$0x160] =	vst v0;
	s17 =	smov.u32 s16  }
0xd1: {  	v0 =	vld [tilespmem:s16+$0xFFFFFF80];
	v5 =	vmax.f32 v5, $0.0e+00  }
0xd2: {  	v4 =	vadd.f32 v4, v8;
	[tilespmem:s16+$0x180] =	vst v5;
	v5 =	vld [tilespmem:s16+$0x190]  }
0xd3: {  	v6 =	vld [tilespmem:s21+$0x190]  }
0xd4: {  	v4 =	vmax.f32 v4, $0.0e+00;
	v2 =	vadd.f32 v2, v3;
	v3 =	vld [tilespmem:s21+$0x0]  }
0xd5: {  	[tilespmem:s16+$0xFFFFFE80] =	vst v4;
	v4 =	vld [tilespmem:s16+$0x0]  }
0xd6: {  	v2 =	vmax.f32 v2, $0.0e+00;
	v0 =	vadd.f32 v0, v1;
	v1 =	vld [tilespmem:s21+$0x80]  }
0xd7: {  	[tilespmem:s16+$0xFFFFFF00] =	vst v2;
	v2 =	vld [tilespmem:s16+$0x80]  }
0xd8: {  	v0 =	vmax.f32 v0, $0.0e+00;
	v7 =	vld [tilespmem:s21+$0x100];
	v5 =	vadd.f32 v5, v6  }
0xd9: {  	[tilespmem:s16+$0xFFFFFF80] =	vst v0;
	v0 =	vld [tilespmem:s16+$0x100]  }
0xda: {  	v6 =	vld [tilespmem:s21+$0xFFFFFE00];
	v3 =	vadd.f32 v4, v3;
	v4 =	vmax.f32 v5, $0.0e+00  }
0xdb: {  	[tilespmem:s16+$0x190] =	vst v4;
	v4 =	vld [tilespmem:s16+$0x1A0]  }
0xdc: {  	v3 =	vmax.f32 v3, $0.0e+00;
	v1 =	vadd.f32 v2, v1;
	v2 =	vld [tilespmem:s21+$0x1A0]  }
0xdd: {  	v5 =	vld [tilespmem:s21+$0xFFFFFE90];
	[tilespmem:s16+$0x0] =	vst v3  }
0xde: {  	v3 =	vld [tilespmem:s21+$0xFFFFFF10];
	v1 =	vmax.f32 v1, $0.0e+00;
	v0 =	vadd.f32 v0, v7  }
0xdf: {  	v6 =	vadd.f32 v9, v6;
	v7 =	vld [tilespmem:s21+$0xFFFFFF90];
	[tilespmem:s16+$0x80] =	vst v1  }
0xe0: {  	v1 =	vld [tilespmem:s21+$0x10];
	v0 =	vmax.f32 v0, $0.0e+00  }
0xe1: {  	v6 =	vmax.f32 v6, $0.0e+00;
	v8 =	vld [tilespmem:s21+$0x90];
	[tilespmem:s16+$0x100] =	vst v0;
	v0 =	vadd.f32 v4, v2  }
0xe2: {  	[tilespmem:s16+$0xFFFFFE00] =	vst v6;
	v2 =	vld [tilespmem:s21+$0x110]  }
0xe3: {  	v4 =	vld [tilespmem:s21+$0xFFFFFE10];
	v0 =	vmax.f32 v0, $0.0e+00  }
0xe4: {  	[tilespmem:s16+$0x1A0] =	vst v0;
	v0 =	vld [tilespmem:s16+$0x1B0]  }
0xe5: {  	v6 =	vld [tilespmem:s21+$0x1B0]  }
0xe6: {  	v9 =	vld [tilespmem:s16+$0xFFFFFE10]  }
0xe7: {  	v10 =	vld [tilespmem:s16+$0xFFFFFE90]  }
0xe8: {  	v11 =	vld [tilespmem:s16+$0xFFFFFF10]  }
0xe9: {  	v12 =	vld [tilespmem:s16+$0xFFFFFF90]  }
0xea: {  	v13 =	vld [tilespmem:s16+$0x10];
	v0 =	vadd.f32 v0, v6  }
0xeb: {  	v4 =	vadd.f32 v9, v4;
	v6 =	vld [tilespmem:s16+$0x90]  }
0xec: {  	v5 =	vadd.f32 v10, v5;
	v9 =	vld [tilespmem:s16+$0x110];
	v0 =	vmax.f32 v0, $0.0e+00  }
0xed: {  	v4 =	vmax.f32 v4, $0.0e+00;
	v3 =	vadd.f32 v11, v3;
	[tilespmem:s16+$0x1B0] =	vst v0;
	v0 =	vld [tilespmem:s16+$0x1C0]  }
0xee: {  	[tilespmem:s16+$0xFFFFFE10] =	vst v4;
	v4 =	vmax.f32 v5, $0.0e+00;
	v5 =	vadd.f32 v12, v7;
	v7 =	vld [tilespmem:s21+$0x1C0]  }
0xef: {  	v10 =	vld [tilespmem:s21+$0xFFFFFE20];
	[tilespmem:s16+$0xFFFFFE90] =	vst v4;
	v3 =	vmax.f32 v3, $0.0e+00;
	v1 =	vadd.f32 v13, v1  }
0xf0: {  	v4 =	vld [tilespmem:s21+$0xFFFFFEA0];
	[tilespmem:s16+$0xFFFFFF10] =	vst v3;
	v3 =	vmax.f32 v5, $0.0e+00;
	v5 =	vadd.f32 v6, v8  }
0xf1: {  	v6 =	vld [tilespmem:s21+$0xFFFFFF20];
	[tilespmem:s16+$0xFFFFFF90] =	vst v3;
	v1 =	vmax.f32 v1, $0.0e+00;
	v2 =	vadd.f32 v9, v2  }
0xf2: {  	v3 =	vld [tilespmem:s21+$0xFFFFFFA0];
	[tilespmem:s16+$0x10] =	vst v1;
	v1 =	vmax.f32 v5, $0.0e+00  }
0xf3: {  	v5 =	vld [tilespmem:s21+$0x20];
	[tilespmem:s16+$0x90] =	vst v1;
	v1 =	vmax.f32 v2, $0.0e+00;
	v0 =	vadd.f32 v0, v7  }
0xf4: {  	v2 =	vld [tilespmem:s21+$0xA0];
	[tilespmem:s16+$0x110] =	vst v1  }
0xf5: {  	v1 =	vld [tilespmem:s21+$0x120];
	v0 =	vmax.f32 v0, $0.0e+00  }
0xf6: {  	[tilespmem:s16+$0x1C0] =	vst v0;
	v0 =	vld [tilespmem:s16+$0x1D0]  }
0xf7: {  	v7 =	vld [tilespmem:s21+$0x1D0]  }
0xf8: {  	v8 =	vld [tilespmem:s16+$0xFFFFFE20]  }
0xf9: {  	v9 =	vld [tilespmem:s16+$0xFFFFFEA0]  }
0xfa: {  	v11 =	vld [tilespmem:s16+$0xFFFFFF20]  }
0xfb: {  	v12 =	vld [tilespmem:s16+$0xFFFFFFA0]  }
0xfc: {  	v13 =	vld [tilespmem:s16+$0x20];
	v0 =	vadd.f32 v0, v7  }
0xfd: {  	v7 =	vadd.f32 v8, v10;
	v8 =	vld [tilespmem:s16+$0xA0]  }
0xfe: {  	v4 =	vadd.f32 v9, v4;
	v9 =	vld [tilespmem:s16+$0x120];
	v0 =	vmax.f32 v0, $0.0e+00  }
0xff: {  	v7 =	vmax.f32 v7, $0.0e+00;
	v6 =	vadd.f32 v11, v6;
	[tilespmem:s16+$0x1D0] =	vst v0;
	v0 =	vld [tilespmem:s16+$0x1E0]  }
0x100: {  	[tilespmem:s16+$0xFFFFFE20] =	vst v7;
	v4 =	vmax.f32 v4, $0.0e+00;
	v3 =	vadd.f32 v12, v3;
	v7 =	vld [tilespmem:s21+$0x1E0]  }
0x101: {  	v10 =	vld [tilespmem:s21+$0xFFFFFE30];
	[tilespmem:s16+$0xFFFFFEA0] =	vst v4;
	v4 =	vmax.f32 v6, $0.0e+00;
	v5 =	vadd.f32 v13, v5  }
0x102: {  	v6 =	vld [tilespmem:s21+$0xFFFFFEB0];
	[tilespmem:s16+$0xFFFFFF20] =	vst v4;
	v3 =	vmax.f32 v3, $0.0e+00;
	v2 =	vadd.f32 v8, v2  }
0x103: {  	v4 =	vld [tilespmem:s21+$0xFFFFFF30];
	[tilespmem:s16+$0xFFFFFFA0] =	vst v3;
	v3 =	vmax.f32 v5, $0.0e+00;
	v1 =	vadd.f32 v9, v1  }
0x104: {  	v5 =	vld [tilespmem:s21+$0xFFFFFFB0];
	[tilespmem:s16+$0x20] =	vst v3;
	v2 =	vmax.f32 v2, $0.0e+00  }
0x105: {  	v3 =	vld [tilespmem:s21+$0x30];
	[tilespmem:s16+$0xA0] =	vst v2;
	v1 =	vmax.f32 v1, $0.0e+00;
	v0 =	vadd.f32 v0, v7  }
0x106: {  	v2 =	vld [tilespmem:s21+$0xB0];
	[tilespmem:s16+$0x120] =	vst v1  }
0x107: {  	v1 =	vld [tilespmem:s21+$0x130];
	v0 =	vmax.f32 v0, $0.0e+00  }
0x108: {  	v7 =	vld [tilespmem:s16+$0xFFFFFE30];
	[tilespmem:s16+$0x1E0] =	vst v0  }
0x109: {  	v0 =	vld [tilespmem:s16+$0xFFFFFEB0]  }
0x10a: {  	v8 =	vld [tilespmem:s16+$0xFFFFFF30]  }
0x10b: {  	v9 =	vld [tilespmem:s16+$0xFFFFFFB0]  }
0x10c: {  	v11 =	vld [tilespmem:s16+$0x30]  }
0x10d: {  	v7 =	vadd.f32 v7, v10;
	v10 =	vld [tilespmem:s16+$0xB0]  }
0x10e: {  	v0 =	vadd.f32 v0, v6;
	v6 =	vld [tilespmem:s16+$0x130]  }
0x10f: {  	v7 =	vmax.f32 v7, $0.0e+00;
	v12 =	vld [tilespmem:s16+$0xFFFFFE40];
	v4 =	vadd.f32 v8, v4  }
0x110: {  	[tilespmem:s16+$0xFFFFFE30] =	vst v7;
	v0 =	vmax.f32 v0, $0.0e+00;
	v7 =	vld [tilespmem:s16+$0xFFFFFEC0];
	v5 =	vadd.f32 v9, v5  }
0x111: {  	v8 =	vld [tilespmem:s21+$0xFFFFFE40];
	[tilespmem:s16+$0xFFFFFEB0] =	vst v0;
	v0 =	vmax.f32 v4, $0.0e+00;
	v3 =	vadd.f32 v11, v3  }
0x112: {  	v4 =	vld [tilespmem:s21+$0xFFFFFEC0];
	[tilespmem:s16+$0xFFFFFF30] =	vst v0;
	v0 =	vmax.f32 v5, $0.0e+00;
	v2 =	vadd.f32 v10, v2  }
0x113: {  	v5 =	vld [tilespmem:s21+$0xFFFFFF40];
	[tilespmem:s16+$0xFFFFFFB0] =	vst v0;
	v0 =	vmax.f32 v3, $0.0e+00;
	v1 =	vadd.f32 v6, v1  }
0x114: {  	v3 =	vld [tilespmem:s21+$0xFFFFFFC0];
	[tilespmem:s16+$0x30] =	vst v0;
	v0 =	vmax.f32 v2, $0.0e+00  }
0x115: {  	v2 =	vld [tilespmem:s21+$0x40];
	[tilespmem:s16+$0xB0] =	vst v0;
	v0 =	vmax.f32 v1, $0.0e+00  }
0x116: {  	v1 =	vadd.f32 v12, v8;
	v6 =	vld [tilespmem:s21+$0xC0];
	[tilespmem:s16+$0x130] =	vst v0  }
0x117: {  	v0 =	vadd.f32 v7, v4;
	v4 =	vld [tilespmem:s21+$0x140]  }
0x118: {  	v1 =	vmax.f32 v1, $0.0e+00;
	v7 =	vld [tilespmem:s16+$0xFFFFFF40]  }
0x119: {  	[tilespmem:s16+$0xFFFFFE40] =	vst v1;
	v0 =	vmax.f32 v0, $0.0e+00;
	v1 =	vld [tilespmem:s16+$0xFFFFFFC0]  }
0x11a: {  	[tilespmem:s16+$0xFFFFFEC0] =	vst v0;
	v0 =	vld [tilespmem:s16+$0x40]  }
0x11b: {  	v8 =	vld [tilespmem:s16+$0xC0]  }
0x11c: {  	v9 =	vld [tilespmem:s16+$0x140]  }
0x11d: {  	v10 =	vld [tilespmem:s21+$0xFFFFFE50];
	v5 =	vadd.f32 v7, v5  }
0x11e: {  	v7 =	vld [tilespmem:s21+$0xFFFFFED0];
	v1 =	vadd.f32 v1, v3  }
0x11f: {  	v3 =	vld [tilespmem:s16+$0xFFFFFE50];
	v5 =	vmax.f32 v5, $0.0e+00;
	v0 =	vadd.f32 v0, v2  }
0x120: {  	v2 =	vld [tilespmem:s16+$0xFFFFFED0];
	[tilespmem:s16+$0xFFFFFF40] =	vst v5;
	v1 =	vmax.f32 v1, $0.0e+00;
	v5 =	vadd.f32 v8, v6  }
0x121: {  	v6 =	vld [tilespmem:s21+$0xFFFFFF50];
	[tilespmem:s16+$0xFFFFFFC0] =	vst v1;
	v0 =	vmax.f32 v0, $0.0e+00;
	v1 =	vadd.f32 v9, v4  }
0x122: {  	v4 =	vld [tilespmem:s21+$0xFFFFFFD0];
	[tilespmem:s16+$0x40] =	vst v0;
	v0 =	vmax.f32 v5, $0.0e+00  }
0x123: {  	v5 =	vld [tilespmem:s21+$0x50];
	[tilespmem:s16+$0xC0] =	vst v0;
	v0 =	vmax.f32 v1, $0.0e+00  }
0x124: {  	v1 =	vadd.f32 v3, v10;
	v3 =	vld [tilespmem:s21+$0xD0];
	[tilespmem:s16+$0x140] =	vst v0  }
0x125: {  	v0 =	vadd.f32 v2, v7;
	v2 =	vld [tilespmem:s21+$0x150]  }
0x126: {  	v1 =	vmax.f32 v1, $0.0e+00;
	v7 =	vld [tilespmem:s16+$0xFFFFFF50]  }
0x127: {  	[tilespmem:s16+$0xFFFFFE50] =	vst v1;
	v0 =	vmax.f32 v0, $0.0e+00;
	v1 =	vld [tilespmem:s16+$0xFFFFFFD0]  }
0x128: {  	[tilespmem:s16+$0xFFFFFED0] =	vst v0;
	v0 =	vld [tilespmem:s16+$0x50]  }
0x129: {  	v8 =	vld [tilespmem:s16+$0xD0]  }
0x12a: {  	v9 =	vld [tilespmem:s16+$0x150]  }
0x12b: {  	v10 =	vld [tilespmem:s21+$0xFFFFFE60];
	v6 =	vadd.f32 v7, v6  }
0x12c: {  	v7 =	vld [tilespmem:s21+$0xFFFFFEE0];
	v1 =	vadd.f32 v1, v4  }
0x12d: {  	v4 =	vld [tilespmem:s16+$0xFFFFFE60];
	v6 =	vmax.f32 v6, $0.0e+00;
	v0 =	vadd.f32 v0, v5  }
0x12e: {  	v5 =	vld [tilespmem:s16+$0xFFFFFEE0];
	[tilespmem:s16+$0xFFFFFF50] =	vst v6;
	v6 =	vmax.f32 v1, $0.0e+00;
	v3 =	vadd.f32 v8, v3  }
0x12f: {  	v1 =	vld [tilespmem:s21+$0xFFFFFF60];
	[tilespmem:s16+$0xFFFFFFD0] =	vst v6;
	v0 =	vmax.f32 v0, $0.0e+00;
	v6 =	vadd.f32 v9, v2  }
0x130: {  	v2 =	vld [tilespmem:s21+$0xFFFFFFE0];
	[tilespmem:s16+$0x50] =	vst v0;
	v0 =	vmax.f32 v3, $0.0e+00  }
0x131: {  	v3 =	vld [tilespmem:s21+$0x60];
	[tilespmem:s16+$0xD0] =	vst v0;
	v0 =	vmax.f32 v6, $0.0e+00  }
0x132: {  	v6 =	vadd.f32 v4, v10;
	v4 =	vld [tilespmem:s21+$0xE0];
	[tilespmem:s16+$0x150] =	vst v0  }
0x133: {  	v5 =	vadd.f32 v5, v7;
	v0 =	vld [tilespmem:s21+$0x160]  }
.Ltmp6:
0x134: {  	v6 =	vmax.f32 v6, $0.0e+00;
	v7 =	vld [tilespmem:s16+$0xFFFFFF60];
	(pc) =	sbr.rel @p3 .LBB2_7-.Ltmp6, $4  }
0x135: {  	[tilespmem:s16+$0xFFFFFE60] =	vst v6;
	v5 =	vmax.f32 v5, $0.0e+00;
	v9 =	vld [tilespmem:s16+$0xFFFFFFE0]  }
0x136: {  	[tilespmem:s16+$0xFFFFFEE0] =	vst v5;
	v8 =	vld [tilespmem:s16+$0x60]  }
0x137: {  	v6 =	vld [tilespmem:s16+$0xE0]  }
0x138: {  	s21 =	sadd.s32 $0x400, s21;
	v5 =	vld [tilespmem:s16+$0x160]  }
0x139: {  	v1 =	vadd.f32 v7, v1  }
0x13a: {  	v2 =	vadd.f32 v9, v2  }
0x13b: {  	v1 =	vmax.f32 v1, $0.0e+00;
	v3 =	vadd.f32 v8, v3  }
0x13c: {  	[tilespmem:s17+$0xFFFFFF60] =	vst v1;
	v1 =	vmax.f32 v2, $0.0e+00;
	v2 =	vadd.f32 v6, v4  }
0x13d: {  	[tilespmem:s17+$0xFFFFFFE0] =	vst v1;
	v1 =	vmax.f32 v3, $0.0e+00;
	v0 =	vadd.f32 v5, v0  }
0x13e: {  	[tilespmem:s17+$0x60] =	vst v1;
	v1 =	vmax.f32 v2, $0.0e+00  }
0x13f: {  	[tilespmem:s17+$0xE0] =	vst v1;
	v0 =	vmax.f32 v0, $0.0e+00  }
0x140: {  	[tilespmem:s17+$0x160] =	vst v0  }
0x141: {  	[spmem:s1] =	stream.indirect.scatter.add.f32 [tilespmem:s26], [sflag:$0x5], $0x80, s25, s0, $0xb8;
	[tilespmem:$0x1DA80] =	vst v63  }
0x142: {  	_ =	swait.ge [sflag:s24], $0x2800  }
0x143: {  	[sflag:s24] =	ssyncset.done $0x0  }
0x144: {  	[sflag:s24] =	ssyncadd.s32 $0xFFFFD800  }
0x145: {  	_ =	swait.ge [sflag:s12], $0x50  }
0x146: {  	[sflag:s12] =	ssyncset.done $0x0  }
0x147: {  	[sflag:s12] =	ssyncadd.s32 $0xFFFFFFB0  }
0x148: {  	_ =	swait.ge [sflag:s12], $0x50  }
0x149: {  	p3 =	seq.s32 s15, $0x7C;
	[sflag:s12] =	ssyncset.done $0x0  }
0x14a: {  	s16 =	smul.u32 @!p3 $0xA0, s15;
	[sflag:s12] =	ssyncadd.s32 $0xFFFFFFB0  }
0x14b: {  	_ =	swait.ge [sflag:s12], $0x2800  }
0x14c: {  	s16 =	sadd.s32 @!p3 s16, s19;
	[sflag:s12] =	ssyncset.done $0x0  }
0x14d: {  	s17 =	sshrl.u32 @!p3 s16, $0x3;
	[sflag:s12] =	ssyncadd.s32 $0xFFFFD800  }
0x14e: {  	[tilespmem:s5], [sflag:$0x4] =	stream.indirect.gather [hbm4b:s3+s0], $0x80, s28, s0, $0xb8;
	[tilespmem:$0x1DA80] =	vst v63  }
0x14f: {  	s21 =	simm.s32 @!p3 $0x0;
	s18 =	sadd.s32 @!p3 s6, s17  }
0x150: {  	[tilespmem:s21], [sflag:$0x1] =	stream.linear.gather @!p3 [hbm4b:s18+s21], $0x50, $0x38;
	[tilespmem:$0x1DA80] =	vst v63  }
0x151: {  	s16 =	sshll.u32 @!p3 s16, $0x4;
	s17 =	sadd.s32 @!p3 s7, s17;
	s18 =	simm.s32 @!p3 $0x100  }
0x152: {  	[tilespmem:s18], [sflag:$0x1] =	stream.linear.gather @!p3 [hbm4b:s17+s21], $0x50, $0x38;
	[tilespmem:$0x1DA80] =	vst v63  }
0x153: {  	s16 =	sadd.s32 @!p3 s8, s16;
	s17 =	simm.s32 @!p3 $0x200  }
0x154: {  	[tilespmem:s17], [sflag:$0x1] =	stream.linear.gather @!p3 [hbm4b:s16+s21], $0x2800, $0x38;
	[tilespmem:$0x1DA80] =	vst v63  }
0x155: {  	_ =	swait.ge [sflag:s4], $0x2800  }
0x156: {  	[sflag:s4] =	ssyncset.done $0x0  }
0x157: {  	s21 =	simm.s32 $0x2C00;
	[sflag:s4] =	ssyncadd.s32 $0xFFFFD800  }
0x158: {  	s16 =	simm.s32 $0x7C00;
	v0 =	vld [tilespmem:s21+$0x180]  }
0x159: {  	v1 =	vld [tilespmem:s16+$0x180]  }
0x15a: {  	v2 =	vld [tilespmem:s21+$0xFFFFFE80]  }
0x15b: {  	v4 =	vld [tilespmem:s16+$0xFFFFFE80]  }
0x15c: {  	v5 =	vld [tilespmem:s21+$0xFFFFFF00]  }
0x15d: {  	v6 =	vld [tilespmem:s16+$0xFFFFFF00]  }
0x15e: {  	v7 =	vld [tilespmem:s21+$0xFFFFFF80]  }
0x15f: {  	v8 =	vld [tilespmem:s16+$0xFFFFFF80]  }
0x160: {  	v9 =	vld [tilespmem:s16+$0x0]  }
0x161: {  	v10 =	vld [tilespmem:s21+$0x80];
	v0 =	vadd.f32 v1, v0  }
0x162: {  	v12 =	vld [tilespmem:s16+$0xFFFFFF10]  }
0x163: {  	v13 =	vld [tilespmem:s16+$0x90];
	v0 =	vmax.f32 v0, $0.0e+00  }
0x164: {  	[tilespmem:s16+$0x180] =	vst v0;
	v0 =	vld [tilespmem:s16+$0x190]  }
0x165: {  	v3 =	vld [tilespmem:s21+$0x190]  }
0x166: {  	v57 =	vld [tilespmem:s16+$0xFFFFFFA0]  }
0x167: {  	v58 =	vld [tilespmem:s16+$0xFFFFFFB0]  }
0x168: {  	v59 =	vld [tilespmem:s16+$0x30]  }
0x169: {  	v1 =	vld [tilespmem:s16+$0xFFFFFE00]  }
0x16a: {  	v2 =	vadd.f32 v4, v2;
	v4 =	vld [tilespmem:s16+$0x80];
	v0 =	vadd.f32 v0, v3  }
0x16b: {  	v5 =	vadd.f32 v6, v5;
	v6 =	vld [tilespmem:s21+$0x100]  }
0x16c: {  	v7 =	vadd.f32 v8, v7;
	v8 =	vld [tilespmem:s21+$0xFFFFFE00];
	v0 =	vmax.f32 v0, $0.0e+00  }
0x16d: {  	[tilespmem:s16+$0x190] =	vst v0;
	v0 =	vld [tilespmem:s16+$0x1A0]  }
0x16e: {  	v2 =	vmax.f32 v2, $0.0e+00;
	v11 =	vld [tilespmem:s21+$0x1A0]  }
0x16f: {  	[tilespmem:s16+$0xFFFFFE80] =	vst v2;
	v2 =	vmax.f32 v5, $0.0e+00;
	v5 =	vld [tilespmem:s16+$0x100]  }
0x170: {  	v3 =	vld [tilespmem:s21+$0x0]  }
0x171: {  	v61 =	vld [tilespmem:s16+$0xC0]  }
0x172: {  	v62 =	vld [tilespmem:s16+$0xD0]  }
0x173: {  	[tilespmem:s16+$0xFFFFFF00] =	vst v2;
	v2 =	vmax.f32 v7, $0.0e+00;
	v7 =	vld [tilespmem:s21+$0xFFFFFE90];
	v0 =	vadd.f32 v0, v11  }
0x174: {  	v4 =	vadd.f32 v4, v10;
	v1 =	vadd.f32 v1, v8;
	v10 =	vld [tilespmem:s16+$0xFFFFFE10]  }
0x175: {  	[tilespmem:s16+$0xFFFFFF80] =	vst v2;
	v5 =	vadd.f32 v5, v6;
	v6 =	vld [tilespmem:s16+$0x10];
	v3 =	vadd.f32 v9, v3;
	v0 =	vmax.f32 v0, $0.0e+00  }
0x176: {  	[tilespmem:s16+$0x1A0] =	vst v0;
	v0 =	vmax.f32 v4, $0.0e+00;
	v4 =	vld [tilespmem:s16+$0x1B0]  }
0x177: {  	v2 =	vmax.f32 v3, $0.0e+00;
	[tilespmem:s16+$0x80] =	vst v0;
	v0 =	vmax.f32 v1, $0.0e+00;
	v1 =	vld [tilespmem:s21+$0x1B0]  }
0x178: {  	v3 =	vld [tilespmem:s21+$0xFFFFFF10];
	[tilespmem:s16+$0x0] =	vst v2  }
0x179: {  	v2 =	vld [tilespmem:s21+$0xFFFFFF90];
	[tilespmem:s16+$0xFFFFFE00] =	vst v0  }
0x17a: {  	v0 =	vld [tilespmem:s21+$0xFFFFFE10]  }
0x17b: {  	v11 =	vld [tilespmem:s16+$0xFFFFFE90]  }
0x17c: {  	v8 =	vld [tilespmem:s21+$0x10];
	v1 =	vadd.f32 v4, v1  }
0x17d: {  	v9 =	vld [tilespmem:s21+$0x90]  }
0x17e: {  	v4 =	vld [tilespmem:s16+$0xFFFFFF90];
	v1 =	vmax.f32 v1, $0.0e+00  }
0x17f: {  	v0 =	vadd.f32 v10, v0;
	[tilespmem:s16+$0x1B0] =	vst v1;
	v1 =	vmax.f32 v5, $0.0e+00;
	v5 =	vld [tilespmem:s16+$0x1C0]  }
0x180: {  	[tilespmem:s16+$0x100] =	vst v1;
	v1 =	vadd.f32 v11, v7;
	v7 =	vld [tilespmem:s21+$0x1C0]  }
0x181: {  	v0 =	vmax.f32 v0, $0.0e+00;
	v11 =	vld [tilespmem:s16+$0x110]  }
0x182: {  	v3 =	vadd.f32 v12, v3;
	v10 =	vld [tilespmem:s21+$0x110];
	[tilespmem:s16+$0xFFFFFE10] =	vst v0;
	v0 =	vmax.f32 v1, $0.0e+00  }
0x183: {  	v1 =	vadd.f32 v4, v2;
	v2 =	vld [tilespmem:s21+$0xFFFFFE20];
	[tilespmem:s16+$0xFFFFFE90] =	vst v0  }
0x184: {  	v0 =	vmax.f32 v3, $0.0e+00;
	v4 =	vld [tilespmem:s21+$0xFFFFFEA0]  }
0x185: {  	v3 =	vadd.f32 v6, v8;
	[tilespmem:s16+$0xFFFFFF10] =	vst v0;
	v0 =	vmax.f32 v1, $0.0e+00;
	v1 =	vadd.f32 v13, v9;
	v9 =	vld [tilespmem:s16+$0xFFFFFE20]  }
0x186: {  	v6 =	vld [tilespmem:s21+$0xFFFFFF20];
	[tilespmem:s16+$0xFFFFFF90] =	vst v0  }
0x187: {  	v0 =	vmax.f32 v3, $0.0e+00;
	v3 =	vadd.f32 v5, v7;
	v5 =	vld [tilespmem:s21+$0xFFFFFFA0]  }
0x188: {  	[tilespmem:s16+$0x10] =	vst v0;
	v0 =	vmax.f32 v1, $0.0e+00;
	v1 =	vadd.f32 v11, v10;
	v10 =	vld [tilespmem:s16+$0xFFFFFEA0]  }
0x189: {  	v11 =	vld [tilespmem:s16+$0xFFFFFF20]  }
0x18a: {  	v7 =	vld [tilespmem:s21+$0x20];
	[tilespmem:s16+$0x90] =	vst v0  }
0x18b: {  	v0 =	vmax.f32 v3, $0.0e+00;
	v3 =	vld [tilespmem:s21+$0xA0]  }
0x18c: {  	[tilespmem:s16+$0x1C0] =	vst v0;
	v0 =	vmax.f32 v1, $0.0e+00;
	v1 =	vld [tilespmem:s16+$0x1D0]  }
0x18d: {  	[tilespmem:s16+$0x110] =	vst v0;
	v0 =	vld [tilespmem:s21+$0x1D0];
	v2 =	vadd.f32 v9, v2  }
0x18e: {  	v9 =	vld [tilespmem:s16+$0xA0]  }
0x18f: {  	v8 =	vld [tilespmem:s21+$0x120];
	v2 =	vmax.f32 v2, $0.0e+00  }
0x190: {  	v4 =	vadd.f32 v10, v4;
	v10 =	vld [tilespmem:s16+$0x120];
	[tilespmem:s16+$0xFFFFFE20] =	vst v2  }
0x191: {  	v6 =	vadd.f32 v11, v6;
	v11 =	vld [tilespmem:s21+$0xFFFFFE30]  }
0x192: {  	v2 =	vmax.f32 v4, $0.0e+00;
	v0 =	vadd.f32 v1, v0;
	v1 =	vld [tilespmem:s16+$0x20]  }
0x193: {  	v4 =	vadd.f32 v57, v5;
	[tilespmem:s16+$0xFFFFFEA0] =	vst v2;
	v2 =	vmax.f32 v6, $0.0e+00;
	v3 =	vadd.f32 v9, v3;
	v9 =	vld [tilespmem:s16+$0xFFFFFEB0]  }
0x194: {  	v6 =	vld [tilespmem:s21+$0xFFFFFEB0];
	[tilespmem:s16+$0xFFFFFF20] =	vst v2  }
0x195: {  	v2 =	vmax.f32 v4, $0.0e+00;
	v4 =	vld [tilespmem:s21+$0xFFFFFF30]  }
0x196: {  	[tilespmem:s16+$0xFFFFFFA0] =	vst v2;
	v2 =	vadd.f32 v10, v8;
	v8 =	vld [tilespmem:s16+$0xFFFFFE30]  }
0x197: {  	v0 =	vmax.f32 v0, $0.0e+00;
	v10 =	vld [tilespmem:s16+$0xFFFFFF30]  }
0x198: {  	[tilespmem:s16+$0x1D0] =	vst v0;
	v0 =	vld [tilespmem:s16+$0x1E0]  }
0x199: {  	v5 =	vld [tilespmem:s21+$0x1E0]  }
0x19a: {  	v1 =	vadd.f32 v1, v7;
	v7 =	vld [tilespmem:s21+$0xFFFFFFB0]  }
0x19b: {  	v6 =	vadd.f32 v9, v6;
	v9 =	vld [tilespmem:s16+$0x130]  }
0x19c: {  	v1 =	vmax.f32 v1, $0.0e+00;
	v8 =	vadd.f32 v8, v11;
	v11 =	vld [tilespmem:s16+$0xB0]  }
0x19d: {  	v4 =	vadd.f32 v10, v4;
	v10 =	vld [tilespmem:s16+$0xFFFFFE40];
	[tilespmem:s16+$0x20] =	vst v1;
	v1 =	vmax.f32 v3, $0.0e+00  }
0x19e: {  	v6 =	vmax.f32 v6, $0.0e+00;
	v3 =	vld [tilespmem:s21+$0x30];
	[tilespmem:s16+$0xA0] =	vst v1  }
0x19f: {  	v1 =	vmax.f32 v2, $0.0e+00;
	v8 =	vmax.f32 v8, $0.0e+00;
	[tilespmem:s16+$0xFFFFFEB0] =	vst v6;
	v2 =	vld [tilespmem:s21+$0xB0]  }
0x1a0: {  	[tilespmem:s16+$0xFFFFFE30] =	vst v8;
	v8 =	vld [tilespmem:s16+$0xFFFFFEC0]  }
0x1a1: {  	[tilespmem:s16+$0x120] =	vst v1;
	v7 =	vadd.f32 v58, v7;
	v6 =	vld [tilespmem:s21+$0xFFFFFEC0]  }
0x1a2: {  	v4 =	vmax.f32 v4, $0.0e+00;
	v1 =	vld [tilespmem:s21+$0x130]  }
0x1a3: {  	[tilespmem:s16+$0xFFFFFF30] =	vst v4;
	v60 =	vld [tilespmem:s21+$0xFFFFFE40];
	v4 =	vmax.f32 v7, $0.0e+00  }
0x1a4: {  	v7 =	vld [tilespmem:s21+$0xFFFFFF40];
	[tilespmem:s16+$0xFFFFFFB0] =	vst v4  }
0x1a5: {  	v3 =	vadd.f32 v59, v3;
	v4 =	vld [tilespmem:s21+$0xFFFFFFC0]  }
0x1a6: {  	v2 =	vadd.f32 v11, v2;
	v11 =	vld [tilespmem:s16+$0xFFFFFFC0]  }
0x1a7: {  	v6 =	vadd.f32 v8, v6;
	v8 =	vld [tilespmem:s16+$0x40];
	v3 =	vmax.f32 v3, $0.0e+00;
	v1 =	vadd.f32 v9, v1  }
0x1a8: {  	v9 =	vld [tilespmem:s16+$0xFFFFFF40];
	v10 =	vadd.f32 v10, v60;
	[tilespmem:s16+$0x30] =	vst v3;
	v2 =	vmax.f32 v2, $0.0e+00  }
0x1a9: {  	v3 =	vld [tilespmem:s21+$0x40];
	[tilespmem:s16+$0xB0] =	vst v2;
	v1 =	vmax.f32 v1, $0.0e+00  }
0x1aa: {  	v10 =	vmax.f32 v10, $0.0e+00;
	v2 =	vld [tilespmem:s21+$0xC0];
	[tilespmem:s16+$0x130] =	vst v1  }
0x1ab: {  	[tilespmem:s16+$0xFFFFFE40] =	vst v10;
	v10 =	vld [tilespmem:s16+$0x140]  }
0x1ac: {  	v6 =	vmax.f32 v6, $0.0e+00;
	v1 =	vld [tilespmem:s21+$0x140]  }
0x1ad: {  	[tilespmem:s16+$0xFFFFFEC0] =	vst v6;
	v6 =	vld [tilespmem:s21+$0xFFFFFE50];
	v4 =	vadd.f32 v11, v4  }
0x1ae: {  	v11 =	vld [tilespmem:s16+$0xFFFFFE50];
	v7 =	vadd.f32 v9, v7  }
0x1af: {  	v9 =	vld [tilespmem:s21+$0xFFFFFED0];
	v4 =	vmax.f32 v4, $0.0e+00  }
0x1b0: {  	v7 =	vmax.f32 v7, $0.0e+00;
	v3 =	vadd.f32 v8, v3;
	v8 =	vld [tilespmem:s16+$0xFFFFFED0];
	[tilespmem:s16+$0xFFFFFFC0] =	vst v4  }
0x1b1: {  	[tilespmem:s16+$0xFFFFFF40] =	vst v7;
	v2 =	vadd.f32 v61, v2;
	v4 =	vld [tilespmem:s21+$0xFFFFFFD0]  }
0x1b2: {  	v7 =	vld [tilespmem:s21+$0xFFFFFF50];
	v3 =	vmax.f32 v3, $0.0e+00  }
0x1b3: {  	v1 =	vadd.f32 v10, v1;
	v6 =	vadd.f32 v11, v6;
	v11 =	vld [tilespmem:s16+$0xFFFFFFD0];
	[tilespmem:s16+$0x40] =	vst v3;
	v2 =	vmax.f32 v2, $0.0e+00  }
0x1b4: {  	v3 =	vld [tilespmem:s21+$0x50];
	[tilespmem:s16+$0xC0] =	vst v2  }
0x1b5: {  	v1 =	vmax.f32 v1, $0.0e+00;
	v2 =	vld [tilespmem:s21+$0xD0]  }
0x1b6: {  	[tilespmem:s16+$0x140] =	vst v1;
	v1 =	vld [tilespmem:s16+$0xFFFFFF50]  }
0x1b7: {  	v8 =	vadd.f32 v8, v9;
	v9 =	vld [tilespmem:s16+$0x50]  }
0x1b8: {  	v6 =	vmax.f32 v6, $0.0e+00;
	v10 =	vld [tilespmem:s21+$0x150]  }
0x1b9: {  	[tilespmem:s16+$0xFFFFFE50] =	vst v6;
	v6 =	vmax.f32 v8, $0.0e+00;
	v8 =	vld [tilespmem:s16+$0x150]  }
0x1ba: {  	v4 =	vadd.f32 v11, v4;
	[tilespmem:s16+$0xFFFFFED0] =	vst v6;
	v6 =	vld [tilespmem:s21+$0xFFFFFE60]  }
0x1bb: {  	v63 =	vld [tilespmem:s21+$0xFFFFFEE0];
	v1 =	vadd.f32 v1, v7  }
0x1bc: {  	v4 =	vmax.f32 v4, $0.0e+00;
	v7 =	vld [tilespmem:s16+$0xFFFFFE60];
	v3 =	vadd.f32 v9, v3  }
0x1bd: {  	v9 =	vld [tilespmem:s16+$0xFFFFFEE0];
	v11 =	vadd.f32 v62, v2;
	[tilespmem:s16+$0xFFFFFFD0] =	vst v4;
	v1 =	vmax.f32 v1, $0.0e+00  }
0x1be: {  	v2 =	vld [tilespmem:s21+$0xFFFFFFE0];
	v3 =	vmax.f32 v3, $0.0e+00;
	[tilespmem:s16+$0xFFFFFF50] =	vst v1  }
0x1bf: {  	v4 =	vadd.f32 v8, v10;
	v8 =	vmax.f32 v11, $0.0e+00;
	[tilespmem:s16+$0x50] =	vst v3;
	v1 =	vld [tilespmem:s21+$0xFFFFFF60]  }
0x1c0: {  	[tilespmem:s16+$0xD0] =	vst v8;
	v3 =	vld [tilespmem:s21+$0x60]  }
0x1c1: {  	v8 =	vmax.f32 v4, $0.0e+00;
	v4 =	vld [tilespmem:s21+$0xE0]  }
0x1c2: {  	v5 =	vadd.f32 v0, v5;
	v6 =	vadd.f32 v7, v6;
	v7 =	vld [tilespmem:s16+$0xFFFFFF60]  }
0x1c3: {  	v10 =	vadd.f32 v9, v63;
	v9 =	vld [tilespmem:s16+$0xFFFFFFE0]  }
0x1c4: {  	v5 =	vmax.f32 v5, $0.0e+00;
	[tilespmem:s16+$0x150] =	vst v8;
	v8 =	vld [tilespmem:s16+$0x60]  }
0x1c5: {  	[tilespmem:s16+$0x1E0] =	vst v5;
	v0 =	vld [tilespmem:s21+$0x160];
	v5 =	vmax.f32 v6, $0.0e+00  }
0x1c6: {  	v6 =	vld [tilespmem:s16+$0xE0];
	[tilespmem:s16+$0xFFFFFE60] =	vst v5;
	v5 =	vmax.f32 v10, $0.0e+00  }
0x1c7: {  	s18 =	simm.s32 $0x0;
	s17 =	simm.s32 $0x7C00;
	s21 =	simm.s32 $0x3000;
	[tilespmem:s16+$0xFFFFFEE0] =	vst v5;
	v5 =	vld [tilespmem:s16+$0x160]  }
.LBB2_9:
0x1c8: {  	v10 =	vld [tilespmem:s21+$0x180];
	v1 =	vadd.f32 v7, v1;
	s16 =	sadd.s32 $0x400, s16  }
0x1c9: {  	s18 =	sadd.s32 $0x8, s18;
	v7 =	vld [tilespmem:s16+$0x180];
	v2 =	vadd.f32 v9, v2  }
0x1ca: {  	p4 =	slt.u32 s18, $0x48;
	v9 =	vld [tilespmem:s16+$0xFFFFFE00];
	v1 =	vmax.f32 v1, $0.0e+00;
	v3 =	vadd.f32 v8, v3  }
0x1cb: {  	v8 =	vld [tilespmem:s21+$0xFFFFFE80];
	[tilespmem:s17+$0xFFFFFF60] =	vst v1;
	v1 =	vmax.f32 v2, $0.0e+00;
	v2 =	vadd.f32 v6, v4  }
0x1cc: {  	v4 =	vld [tilespmem:s16+$0xFFFFFE80];
	[tilespmem:s17+$0xFFFFFFE0] =	vst v1;
	v1 =	vmax.f32 v3, $0.0e+00;
	v0 =	vadd.f32 v5, v0  }
0x1cd: {  	v3 =	vld [tilespmem:s21+$0xFFFFFF00];
	[tilespmem:s17+$0x60] =	vst v1;
	v1 =	vmax.f32 v2, $0.0e+00  }
0x1ce: {  	v2 =	vld [tilespmem:s16+$0xFFFFFF00];
	v5 =	vadd.f32 v7, v10;
	[tilespmem:s17+$0xE0] =	vst v1;
	v0 =	vmax.f32 v0, $0.0e+00  }
0x1cf: {  	v1 =	vld [tilespmem:s21+$0xFFFFFF80];
	[tilespmem:s17+$0x160] =	vst v0;
	s17 =	smov.u32 s16  }
0x1d0: {  	v0 =	vld [tilespmem:s16+$0xFFFFFF80];
	v5 =	vmax.f32 v5, $0.0e+00  }
0x1d1: {  	v4 =	vadd.f32 v4, v8;
	[tilespmem:s16+$0x180] =	vst v5;
	v5 =	vld [tilespmem:s16+$0x190]  }
0x1d2: {  	v6 =	vld [tilespmem:s21+$0x190]  }
0x1d3: {  	v4 =	vmax.f32 v4, $0.0e+00;
	v2 =	vadd.f32 v2, v3;
	v3 =	vld [tilespmem:s21+$0x0]  }
0x1d4: {  	[tilespmem:s16+$0xFFFFFE80] =	vst v4;
	v4 =	vld [tilespmem:s16+$0x0]  }
0x1d5: {  	v2 =	vmax.f32 v2, $0.0e+00;
	v0 =	vadd.f32 v0, v1;
	v1 =	vld [tilespmem:s21+$0x80]  }
0x1d6: {  	[tilespmem:s16+$0xFFFFFF00] =	vst v2;
	v2 =	vld [tilespmem:s16+$0x80]  }
0x1d7: {  	v0 =	vmax.f32 v0, $0.0e+00;
	v7 =	vld [tilespmem:s21+$0x100];
	v5 =	vadd.f32 v5, v6  }
0x1d8: {  	[tilespmem:s16+$0xFFFFFF80] =	vst v0;
	v0 =	vld [tilespmem:s16+$0x100]  }
0x1d9: {  	v6 =	vld [tilespmem:s21+$0xFFFFFE00];
	v3 =	vadd.f32 v4, v3;
	v4 =	vmax.f32 v5, $0.0e+00  }
0x1da: {  	[tilespmem:s16+$0x190] =	vst v4;
	v4 =	vld [tilespmem:s16+$0x1A0]  }
0x1db: {  	v3 =	vmax.f32 v3, $0.0e+00;
	v1 =	vadd.f32 v2, v1;
	v2 =	vld [tilespmem:s21+$0x1A0]  }
0x1dc: {  	v5 =	vld [tilespmem:s21+$0xFFFFFE90];
	[tilespmem:s16+$0x0] =	vst v3  }
0x1dd: {  	v3 =	vld [tilespmem:s21+$0xFFFFFF10];
	v1 =	vmax.f32 v1, $0.0e+00;
	v0 =	vadd.f32 v0, v7  }
0x1de: {  	v6 =	vadd.f32 v9, v6;
	v7 =	vld [tilespmem:s21+$0xFFFFFF90];
	[tilespmem:s16+$0x80] =	vst v1  }
0x1df: {  	v1 =	vld [tilespmem:s21+$0x10];
	v0 =	vmax.f32 v0, $0.0e+00  }
0x1e0: {  	v6 =	vmax.f32 v6, $0.0e+00;
	v8 =	vld [tilespmem:s21+$0x90];
	[tilespmem:s16+$0x100] =	vst v0;
	v0 =	vadd.f32 v4, v2  }
0x1e1: {  	[tilespmem:s16+$0xFFFFFE00] =	vst v6;
	v2 =	vld [tilespmem:s21+$0x110]  }
0x1e2: {  	v4 =	vld [tilespmem:s21+$0xFFFFFE10];
	v0 =	vmax.f32 v0, $0.0e+00  }
0x1e3: {  	[tilespmem:s16+$0x1A0] =	vst v0;
	v0 =	vld [tilespmem:s16+$0x1B0]  }
0x1e4: {  	v6 =	vld [tilespmem:s21+$0x1B0]  }
0x1e5: {  	v9 =	vld [tilespmem:s16+$0xFFFFFE10]  }
0x1e6: {  	v10 =	vld [tilespmem:s16+$0xFFFFFE90]  }
0x1e7: {  	v11 =	vld [tilespmem:s16+$0xFFFFFF10]  }
0x1e8: {  	v12 =	vld [tilespmem:s16+$0xFFFFFF90]  }
0x1e9: {  	v13 =	vld [tilespmem:s16+$0x10];
	v0 =	vadd.f32 v0, v6  }
0x1ea: {  	v4 =	vadd.f32 v9, v4;
	v6 =	vld [tilespmem:s16+$0x90]  }
0x1eb: {  	v5 =	vadd.f32 v10, v5;
	v9 =	vld [tilespmem:s16+$0x110];
	v0 =	vmax.f32 v0, $0.0e+00  }
0x1ec: {  	v4 =	vmax.f32 v4, $0.0e+00;
	v3 =	vadd.f32 v11, v3;
	[tilespmem:s16+$0x1B0] =	vst v0;
	v0 =	vld [tilespmem:s16+$0x1C0]  }
0x1ed: {  	[tilespmem:s16+$0xFFFFFE10] =	vst v4;
	v4 =	vmax.f32 v5, $0.0e+00;
	v5 =	vadd.f32 v12, v7;
	v7 =	vld [tilespmem:s21+$0x1C0]  }
0x1ee: {  	v10 =	vld [tilespmem:s21+$0xFFFFFE20];
	[tilespmem:s16+$0xFFFFFE90] =	vst v4;
	v3 =	vmax.f32 v3, $0.0e+00;
	v1 =	vadd.f32 v13, v1  }
0x1ef: {  	v4 =	vld [tilespmem:s21+$0xFFFFFEA0];
	[tilespmem:s16+$0xFFFFFF10] =	vst v3;
	v3 =	vmax.f32 v5, $0.0e+00;
	v5 =	vadd.f32 v6, v8  }
0x1f0: {  	v6 =	vld [tilespmem:s21+$0xFFFFFF20];
	[tilespmem:s16+$0xFFFFFF90] =	vst v3;
	v1 =	vmax.f32 v1, $0.0e+00;
	v2 =	vadd.f32 v9, v2  }
0x1f1: {  	v3 =	vld [tilespmem:s21+$0xFFFFFFA0];
	[tilespmem:s16+$0x10] =	vst v1;
	v1 =	vmax.f32 v5, $0.0e+00  }
0x1f2: {  	v5 =	vld [tilespmem:s21+$0x20];
	[tilespmem:s16+$0x90] =	vst v1;
	v1 =	vmax.f32 v2, $0.0e+00;
	v0 =	vadd.f32 v0, v7  }
0x1f3: {  	v2 =	vld [tilespmem:s21+$0xA0];
	[tilespmem:s16+$0x110] =	vst v1  }
0x1f4: {  	v1 =	vld [tilespmem:s21+$0x120];
	v0 =	vmax.f32 v0, $0.0e+00  }
0x1f5: {  	[tilespmem:s16+$0x1C0] =	vst v0;
	v0 =	vld [tilespmem:s16+$0x1D0]  }
0x1f6: {  	v7 =	vld [tilespmem:s21+$0x1D0]  }
0x1f7: {  	v8 =	vld [tilespmem:s16+$0xFFFFFE20]  }
0x1f8: {  	v9 =	vld [tilespmem:s16+$0xFFFFFEA0]  }
0x1f9: {  	v11 =	vld [tilespmem:s16+$0xFFFFFF20]  }
0x1fa: {  	v12 =	vld [tilespmem:s16+$0xFFFFFFA0]  }
0x1fb: {  	v13 =	vld [tilespmem:s16+$0x20];
	v0 =	vadd.f32 v0, v7  }
0x1fc: {  	v7 =	vadd.f32 v8, v10;
	v8 =	vld [tilespmem:s16+$0xA0]  }
0x1fd: {  	v4 =	vadd.f32 v9, v4;
	v9 =	vld [tilespmem:s16+$0x120];
	v0 =	vmax.f32 v0, $0.0e+00  }
0x1fe: {  	v7 =	vmax.f32 v7, $0.0e+00;
	v6 =	vadd.f32 v11, v6;
	[tilespmem:s16+$0x1D0] =	vst v0;
	v0 =	vld [tilespmem:s16+$0x1E0]  }
0x1ff: {  	[tilespmem:s16+$0xFFFFFE20] =	vst v7;
	v4 =	vmax.f32 v4, $0.0e+00;
	v3 =	vadd.f32 v12, v3;
	v7 =	vld [tilespmem:s21+$0x1E0]  }
0x200: {  	v10 =	vld [tilespmem:s21+$0xFFFFFE30];
	[tilespmem:s16+$0xFFFFFEA0] =	vst v4;
	v4 =	vmax.f32 v6, $0.0e+00;
	v5 =	vadd.f32 v13, v5  }
0x201: {  	v6 =	vld [tilespmem:s21+$0xFFFFFEB0];
	[tilespmem:s16+$0xFFFFFF20] =	vst v4;
	v3 =	vmax.f32 v3, $0.0e+00;
	v2 =	vadd.f32 v8, v2  }
0x202: {  	v4 =	vld [tilespmem:s21+$0xFFFFFF30];
	[tilespmem:s16+$0xFFFFFFA0] =	vst v3;
	v3 =	vmax.f32 v5, $0.0e+00;
	v1 =	vadd.f32 v9, v1  }
0x203: {  	v5 =	vld [tilespmem:s21+$0xFFFFFFB0];
	[tilespmem:s16+$0x20] =	vst v3;
	v2 =	vmax.f32 v2, $0.0e+00  }
0x204: {  	v3 =	vld [tilespmem:s21+$0x30];
	[tilespmem:s16+$0xA0] =	vst v2;
	v1 =	vmax.f32 v1, $0.0e+00;
	v0 =	vadd.f32 v0, v7  }
0x205: {  	v2 =	vld [tilespmem:s21+$0xB0];
	[tilespmem:s16+$0x120] =	vst v1  }
0x206: {  	v1 =	vld [tilespmem:s21+$0x130];
	v0 =	vmax.f32 v0, $0.0e+00  }
0x207: {  	v7 =	vld [tilespmem:s16+$0xFFFFFE30];
	[tilespmem:s16+$0x1E0] =	vst v0  }
0x208: {  	v0 =	vld [tilespmem:s16+$0xFFFFFEB0]  }
0x209: {  	v8 =	vld [tilespmem:s16+$0xFFFFFF30]  }
0x20a: {  	v9 =	vld [tilespmem:s16+$0xFFFFFFB0]  }
0x20b: {  	v11 =	vld [tilespmem:s16+$0x30]  }
0x20c: {  	v7 =	vadd.f32 v7, v10;
	v10 =	vld [tilespmem:s16+$0xB0]  }
0x20d: {  	v0 =	vadd.f32 v0, v6;
	v6 =	vld [tilespmem:s16+$0x130]  }
0x20e: {  	v7 =	vmax.f32 v7, $0.0e+00;
	v12 =	vld [tilespmem:s16+$0xFFFFFE40];
	v4 =	vadd.f32 v8, v4  }
0x20f: {  	[tilespmem:s16+$0xFFFFFE30] =	vst v7;
	v0 =	vmax.f32 v0, $0.0e+00;
	v7 =	vld [tilespmem:s16+$0xFFFFFEC0];
	v5 =	vadd.f32 v9, v5  }
0x210: {  	v8 =	vld [tilespmem:s21+$0xFFFFFE40];
	[tilespmem:s16+$0xFFFFFEB0] =	vst v0;
	v0 =	vmax.f32 v4, $0.0e+00;
	v3 =	vadd.f32 v11, v3  }
0x211: {  	v4 =	vld [tilespmem:s21+$0xFFFFFEC0];
	[tilespmem:s16+$0xFFFFFF30] =	vst v0;
	v0 =	vmax.f32 v5, $0.0e+00;
	v2 =	vadd.f32 v10, v2  }
0x212: {  	v5 =	vld [tilespmem:s21+$0xFFFFFF40];
	[tilespmem:s16+$0xFFFFFFB0] =	vst v0;
	v0 =	vmax.f32 v3, $0.0e+00;
	v1 =	vadd.f32 v6, v1  }
0x213: {  	v3 =	vld [tilespmem:s21+$0xFFFFFFC0];
	[tilespmem:s16+$0x30] =	vst v0;
	v0 =	vmax.f32 v2, $0.0e+00  }
0x214: {  	v2 =	vld [tilespmem:s21+$0x40];
	[tilespmem:s16+$0xB0] =	vst v0;
	v0 =	vmax.f32 v1, $0.0e+00  }
0x215: {  	v1 =	vadd.f32 v12, v8;
	v6 =	vld [tilespmem:s21+$0xC0];
	[tilespmem:s16+$0x130] =	vst v0  }
0x216: {  	v0 =	vadd.f32 v7, v4;
	v4 =	vld [tilespmem:s21+$0x140]  }
0x217: {  	v1 =	vmax.f32 v1, $0.0e+00;
	v7 =	vld [tilespmem:s16+$0xFFFFFF40]  }
0x218: {  	[tilespmem:s16+$0xFFFFFE40] =	vst v1;
	v0 =	vmax.f32 v0, $0.0e+00;
	v1 =	vld [tilespmem:s16+$0xFFFFFFC0]  }
0x219: {  	[tilespmem:s16+$0xFFFFFEC0] =	vst v0;
	v0 =	vld [tilespmem:s16+$0x40]  }
0x21a: {  	v8 =	vld [tilespmem:s16+$0xC0]  }
0x21b: {  	v9 =	vld [tilespmem:s16+$0x140]  }
0x21c: {  	v10 =	vld [tilespmem:s21+$0xFFFFFE50];
	v5 =	vadd.f32 v7, v5  }
0x21d: {  	v7 =	vld [tilespmem:s21+$0xFFFFFED0];
	v1 =	vadd.f32 v1, v3  }
0x21e: {  	v3 =	vld [tilespmem:s16+$0xFFFFFE50];
	v5 =	vmax.f32 v5, $0.0e+00;
	v0 =	vadd.f32 v0, v2  }
0x21f: {  	v2 =	vld [tilespmem:s16+$0xFFFFFED0];
	[tilespmem:s16+$0xFFFFFF40] =	vst v5;
	v1 =	vmax.f32 v1, $0.0e+00;
	v5 =	vadd.f32 v8, v6  }
0x220: {  	v6 =	vld [tilespmem:s21+$0xFFFFFF50];
	[tilespmem:s16+$0xFFFFFFC0] =	vst v1;
	v0 =	vmax.f32 v0, $0.0e+00;
	v1 =	vadd.f32 v9, v4  }
0x221: {  	v4 =	vld [tilespmem:s21+$0xFFFFFFD0];
	[tilespmem:s16+$0x40] =	vst v0;
	v0 =	vmax.f32 v5, $0.0e+00  }
0x222: {  	v5 =	vld [tilespmem:s21+$0x50];
	[tilespmem:s16+$0xC0] =	vst v0;
	v0 =	vmax.f32 v1, $0.0e+00  }
0x223: {  	v1 =	vadd.f32 v3, v10;
	v3 =	vld [tilespmem:s21+$0xD0];
	[tilespmem:s16+$0x140] =	vst v0  }
0x224: {  	v0 =	vadd.f32 v2, v7;
	v2 =	vld [tilespmem:s21+$0x150]  }
0x225: {  	v1 =	vmax.f32 v1, $0.0e+00;
	v7 =	vld [tilespmem:s16+$0xFFFFFF50]  }
0x226: {  	[tilespmem:s16+$0xFFFFFE50] =	vst v1;
	v0 =	vmax.f32 v0, $0.0e+00;
	v1 =	vld [tilespmem:s16+$0xFFFFFFD0]  }
0x227: {  	[tilespmem:s16+$0xFFFFFED0] =	vst v0;
	v0 =	vld [tilespmem:s16+$0x50]  }
0x228: {  	v8 =	vld [tilespmem:s16+$0xD0]  }
0x229: {  	v9 =	vld [tilespmem:s16+$0x150]  }
0x22a: {  	v10 =	vld [tilespmem:s21+$0xFFFFFE60];
	v6 =	vadd.f32 v7, v6  }
0x22b: {  	v7 =	vld [tilespmem:s21+$0xFFFFFEE0];
	v1 =	vadd.f32 v1, v4  }
0x22c: {  	v4 =	vld [tilespmem:s16+$0xFFFFFE60];
	v6 =	vmax.f32 v6, $0.0e+00;
	v0 =	vadd.f32 v0, v5  }
0x22d: {  	v5 =	vld [tilespmem:s16+$0xFFFFFEE0];
	[tilespmem:s16+$0xFFFFFF50] =	vst v6;
	v6 =	vmax.f32 v1, $0.0e+00;
	v3 =	vadd.f32 v8, v3  }
0x22e: {  	v1 =	vld [tilespmem:s21+$0xFFFFFF60];
	[tilespmem:s16+$0xFFFFFFD0] =	vst v6;
	v0 =	vmax.f32 v0, $0.0e+00;
	v6 =	vadd.f32 v9, v2  }
0x22f: {  	v2 =	vld [tilespmem:s21+$0xFFFFFFE0];
	[tilespmem:s16+$0x50] =	vst v0;
	v0 =	vmax.f32 v3, $0.0e+00  }
0x230: {  	v3 =	vld [tilespmem:s21+$0x60];
	[tilespmem:s16+$0xD0] =	vst v0;
	v0 =	vmax.f32 v6, $0.0e+00  }
0x231: {  	v6 =	vadd.f32 v4, v10;
	v4 =	vld [tilespmem:s21+$0xE0];
	[tilespmem:s16+$0x150] =	vst v0  }
0x232: {  	v5 =	vadd.f32 v5, v7;
	v0 =	vld [tilespmem:s21+$0x160]  }
.Ltmp7:
0x233: {  	v6 =	vmax.f32 v6, $0.0e+00;
	v7 =	vld [tilespmem:s16+$0xFFFFFF60];
	(pc) =	sbr.rel @p4 .LBB2_9-.Ltmp7, $4  }
0x234: {  	[tilespmem:s16+$0xFFFFFE60] =	vst v6;
	v5 =	vmax.f32 v5, $0.0e+00;
	v9 =	vld [tilespmem:s16+$0xFFFFFFE0]  }
0x235: {  	[tilespmem:s16+$0xFFFFFEE0] =	vst v5;
	v8 =	vld [tilespmem:s16+$0x60]  }
0x236: {  	v6 =	vld [tilespmem:s16+$0xE0]  }
0x237: {  	s21 =	sadd.s32 $0x400, s21;
	v5 =	vld [tilespmem:s16+$0x160]  }
0x238: {  	v1 =	vadd.f32 v7, v1  }
0x239: {  	v2 =	vadd.f32 v9, v2  }
0x23a: {  	v1 =	vmax.f32 v1, $0.0e+00;
	v3 =	vadd.f32 v8, v3  }
0x23b: {  	[tilespmem:s17+$0xFFFFFF60] =	vst v1;
	v60 =	vmax.f32 v2, $0.0e+00;
	v61 =	vadd.f32 v6, v4  }
0x23c: {  	[tilespmem:s17+$0xFFFFFFE0] =	vst v60;
	v62 =	vmax.f32 v3, $0.0e+00;
	v0 =	vadd.f32 v5, v0  }
0x23d: {  	[tilespmem:s17+$0x60] =	vst v62;
	v63 =	vmax.f32 v61, $0.0e+00  }
0x23e: {  	[tilespmem:s17+$0xE0] =	vst v63;
	v0 =	vmax.f32 v0, $0.0e+00  }
.Ltmp8:
0x23f: {  	[tilespmem:s17+$0x160] =	vst v0;
	(pc) =	sbr.rel @p3 .LBB2_12-.Ltmp8, $4  }
0x240: {  	[spmem:s1] =	stream.indirect.scatter.add.f32 [tilespmem:s5], [sflag:$0x5], $0x80, s29, s0, $0xb8;
	[tilespmem:$0x1DA80] =	vst v63  }
0x241: {  	_ =	swait.ge [sflag:s24], $0x2800  }
0x242: {  	[sflag:s24] =	ssyncset.done $0x0  }
0x243: {  	[sflag:s24] =	ssyncadd.s32 $0xFFFFD800  }
0x244: {  	_ =	swait.ge [sflag:s31], $0x50  }
0x245: {  	[sflag:s31] =	ssyncset.done $0x0  }
0x246: {  	[sflag:s31] =	ssyncadd.s32 $0xFFFFFFB0  }
0x247: {  	_ =	swait.ge [sflag:s31], $0x50  }
0x248: {  	[sflag:s31] =	ssyncset.done $0x0  }
0x249: {  	s16 =	smul.u32 $0xA0, s15;
	[sflag:s31] =	ssyncadd.s32 $0xFFFFFFB0  }
0x24a: {  	_ =	swait.ge [sflag:s31], $0x2800  }
0x24b: {  	s16 =	sadd.s32 s16, s20;
	[sflag:s31] =	ssyncset.done $0x0  }
0x24c: {  	s17 =	sshrl.u32 s16, $0x3;
	[sflag:s31] =	ssyncadd.s32 $0xFFFFD800  }
0x24d: {  	[tilespmem:s26], [sflag:$0x3] =	stream.indirect.gather [hbm4b:s3+s0], $0x80, s2, s0, $0xb8;
	[tilespmem:$0x1DA80] =	vst v63  }
0x24e: {  	s18 =	sadd.s32 s6, s17  }
0x24f: {  	[tilespmem:s28], [sflag:$0x2] =	stream.linear.gather [hbm4b:s18+s2], $0x50, $0x38;
	[tilespmem:$0x1DA80] =	vst v63  }
.Ltmp9:
0x250: {  	_ = 	snop;
	(pc) =	sbr.rel .LBB2_6-.Ltmp9, $4  }
0x251: {  	s16 =	sshll.u32 s16, $0x4;
	s17 =	sadd.s32 s7, s17  }
0x252: {  	[tilespmem:s29], [sflag:$0x2] =	stream.linear.gather [hbm4b:s17+s2], $0x50, $0x38;
	[tilespmem:$0x1DA80] =	vst v63  }
0x253: {  	s15 =	sadd.s32 $0x1, s15;
	s16 =	sadd.s32 s8, s16  }
0x254: {  	[tilespmem:s30], [sflag:$0x2] =	stream.linear.gather [hbm4b:s16+s2], $0x2800, $0x38;
	[tilespmem:$0x1DA80] =	vst v63  }
.LBB2_13:
0x255: {  	_ =	sfence.sel $0x180000  }
0x256: {  	[bflag:$0x0] =	sbarrier.arrive $0xFFFF  }
0x257: {  	_ =	strace $0x9000004A  }
0x258: {  	s0 =	stileid.u32;
	[bflag:$0x2] =	sbarrier.arrive $0xFFFF  }
0x259: {  	p0 =	sne.s32 s0, $0x0;
	s0 =	rddreg [dreg:$0x2]  }
0x25a: {  	s0 =	sadd.s32 @!p0 $0x100000, s0  }
0x25b: {  	[sflag:s0] =	ssyncadd.tile.s32 @!p0 $0x1;
	_ =	shalt  }
.Lfunc_end2:
_tile_overlayer_lowered:
.L_overlay_start_2:
0x25c: {  	(tag) =	ssettag $0x2  }
0x25d: {  	s0 =	rddreg [dreg:$0x0];
	s2 =	stileid.u32  }
0x25e: {  	s1 =	rddreg [dreg:$0x1];
	p0 =	sne.s32 s2, $0x0  }
0x25f: {  	s3 =	rddreg [dreg:$0x2];
	[bflag:$0x3] =	sbarrier.arrive $0xFFFF;
	s2 =	simm.s32 @!p0 $0x1C05  }
0x260: {  	[timem:s3], [sflag:s2] =	dma.local @!p0 [hbm:s0], s1  }
0x261: {  	s0 =	simm.s32 @!p0 $0x5  }
0x262: {  	_ =	swait.ge @!p0 [sflag:s0], s1  }
0x263: {  	s1 =	ssub.s32 @!p0 $0x0, s1;
	[sflag:s0] =	ssyncset.done @!p0 $0x0  }
0x264: {  	[sflag:s0] =	ssyncadd.s32 @!p0 s1  }
0x265: {  	[bflag:$0x3] =	sbarrier.arrive $0xFFFF  }
0x266: {  	_ =	shalt  }

// kernel: kernel.7.cloned.1.call-start
scs
__scs_entry_jumppad:
0x0: {  	(pc) =	sbr.rel $0x88, $3  }
0x1: {  	(tag) =	ssettag $0x0;
	lr =	simm.s32 $0x1  }
0x2: {  	[smem:$0x3F91] =	sst lr;
	_ =	strace $0xD0000000  }
0x3: {  	_ = 	snop  }
0x4: {  	_ = 	snop  }
0x5: {  	_ = 	snop  }
0x6: {  	_ = 	snop  }
0x7: {  	_ = 	snop  }
__scs_overlays_trampoline_lowered:
0x8: {  	[smem:$0x3FA0] =	sst s0  }
0x9: {  	[smem:$0x3FA1] =	sst s1  }
0xa: {  	[smem:$0x3FA2] =	sst s2  }
0xb: {  	[smem:$0x3FA3] =	sst s3  }
0xc: {  	[smem:$0x3FA4] =	sst s4  }
0xd: {  	[smem:$0x3FA5] =	sst s5  }
0xe: {  	[smem:$0x3FA6] =	sst s6  }
0xf: {  	[smem:$0x3FA7] =	sst s7  }
0x10: {  	[smem:$0x3FA8] =	sst s8  }
0x11: {  	[smem:$0x3FA9] =	sst s9;
	s0 =	simm.s32 @!p0 $0x0  }
0x12: {  	s1 =	sld [smem:$0x3F8F];
	s0 =	simm.s32 @p0 $0x1  }
0x13: {  	[smem:$0x3FAA] =	sst s0;
	s0 =	simm.s32 @!p1 $0x0  }
0x14: {  	s2 =	sld [smem:$0x3F8E];
	s0 =	simm.s32 @p1 $0x1  }
0x15: {  	[smem:$0x3FAB] =	sst s0;
	s0 =	simm.s32 @!p2 $0x0  }
0x16: {  	s3 =	sld [smem:$0x3FDB];
	s0 =	simm.s32 @p2 $0x1  }
0x17: {  	s4 =	simm.s32 $0x1BF5;
	[smem:$0x3FAD] =	sst s0  }
0x18: {  	s0 =	sld [smem:$0x3F90];
	_ =	swait.ge [sflag:s4], $0x0  }
0x19: {  	s7 =	sld [smem:$0x3F91]  }
0x1a: {  	s8 =	sadd.s32 $0xFFFFE003, lr  }
0x1b: {  	s9 =	sadd.s32 $0xFFFFFEF7, lr;
	s5 =	simm.s32 $0xFFFFFFFF;
	p2 =	slt.u32 s8, $0xFFFFF086  }
0x1c: {  	p1 =	slt.u32 s9, $0xF7A;
	s5 =	simm.s32 @!p2 $0x0  }
0x1d: {  	s5 =	simm.s32 @p1 $0x1;
	p0 =	seq.s32 s7, s2  }
0x1e: {  	s7 =	smul.u32 @!p0 $0xF7A, s2;
	p2 =	seq.s32 @!p0 s5, $0x0  }
0x1f: {  	s9 =	smul.u32 $0xF7A, s1;
	s8 =	simm.s32 @!p0 $0x1BF5;
	p2 =	por !p2, p0  }
0x20: {  	[sflag:s8] =	ssyncset.s32 @!p0 $0xFFFFF086;
	s6 =	sadd.s32 @!p0 s3, s7;
	s7 =	simm.s32 @!p0 $0x108  }
0x21: {  	s3 =	sadd.s32 s3, s9;
	s6 =	sadd.s32 @!p0 $0x88, s6;
	s7 =	simm.s32 @p2 $0x1082  }
0x22: {  	[simem:s7], [sflag:s8] =	dma.local @!p0 [hbm:s6], $0xF7A  }
0x23: {  	s9 =	sor.u32 $0xD0000000, s2;
	s6 =	simm.s32 $0x108;
	_ =	swait.ge @!p0 [sflag:s8], $0x0  }
0x24: {  	s3 =	sadd.s32 $0x88, s3;
	s6 =	simm.s32 @!p1 $0x1082;
	[sflag:s4] =	ssyncset.s32 $0xFFFFF086  }
0x25: {  	[simem:s6], [sflag:s4] =	dma.local [hbm:s3], $0xF7A  }
0x26: {  	[smem:$0x3F91] =	sst s1;
	(tag) =	ssettag s2;
	_ =	strace s9  }
0x27: {  	s1 =	sld [smem:$0x3FA1]  }
0x28: {  	s2 =	sld [smem:$0x3FA2]  }
0x29: {  	s4 =	sld [smem:$0x3FA4]  }
0x2a: {  	p0 =	seq.s32 s5, $0x0;
	s5 =	sld [smem:$0x3FA5]  }
0x2b: {  	s6 =	sld [smem:$0x3FA6]  }
0x2c: {  	s7 =	sld [smem:$0x3FA7]  }
0x2d: {  	s3 =	simm.s32 $0x108;
	s8 =	sld [smem:$0x3FA8]  }
0x2e: {  	s3 =	simm.s32 @!p0 $0x1082;
	s9 =	sld [smem:$0x3FA9]  }
0x2f: {  	lr =	sadd.s32 s0, s3;
	s0 =	sld [smem:$0x3FA0]  }
0x30: {  	s3 =	sld [smem:$0x3FA3]  }
0x31: {  	[smem:$0x3FAC] =	sst s10  }
0x32: {  	s10 =	sld [smem:$0x3FAA];
	_ =	sdelay $0x3  }
0x33: {  	p0 =	seq.s32 s10, $0x1;
	s10 =	sld [smem:$0x3FAC];
	_ =	sdelay $0x3  }
0x34: {  	[smem:$0x3FAC] =	sst s10  }
0x35: {  	s10 =	sld [smem:$0x3FAB];
	_ =	sdelay $0x3  }
0x36: {  	p1 =	seq.s32 s10, $0x1;
	s10 =	sld [smem:$0x3FAC];
	_ =	sdelay $0x3  }
0x37: {  	[smem:$0x3FAC] =	sst s10  }
0x38: {  	s10 =	sld [smem:$0x3FAD]  }
0x39: {  	_ = 	snop;
	(pc) =	sbr.ind lr, $3  }
0x3a: {  	_ = 	snop  }
0x3b: {  	_ = 	snop  }
0x3c: {  	p2 =	seq.s32 s10, $0x1;
	s10 =	sld [smem:$0x3FAC]  }
0x3d: {  	_ =	shalt  }
0x3e: {  	_ =	shalt  }
0x3f: {  	_ =	shalt  }
0x40: {  	_ =	shalt  }
0x41: {  	_ =	shalt  }
0x42: {  	_ =	shalt  }
0x43: {  	_ =	shalt  }
0x44: {  	_ =	shalt  }
0x45: {  	_ =	shalt  }
0x46: {  	_ =	shalt  }
0x47: {  	_ =	shalt  }
0x48: {  	_ =	shalt  }
0x49: {  	_ =	shalt  }
0x4a: {  	_ =	shalt  }
0x4b: {  	_ =	shalt  }
0x4c: {  	_ =	shalt  }
0x4d: {  	_ =	shalt  }
0x4e: {  	_ =	shalt  }
0x4f: {  	_ =	shalt  }
0x50: {  	_ =	shalt  }
0x51: {  	_ =	shalt  }
0x52: {  	_ =	shalt  }
0x53: {  	_ =	shalt  }
0x54: {  	_ =	shalt  }
0x55: {  	_ =	shalt  }
0x56: {  	_ =	shalt  }
0x57: {  	_ =	shalt  }
0x58: {  	_ =	shalt  }
0x59: {  	_ =	shalt  }
0x5a: {  	_ =	shalt  }
0x5b: {  	_ =	shalt  }
0x5c: {  	_ =	shalt  }
0x5d: {  	_ =	shalt  }
0x5e: {  	_ =	shalt  }
0x5f: {  	_ =	shalt  }
0x60: {  	_ =	shalt  }
0x61: {  	_ =	shalt  }
0x62: {  	_ =	shalt  }
0x63: {  	_ =	shalt  }
0x64: {  	_ =	shalt  }
0x65: {  	_ =	shalt  }
0x66: {  	_ =	shalt  }
0x67: {  	_ =	shalt  }
0x68: {  	_ =	shalt  }
0x69: {  	_ =	shalt  }
0x6a: {  	_ =	shalt  }
0x6b: {  	_ =	shalt  }
0x6c: {  	_ =	shalt  }
0x6d: {  	_ =	shalt  }
0x6e: {  	_ =	shalt  }
0x6f: {  	_ =	shalt  }
0x70: {  	_ =	shalt  }
0x71: {  	_ =	shalt  }
0x72: {  	_ =	shalt  }
0x73: {  	_ =	shalt  }
0x74: {  	_ =	shalt  }
0x75: {  	_ =	shalt  }
0x76: {  	_ =	shalt  }
0x77: {  	_ =	shalt  }
0x78: {  	_ =	shalt  }
0x79: {  	_ =	shalt  }
0x7a: {  	_ =	shalt  }
0x7b: {  	_ =	shalt  }
0x7c: {  	_ =	shalt  }
0x7d: {  	_ =	shalt  }
0x7e: {  	_ =	shalt  }
0x7f: {  	_ =	shalt  }
0x80: {  	_ =	shalt  }
0x81: {  	_ =	shalt  }
0x82: {  	_ =	shalt  }
0x83: {  	_ =	shalt  }
0x84: {  	_ =	shalt  }
0x85: {  	_ =	shalt  }
0x86: {  	_ =	shalt  }
0x87: {  	_ =	shalt  }
.Lfunc_end0:
.L_simem_size_0:
called_computation_lowered:
.L_overlay_start_0:
0x88: {  	s2 =	sld [smem:$0x3FD9]  }
0x89: {  	s3 =	sld [smem:$0x3FFE];
	_ =	sdelay $0x1  }
0x8a: {  	s1 =	srdreg.scid  }
0x8b: {  	s0 =	sand.u32 $0x1, s1  }
0x8c: {  	s16 =	sshll.u32 s0, $0xA;
	s2 =	sadd.s32 s3, s2  }
0x8d: {  	s2 =	sadd.s32 s2, s16  }
0x8e: {  	[smem:$0x3FB8] =	sst s2  }
0x8f: {  	_ = 	snop  }
0x90: {  	(tm) =	ssettm $0x1  }
0x91: {  	s17 =	sld [smem:$0x3FFB];
	_ =	sdelay $0x3  }
0x92: {  	_ =	strace s17  }
0x93: {  	s2 =	sld [smem:$0x3FFC];
	_ =	sdelay $0x3  }
0x94: {  	_ =	strace s2  }
0x95: {  	s2 =	sld [smem:$0x3FFD];
	_ =	sdelay $0x3  }
0x96: {  	_ =	strace s2  }
0x97: {  	_ =	strace $0x8FFFFFFF  }
0x98: {  	s18 =	sld [smem:$0x3FDB];
	_ =	sdelay $0x1  }
0x99: {  	s19 =	simm.s32 $_scs_section_size  }
0x9a: {  	s4 =	simm.s32 $_size__tile_overlayer_lowered;
	s5 =	simm.s32 $_tile_overlayer_lowered  }
0x9b: {  	s22 =	simm.s32 $0x1BFF;
	s21 =	sshll.u32 s5, $0x1;
	s2 =	sadd.s32 s19, s18  }
0x9c: {  	s6 =	simm.s32 $0x0;
	s20 =	sshll.u32 s4, $0x1;
	s4 =	sadd.s32 s21, s2  }
0x9d: {  	[timem:s6], [sflag:s22] =	dma.local [hbm:s4], s20  }
0x9e: {  	_ =	swait.ge [sflag:s22], s20  }
0x9f: {  	s3 =	ssub.s32 $0x0, s20;
	[sflag:s22] =	ssyncset.done $0x0  }
0xa0: {  	[sflag:s22] =	ssyncadd.s32 s3;
	_ =	sdelay $0x1  }
0xa1: {  	s23 =	simm.s32 $0x1B8B  }
0xa2: {  	_ =	swait.ge [sflag:s23], $0x1  }
0xa3: {  	[sflag:s23] =	ssyncset.done $0x0  }
0xa4: {  	s25 =	simm.s32 $0x1B8E;
	s24 =	sld [smem:$0x3FFE];
	[sflag:s23] =	ssyncadd.s32 $0xFFFFFFFF  }
0xa5: {  	s26 =	simm.s32 $execute0_lowered;
	[smem:$0x3FD2] =	sst s25  }
0xa6: {  	s4 =	sshll.u32 s26, $0x1;
	_ =	strace $0x80000046;
	[dreg:$0x1] =	wrdreg $0xFFFFFFFF  }
0xa7: {  	s28 =	simm.s32 $_size_execute0_lowered;
	s2 =	sadd.s32 s2, s4;
	[dreg:$0x0] =	wrdreg $0x0  }
0xa8: {  	s4 =	sshll.u32 s28, $0x1;
	[dreg:$0x2] =	wrdreg s2  }
0xa9: {  	[dreg:$0x3] =	wrdreg s4  }
0xaa: {  	[dreg:$0x4] =	wrdreg $0xC0  }
0xab: {  	_ =	task [dreg:s6], $0x5FFFF  }
0xac: {  	[dreg:$0x1] =	wrdreg $0xFFFFFFFF  }
0xad: {  	[dreg:$0x0] =	wrdreg $0x60  }
0xae: {  	[dreg:$0x2] =	wrdreg s24  }
0xaf: {  	[dreg:$0x3] =	wrdreg $0xA2000  }
0xb0: {  	[dreg:$0x4] =	wrdreg $0x9  }
0xb1: {  	_ =	task.clear_ibuf [dreg:s6], $0x5FFFF;
	_ =	strace $0x90000046  }
0xb2: {  	s29 =	simm.s32 $0x9;
	_ =	strace $0x80000048  }
0xb3: {  	_ =	swait.ge [sflag:s29], $0x1  }
0xb4: {  	[sflag:s29] =	ssyncadd.s32 $0xFFFFFFFF  }
0xb5: {  	_ =	strace $0x90000048  }
0xb6: {  	_ =	sfence  }
0xb7: {  	s30 =	sld [smem:$0x0];
	_ =	sdelay $0x2  }
0xb8: {  	s31 =	sshll.u32 s1, $0xD;
	s1 =	sshrl.u32 s1, $0x2  }
0xb9: {  	s3 =	sand.u32 $0x4000, s31;
	s1 =	sadd.s32 s1, s30  }
0xba: {  	s0 =	sor.u32 s3, s0;
	s1 =	sshll.u32 s1, $0x11  }
0xbb: {  	s0 =	sor.u32 s1, s0  }
0xbc: {  	s0 =	sadd.s32 $0x8F2B, s0  }
0xbd: {  	[sflag:s0] =	ssyncadd.remote.s32 $0x1  }
0xbe: {  	_ =	sfence.sel $0xFFFF  }
0xbf: {  	[dreg:$0x0] =	wrdreg $0xFFFFFFFF;
	(pc) =	sbr.abs _section_cstart, $3  }
0xc0: {  	[dreg:$0x1] =	wrdreg $0xFFFFFFFF  }
0xc1: {  	_ =	task.clear_ibuf [dreg:s6], $0x2FFFF;
	_ =	strace $0x9FFFFFFF  }
0xc2: {  	(tm) =	ssettm $0x7FFFFFFF  }
0xc3: {  	_ =	shalt  }
tec
execute0_lowered:
.L_overlay_start_1:
0x0: {  	(tag) =	ssettag $0x1  }
0x1: {  	s0 =	rddreg [dreg:$0x0]  }
0x2: {  	s1 =	rddreg [dreg:$0x1]  }
0x3: {  	s2 =	simm.s32 $0x0;
	s4 =	srdreg.scid;
	s15 =	stileid.u32  }
0x4: {  	s28 =	simm.s32 $0x80;
	s29 =	simm.s32 $0x180;
	s30 =	simm.s32 $0x2A00  }
0x5: {  	s31 =	simm.s32 $0x1;
	[smem:$0x7FF] =	sst s2;
	s3 =	sadd.s32 $0x2A200, s0  }
0x6: {  	s14 =	sadd.s32 $0x51400, s0;
	s6 =	sadd.s32 $0x16800, s0;
	s5 =	smul.u32 $0x4E000, s15  }
0x7: {  	s7 =	sadd.s32 $0x2E00, s0;
	s4 =	sand.u32 $0x1, s4;
	s12 =	smul.u32 $0x2700, s15  }
0x8: {  	s8 =	sadd.s32 $0xA15400, s0;
	s0 =	sadd.s32 $0x78600, s0;
	s24 =	smul.u32 $0x13800, s15  }
0x9: {  	p1 =	seq.s32 s15, $0xF;
	p2 =	sne.s32 s15, $0xF;
	_ =	strace $0x80000047  }
0xa: {  	s9 =	sshll.u32 s4, $0x4;
	s10 =	ssub.s32 $0x2, s4;
	[dreg:$0x3] =	wrdreg s14  }
0xb: {  	s22 =	smul.u32 $0x138800, s4;
	p0 =	sne.s32 s4, $0x0;
	s4 =	simm.s32 $0x4  }
0xc: {  	s9 =	sor.u32 s15, s9;
	s11 =	sshrl.u32 s10, $0x1;
	s5 =	sshrl.u32 s5, $0x2  }
0xd: {  	s18 =	sadd.s32 s14, s12;
	s12 =	sadd.s32 s3, s12;
	s13 =	smul.u32 $0x4E20, s9  }
0xe: {  	s10 =	ssub.s32 s10, s11;
	s5 =	sadd.s32 s5, s1;
	[dreg:$0x5] =	wrdreg s18  }
0xf: {  	s11 =	sadd.s32 $0x138000, s1;
	[dreg:$0x6] =	wrdreg s12;
	s9 =	smul.u32 $0x4E200, s9  }
0x10: {  	s25 =	sadd.s32 s24, s22;
	s26 =	sshrl.u32 s22, $0x3;
	s24 =	simm.s32 $0x5  }
0x11: {  	[dreg:$0x4] =	wrdreg s5;
	s19 =	sshrl.u32 s13, $0x3;
	s9 =	sadd.s32 s8, s9  }
0x12: {  	s12 =	simm.s32 $0x2;
	s20 =	sadd.s32 s6, s19;
	[dreg:$0x9] =	wrdreg s9  }
0x13: {  	s21 =	sadd.s32 $0x50, s13;
	s5 =	sadd.s32 s7, s19;
	[dreg:$0x7] =	wrdreg s20  }
0x14: {  	s23 =	sshrl.u32 s21, $0x3;
	s19 =	sadd.s32 $0xA0, s13;
	[dreg:$0x8] =	wrdreg s5  }
0x15: {  	s16 =	sadd.s32 s6, s23;
	s9 =	sadd.s32 s7, s23;
	s5 =	sshll.u32 s21, $0x4  }
0x16: {  	s20 =	sadd.s32 $0xF0, s13;
	s23 =	smax.u32 s10, $0x1;
	[dreg:$0xa] =	wrdreg s16  }
.Ltmp0:
0x17: {  	s10 =	simm.s32 $0x3;
	[dreg:$0xb] =	wrdreg s9;
	(pc) =	sbr.rel .LBB2_1-.Ltmp0, $4  }
0x18: {  	s5 =	sadd.s32 s8, s5;
	s9 =	sadd.s32 s0, s26;
	s26 =	simm.s32 $0x5200  }
0x19: {  	[dreg:$0xc] =	wrdreg s5;
	s5 =	sshrl.u32 s25, $0x3;
	s22 =	sadd.s32 $0x27000, s9  }
0x1a: {  	s25 =	simm.s32 $0x100;
	s9 =	simm.s32 $0x0;
	s0 =	sadd.s32 s0, s5  }
0x1b: {  	s5 =	simm.s32 $0x7A00;
	[dreg:$0xd] =	wrdreg s0;
	s0 =	simm.s32 $0x50  }
.LBB2_12:
0x1c: {  	[bflag:$0x0] =	sbarrier.arrive $0xFFFF  }
0x1d: {  	s13 =	sor.u32 $0x1C05, s13;
	s15 =	rddreg [dreg:$0xd]  }
0x1e: {  	[hbm:s15], [sflag:s13] =	dma.local [spmem:s14], $0x2700  }
0x1f: {  	_ =	swait.ge [sflag:s24], $0x2700  }
0x20: {  	s9 =	sadd.s32 $0x1, s9;
	[sflag:s24] =	ssyncset.done $0x0  }
0x21: {  	p3 =	sne.s32 s9, s23;
	s14 =	sshrl.u32 @!p2 s11, $0x3;
	[sflag:s24] =	ssyncadd.s32 $0xFFFFD900  }
0x22: {  	[hbm:s22], [sflag:s13] =	dma.local @!p2 [spmem:s14], $0x100  }
.Ltmp1:
0x23: {  	_ = 	snop;
	(pc) =	sbr.rel @!p3 .LBB2_13-.Ltmp1, $4  }
0x24: {  	s13 =	simm.s32 @!p2 $0x5  }
0x25: {  	_ =	swait.ge @!p2 [sflag:s13], $0x100  }
0x26: {  	[sflag:s13] =	ssyncset.done @!p2 $0x0  }
0x27: {  	[sflag:s13] =	ssyncadd.s32 @!p2 $0xFFFFFF00  }
.LBB2_1:
.Ltmp2:
0x28: {  	(pc) =	sbr.rel @p0 .LBB2_3-.Ltmp2, $4  }
0x29: {  	_ = 	snop  }
0x2a: {  	s13 =	stileid.u32  }
0x2b: {  	s14 =	rddreg [dreg:$0x4];
	s13 =	sshll.u32 s13, $0x6  }
0x2c: {  	s14 =	sshrl.u32 s14, $0x3;
	s15 =	sor.u32 $0x1C05, s13  }
0x2d: {  	s15 =	sor.u32 $0x1C05, s13;
	s16 =	rddreg [dreg:$0x6]  }
0x2e: {  	[spmem:s14], [sflag:s15] =	dma.local [hbm:s16], $0x2700  }
.Ltmp3:
0x2f: {  	_ = 	snop;
	(pc) =	sbr.rel @p1 .LBB2_4-.Ltmp3, $4  }
.Ltmp4:
0x30: {  	_ = 	snop;
	(pc) =	sbr.rel @!p1 .LBB2_5-.Ltmp4, $4  }
0x31: {  	_ =	swait.ge [sflag:s24], $0x2700  }
0x32: {  	[sflag:s24] =	ssyncset.done $0x0  }
0x33: {  	s16 =	smov.u32 s3;
	[sflag:s24] =	ssyncadd.s32 $0xFFFFD900  }
0x34: {  	_ = 	snop  }
.LBB2_3:
.Ltmp5:
0x35: {  	s16 =	rddreg [dreg:$0x5];
	(pc) =	sbr.rel @p2 .LBB2_5-.Ltmp5, $4  }
0x36: {  	[spmem:s14], [sflag:s15] =	dma.local [hbm:s16], $0x2700  }
0x37: {  	_ =	swait.ge [sflag:s24], $0x2700  }
0x38: {  	[sflag:s24] =	ssyncset.done $0x0  }
0x39: {  	s16 =	rddreg [dreg:$0x3];
	[sflag:s24] =	ssyncadd.s32 $0xFFFFD900  }
.LBB2_4:
0x3a: {  	s16 =	sadd.s32 $0x27000, s16;
	s17 =	sshrl.u32 s11, $0x3  }
0x3b: {  	[spmem:s17], [sflag:s15] =	dma.local [hbm:s16], $0x100  }
0x3c: {  	_ =	swait.ge [sflag:s24], $0x100  }
0x3d: {  	[sflag:s24] =	ssyncset.done $0x0  }
0x3e: {  	[sflag:s24] =	ssyncadd.s32 $0xFFFFFF00  }
.LBB2_5:
0x3f: {  	[bflag:$0x0] =	sbarrier.arrive $0xFFFF  }
0x40: {  	s15 =	simm.s32 $0x0;
	s16 =	rddreg [dreg:$0x7]  }
0x41: {  	[tilespmem:s15], [sflag:$0x1] =	stream.linear.gather [hbm4b:s16+s15], $0x50, $0x38;
	[tilespmem:$0x1DA80] =	vst v63  }
0x42: {  	s18 =	rddreg [dreg:$0x8]  }
0x43: {  	[tilespmem:s25], [sflag:$0x1] =	stream.linear.gather [hbm4b:s18+s15], $0x50, $0x38;
	[tilespmem:$0x1DA80] =	vst v63  }
0x44: {  	s17 =	simm.s32 $0x200;
	s21 =	rddreg [dreg:$0x9]  }
0x45: {  	[tilespmem:s17], [sflag:$0x1] =	stream.linear.gather [hbm4b:s21+s15], $0x2800, $0x38;
	[tilespmem:$0x1DA80] =	vst v63  }
0x46: {  	s17 =	rddreg [dreg:$0xa]  }
0x47: {  	[tilespmem:s28], [sflag:$0x2] =	stream.linear.gather [hbm4b:s17+s15], $0x50, $0x38;
	[tilespmem:$0x1DA80] =	vst v63  }
0x48: {  	s18 =	rddreg [dreg:$0xb]  }
0x49: {  	[tilespmem:s29], [sflag:$0x2] =	stream.linear.gather [hbm4b:s18+s15], $0x50, $0x38;
	[tilespmem:$0x1DA80] =	vst v63  }
0x4a: {  	s21 =	rddreg [dreg:$0xc]  }
0x4b: {  	[tilespmem:s30], [sflag:$0x2] =	stream.linear.gather [hbm4b:s21+s15], $0x2800, $0x38;
	[tilespmem:$0x1DA80] =	vst v63  }
0x4c: {  	_ =	swait.ge [sflag:s31], $0x50  }
0x4d: {  	[sflag:s31] =	ssyncset.done $0x0  }
0x4e: {  	[sflag:s31] =	ssyncadd.s32 $0xFFFFFFB0  }
0x4f: {  	_ =	swait.ge [sflag:s31], $0x50  }
0x50: {  	[sflag:s31] =	ssyncset.done $0x0  }
0x51: {  	[sflag:s31] =	ssyncadd.s32 $0xFFFFFFB0  }
0x52: {  	_ =	swait.ge [sflag:s31], $0x2800  }
0x53: {  	[sflag:s31] =	ssyncset.done $0x0  }
0x54: {  	[sflag:s31] =	ssyncadd.s32 $0xFFFFD800  }
0x55: {  	[tilespmem:s26], [sflag:$0x3] =	stream.indirect.gather [hbm4b:s3+s0], $0x80, s15, s0, $0xb8;
	[tilespmem:$0x1DA80] =	vst v63  }
.LBB2_6:
0x56: {  	_ =	swait.ge [sflag:s10], $0x2800  }
0x57: {  	[sflag:s10] =	ssyncset.done $0x0  }
0x58: {  	s17 =	simm.s32 $0x400;
	[sflag:s10] =	ssyncadd.s32 $0xFFFFD800  }
0x59: {  	s16 =	simm.s32 $0x5400;
	v0 =	vld [tilespmem:s17+$0x180]  }
0x5a: {  	v1 =	vld [tilespmem:s16+$0x180]  }
0x5b: {  	v2 =	vld [tilespmem:s17+$0xFFFFFE80]  }
0x5c: {  	v4 =	vld [tilespmem:s16+$0xFFFFFE80]  }
0x5d: {  	v5 =	vld [tilespmem:s17+$0xFFFFFF00]  }
0x5e: {  	v6 =	vld [tilespmem:s16+$0xFFFFFF00]  }
0x5f: {  	v7 =	vld [tilespmem:s17+$0xFFFFFF80]  }
0x60: {  	v8 =	vld [tilespmem:s16+$0xFFFFFF80]  }
0x61: {  	v9 =	vld [tilespmem:s16+$0x0]  }
0x62: {  	v10 =	vld [tilespmem:s17+$0x80];
	v0 =	vadd.f32 v1, v0  }
0x63: {  	v12 =	vld [tilespmem:s16+$0xFFFFFF10]  }
0x64: {  	v13 =	vld [tilespmem:s16+$0x90];
	v0 =	vmax.f32 v0, $0.0e+00  }
0x65: {  	[tilespmem:s16+$0x180] =	vst v0;
	v0 =	vld [tilespmem:s16+$0x190]  }
0x66: {  	v3 =	vld [tilespmem:s17+$0x190]  }
0x67: {  	v57 =	vld [tilespmem:s16+$0xFFFFFFA0]  }
0x68: {  	v58 =	vld [tilespmem:s16+$0xFFFFFFB0]  }
0x69: {  	v59 =	vld [tilespmem:s16+$0x30]  }
0x6a: {  	v1 =	vld [tilespmem:s16+$0xFFFFFE00]  }
0x6b: {  	v2 =	vadd.f32 v4, v2;
	v4 =	vld [tilespmem:s16+$0x80];
	v0 =	vadd.f32 v0, v3  }
0x6c: {  	v5 =	vadd.f32 v6, v5;
	v6 =	vld [tilespmem:s17+$0x100]  }
0x6d: {  	v7 =	vadd.f32 v8, v7;
	v8 =	vld [tilespmem:s17+$0xFFFFFE00];
	v0 =	vmax.f32 v0, $0.0e+00  }
0x6e: {  	[tilespmem:s16+$0x190] =	vst v0;
	v0 =	vld [tilespmem:s16+$0x1A0]  }
0x6f: {  	v2 =	vmax.f32 v2, $0.0e+00;
	v11 =	vld [tilespmem:s17+$0x1A0]  }
0x70: {  	[tilespmem:s16+$0xFFFFFE80] =	vst v2;
	v2 =	vmax.f32 v5, $0.0e+00;
	v5 =	vld [tilespmem:s16+$0x100]  }
0x71: {  	v3 =	vld [tilespmem:s17+$0x0]  }
0x72: {  	v61 =	vld [tilespmem:s16+$0xC0]  }
0x73: {  	v62 =	vld [tilespmem:s16+$0xD0]  }
0x74: {  	[tilespmem:s16+$0xFFFFFF00] =	vst v2;
	v2 =	vmax.f32 v7, $0.0e+00;
	v7 =	vld [tilespmem:s17+$0xFFFFFE90];
	v0 =	vadd.f32 v0, v11  }
0x75: {  	v4 =	vadd.f32 v4, v10;
	v1 =	vadd.f32 v1, v8;
	v10 =	vld [tilespmem:s16+$0xFFFFFE10]  }
0x76: {  	[tilespmem:s16+$0xFFFFFF80] =	vst v2;
	v5 =	vadd.f32 v5, v6;
	v6 =	vld [tilespmem:s16+$0x10];
	v3 =	vadd.f32 v9, v3;
	v0 =	vmax.f32 v0, $0.0e+00  }
0x77: {  	[tilespmem:s16+$0x1A0] =	vst v0;
	v0 =	vmax.f32 v4, $0.0e+00;
	v4 =	vld [tilespmem:s16+$0x1B0]  }
0x78: {  	v2 =	vmax.f32 v3, $0.0e+00;
	[tilespmem:s16+$0x80] =	vst v0;
	v0 =	vmax.f32 v1, $0.0e+00;
	v1 =	vld [tilespmem:s17+$0x1B0]  }
0x79: {  	v3 =	vld [tilespmem:s17+$0xFFFFFF10];
	[tilespmem:s16+$0x0] =	vst v2  }
0x7a: {  	v2 =	vld [tilespmem:s17+$0xFFFFFF90];
	[tilespmem:s16+$0xFFFFFE00] =	vst v0  }
0x7b: {  	v0 =	vld [tilespmem:s17+$0xFFFFFE10]  }
0x7c: {  	v11 =	vld [tilespmem:s16+$0xFFFFFE90]  }
0x7d: {  	v8 =	vld [tilespmem:s17+$0x10];
	v1 =	vadd.f32 v4, v1  }
0x7e: {  	v9 =	vld [tilespmem:s17+$0x90]  }
0x7f: {  	v4 =	vld [tilespmem:s16+$0xFFFFFF90];
	v1 =	vmax.f32 v1, $0.0e+00  }
0x80: {  	v0 =	vadd.f32 v10, v0;
	[tilespmem:s16+$0x1B0] =	vst v1;
	v1 =	vmax.f32 v5, $0.0e+00;
	v5 =	vld [tilespmem:s16+$0x1C0]  }
0x81: {  	[tilespmem:s16+$0x100] =	vst v1;
	v1 =	vadd.f32 v11, v7;
	v7 =	vld [tilespmem:s17+$0x1C0]  }
0x82: {  	v0 =	vmax.f32 v0, $0.0e+00;
	v11 =	vld [tilespmem:s16+$0x110]  }
0x83: {  	v3 =	vadd.f32 v12, v3;
	v10 =	vld [tilespmem:s17+$0x110];
	[tilespmem:s16+$0xFFFFFE10] =	vst v0;
	v0 =	vmax.f32 v1, $0.0e+00  }
0x84: {  	v1 =	vadd.f32 v4, v2;
	v2 =	vld [tilespmem:s17+$0xFFFFFE20];
	[tilespmem:s16+$0xFFFFFE90] =	vst v0  }
0x85: {  	v0 =	vmax.f32 v3, $0.0e+00;
	v4 =	vld [tilespmem:s17+$0xFFFFFEA0]  }
0x86: {  	v3 =	vadd.f32 v6, v8;
	[tilespmem:s16+$0xFFFFFF10] =	vst v0;
	v0 =	vmax.f32 v1, $0.0e+00;
	v1 =	vadd.f32 v13, v9;
	v9 =	vld [tilespmem:s16+$0xFFFFFE20]  }
0x87: {  	v6 =	vld [tilespmem:s17+$0xFFFFFF20];
	[tilespmem:s16+$0xFFFFFF90] =	vst v0  }
0x88: {  	v0 =	vmax.f32 v3, $0.0e+00;
	v3 =	vadd.f32 v5, v7;
	v5 =	vld [tilespmem:s17+$0xFFFFFFA0]  }
0x89: {  	[tilespmem:s16+$0x10] =	vst v0;
	v0 =	vmax.f32 v1, $0.0e+00;
	v1 =	vadd.f32 v11, v10;
	v10 =	vld [tilespmem:s16+$0xFFFFFEA0]  }
0x8a: {  	v11 =	vld [tilespmem:s16+$0xFFFFFF20]  }
0x8b: {  	v7 =	vld [tilespmem:s17+$0x20];
	[tilespmem:s16+$0x90] =	vst v0  }
0x8c: {  	v0 =	vmax.f32 v3, $0.0e+00;
	v3 =	vld [tilespmem:s17+$0xA0]  }
0x8d: {  	[tilespmem:s16+$0x1C0] =	vst v0;
	v0 =	vmax.f32 v1, $0.0e+00;
	v1 =	vld [tilespmem:s16+$0x1D0]  }
0x8e: {  	[tilespmem:s16+$0x110] =	vst v0;
	v0 =	vld [tilespmem:s17+$0x1D0];
	v2 =	vadd.f32 v9, v2  }
0x8f: {  	v9 =	vld [tilespmem:s16+$0xA0]  }
0x90: {  	v8 =	vld [tilespmem:s17+$0x120];
	v2 =	vmax.f32 v2, $0.0e+00  }
0x91: {  	v4 =	vadd.f32 v10, v4;
	v10 =	vld [tilespmem:s16+$0x120];
	[tilespmem:s16+$0xFFFFFE20] =	vst v2  }
0x92: {  	v6 =	vadd.f32 v11, v6;
	v11 =	vld [tilespmem:s17+$0xFFFFFE30]  }
0x93: {  	v2 =	vmax.f32 v4, $0.0e+00;
	v0 =	vadd.f32 v1, v0;
	v1 =	vld [tilespmem:s16+$0x20]  }
0x94: {  	v4 =	vadd.f32 v57, v5;
	[tilespmem:s16+$0xFFFFFEA0] =	vst v2;
	v2 =	vmax.f32 v6, $0.0e+00;
	v3 =	vadd.f32 v9, v3;
	v9 =	vld [tilespmem:s16+$0xFFFFFEB0]  }
0x95: {  	v6 =	vld [tilespmem:s17+$0xFFFFFEB0];
	[tilespmem:s16+$0xFFFFFF20] =	vst v2  }
0x96: {  	v2 =	vmax.f32 v4, $0.0e+00;
	v4 =	vld [tilespmem:s17+$0xFFFFFF30]  }
0x97: {  	[tilespmem:s16+$0xFFFFFFA0] =	vst v2;
	v2 =	vadd.f32 v10, v8;
	v8 =	vld [tilespmem:s16+$0xFFFFFE30]  }
0x98: {  	v0 =	vmax.f32 v0, $0.0e+00;
	v10 =	vld [tilespmem:s16+$0xFFFFFF30]  }
0x99: {  	[tilespmem:s16+$0x1D0] =	vst v0;
	v0 =	vld [tilespmem:s16+$0x1E0]  }
0x9a: {  	v5 =	vld [tilespmem:s17+$0x1E0]  }
0x9b: {  	v1 =	vadd.f32 v1, v7;
	v7 =	vld [tilespmem:s17+$0xFFFFFFB0]  }
0x9c: {  	v6 =	vadd.f32 v9, v6;
	v9 =	vld [tilespmem:s16+$0x130]  }
0x9d: {  	v1 =	vmax.f32 v1, $0.0e+00;
	v8 =	vadd.f32 v8, v11;
	v11 =	vld [tilespmem:s16+$0xB0]  }
0x9e: {  	v4 =	vadd.f32 v10, v4;
	v10 =	vld [tilespmem:s16+$0xFFFFFE40];
	[tilespmem:s16+$0x20] =	vst v1;
	v1 =	vmax.f32 v3, $0.0e+00  }
0x9f: {  	v6 =	vmax.f32 v6, $0.0e+00;
	v3 =	vld [tilespmem:s17+$0x30];
	[tilespmem:s16+$0xA0] =	vst v1  }
0xa0: {  	v1 =	vmax.f32 v2, $0.0e+00;
	v8 =	vmax.f32 v8, $0.0e+00;
	[tilespmem:s16+$0xFFFFFEB0] =	vst v6;
	v2 =	vld [tilespmem:s17+$0xB0]  }
0xa1: {  	[tilespmem:s16+$0xFFFFFE30] =	vst v8;
	v8 =	vld [tilespmem:s16+$0xFFFFFEC0]  }
0xa2: {  	[tilespmem:s16+$0x120] =	vst v1;
	v7 =	vadd.f32 v58, v7;
	v6 =	vld [tilespmem:s17+$0xFFFFFEC0]  }
0xa3: {  	v4 =	vmax.f32 v4, $0.0e+00;
	v1 =	vld [tilespmem:s17+$0x130]  }
0xa4: {  	[tilespmem:s16+$0xFFFFFF30] =	vst v4;
	v60 =	vld [tilespmem:s17+$0xFFFFFE40];
	v4 =	vmax.f32 v7, $0.0e+00  }
0xa5: {  	v7 =	vld [tilespmem:s17+$0xFFFFFF40];
	[tilespmem:s16+$0xFFFFFFB0] =	vst v4  }
0xa6: {  	v3 =	vadd.f32 v59, v3;
	v4 =	vld [tilespmem:s17+$0xFFFFFFC0]  }
0xa7: {  	v2 =	vadd.f32 v11, v2;
	v11 =	vld [tilespmem:s16+$0xFFFFFFC0]  }
0xa8: {  	v6 =	vadd.f32 v8, v6;
	v8 =	vld [tilespmem:s16+$0x40];
	v3 =	vmax.f32 v3, $0.0e+00;
	v1 =	vadd.f32 v9, v1  }
0xa9: {  	v9 =	vld [tilespmem:s16+$0xFFFFFF40];
	v10 =	vadd.f32 v10, v60;
	[tilespmem:s16+$0x30] =	vst v3;
	v2 =	vmax.f32 v2, $0.0e+00  }
0xaa: {  	v3 =	vld [tilespmem:s17+$0x40];
	[tilespmem:s16+$0xB0] =	vst v2;
	v1 =	vmax.f32 v1, $0.0e+00  }
0xab: {  	v10 =	vmax.f32 v10, $0.0e+00;
	v2 =	vld [tilespmem:s17+$0xC0];
	[tilespmem:s16+$0x130] =	vst v1  }
0xac: {  	[tilespmem:s16+$0xFFFFFE40] =	vst v10;
	v10 =	vld [tilespmem:s16+$0x140]  }
0xad: {  	v6 =	vmax.f32 v6, $0.0e+00;
	v1 =	vld [tilespmem:s17+$0x140]  }
0xae: {  	[tilespmem:s16+$0xFFFFFEC0] =	vst v6;
	v6 =	vld [tilespmem:s17+$0xFFFFFE50];
	v4 =	vadd.f32 v11, v4  }
0xaf: {  	v11 =	vld [tilespmem:s16+$0xFFFFFE50];
	v7 =	vadd.f32 v9, v7  }
0xb0: {  	v9 =	vld [tilespmem:s17+$0xFFFFFED0];
	v4 =	vmax.f32 v4, $0.0e+00  }
0xb1: {  	v7 =	vmax.f32 v7, $0.0e+00;
	v3 =	vadd.f32 v8, v3;
	v8 =	vld [tilespmem:s16+$0xFFFFFED0];
	[tilespmem:s16+$0xFFFFFFC0] =	vst v4  }
0xb2: {  	[tilespmem:s16+$0xFFFFFF40] =	vst v7;
	v2 =	vadd.f32 v61, v2;
	v4 =	vld [tilespmem:s17+$0xFFFFFFD0]  }
0xb3: {  	v7 =	vld [tilespmem:s17+$0xFFFFFF50];
	v3 =	vmax.f32 v3, $0.0e+00  }
0xb4: {  	v1 =	vadd.f32 v10, v1;
	v6 =	vadd.f32 v11, v6;
	v11 =	vld [tilespmem:s16+$0xFFFFFFD0];
	[tilespmem:s16+$0x40] =	vst v3;
	v2 =	vmax.f32 v2, $0.0e+00  }
0xb5: {  	v3 =	vld [tilespmem:s17+$0x50];
	[tilespmem:s16+$0xC0] =	vst v2  }
0xb6: {  	v1 =	vmax.f32 v1, $0.0e+00;
	v2 =	vld [tilespmem:s17+$0xD0]  }
0xb7: {  	[tilespmem:s16+$0x140] =	vst v1;
	v1 =	vld [tilespmem:s16+$0xFFFFFF50]  }
0xb8: {  	v8 =	vadd.f32 v8, v9;
	v9 =	vld [tilespmem:s16+$0x50]  }
0xb9: {  	v6 =	vmax.f32 v6, $0.0e+00;
	v10 =	vld [tilespmem:s17+$0x150]  }
0xba: {  	[tilespmem:s16+$0xFFFFFE50] =	vst v6;
	v6 =	vmax.f32 v8, $0.0e+00;
	v8 =	vld [tilespmem:s16+$0x150]  }
0xbb: {  	v4 =	vadd.f32 v11, v4;
	[tilespmem:s16+$0xFFFFFED0] =	vst v6;
	v6 =	vld [tilespmem:s17+$0xFFFFFE60]  }
0xbc: {  	v63 =	vld [tilespmem:s17+$0xFFFFFEE0];
	v1 =	vadd.f32 v1, v7  }
0xbd: {  	v4 =	vmax.f32 v4, $0.0e+00;
	v7 =	vld [tilespmem:s16+$0xFFFFFE60];
	v3 =	vadd.f32 v9, v3  }
0xbe: {  	v9 =	vld [tilespmem:s16+$0xFFFFFEE0];
	v11 =	vadd.f32 v62, v2;
	[tilespmem:s16+$0xFFFFFFD0] =	vst v4;
	v1 =	vmax.f32 v1, $0.0e+00  }
0xbf: {  	v2 =	vld [tilespmem:s17+$0xFFFFFFE0];
	v3 =	vmax.f32 v3, $0.0e+00;
	[tilespmem:s16+$0xFFFFFF50] =	vst v1  }
0xc0: {  	v4 =	vadd.f32 v8, v10;
	v8 =	vmax.f32 v11, $0.0e+00;
	[tilespmem:s16+$0x50] =	vst v3;
	v1 =	vld [tilespmem:s17+$0xFFFFFF60]  }
0xc1: {  	[tilespmem:s16+$0xD0] =	vst v8;
	v3 =	vld [tilespmem:s17+$0x60]  }
0xc2: {  	v8 =	vmax.f32 v4, $0.0e+00;
	v4 =	vld [tilespmem:s17+$0xE0]  }
0xc3: {  	v5 =	vadd.f32 v0, v5;
	v6 =	vadd.f32 v7, v6;
	v7 =	vld [tilespmem:s16+$0xFFFFFF60]  }
0xc4: {  	v10 =	vadd.f32 v9, v63;
	v9 =	vld [tilespmem:s16+$0xFFFFFFE0]  }
0xc5: {  	v5 =	vmax.f32 v5, $0.0e+00;
	[tilespmem:s16+$0x150] =	vst v8;
	v8 =	vld [tilespmem:s16+$0x60]  }
0xc6: {  	[tilespmem:s16+$0x1E0] =	vst v5;
	v0 =	vld [tilespmem:s17+$0x160];
	v5 =	vmax.f32 v6, $0.0e+00  }
0xc7: {  	v6 =	vld [tilespmem:s16+$0xE0];
	[tilespmem:s16+$0xFFFFFE60] =	vst v5;
	v5 =	vmax.f32 v10, $0.0e+00  }
0xc8: {  	s18 =	simm.s32 $0x0;
	s21 =	simm.s32 $0x800;
	s17 =	simm.s32 $0x5400;
	[tilespmem:s16+$0xFFFFFEE0] =	vst v5;
	v5 =	vld [tilespmem:s16+$0x160]  }
.LBB2_7:
0xc9: {  	v10 =	vld [tilespmem:s21+$0x180];
	v1 =	vadd.f32 v7, v1;
	s16 =	sadd.s32 $0x400, s16  }
0xca: {  	s18 =	sadd.s32 $0x8, s18;
	v7 =	vld [tilespmem:s16+$0x180];
	v2 =	vadd.f32 v9, v2  }
0xcb: {  	p3 =	slt.u32 s18, $0x48;
	v9 =	vld [tilespmem:s16+$0xFFFFFE00];
	v1 =	vmax.f32 v1, $0.0e+00;
	v3 =	vadd.f32 v8, v3  }
0xcc: {  	v8 =	vld [tilespmem:s21+$0xFFFFFE80];
	[tilespmem:s17+$0xFFFFFF60] =	vst v1;
	v1 =	vmax.f32 v2, $0.0e+00;
	v2 =	vadd.f32 v6, v4  }
0xcd: {  	v4 =	vld [tilespmem:s16+$0xFFFFFE80];
	[tilespmem:s17+$0xFFFFFFE0] =	vst v1;
	v1 =	vmax.f32 v3, $0.0e+00;
	v0 =	vadd.f32 v5, v0  }
0xce: {  	v3 =	vld [tilespmem:s21+$0xFFFFFF00];
	[tilespmem:s17+$0x60] =	vst v1;
	v1 =	vmax.f32 v2, $0.0e+00  }
0xcf: {  	v2 =	vld [tilespmem:s16+$0xFFFFFF00];
	v5 =	vadd.f32 v7, v10;
	[tilespmem:s17+$0xE0] =	vst v1;
	v0 =	vmax.f32 v0, $0.0e+00  }
0xd0: {  	v1 =	vld [tilespmem:s21+$0xFFFFFF80];
	[tilespmem:s17+$0x160] =	vst v0;
	s17 =	smov.u32 s16  }
0xd1: {  	v0 =	vld [tilespmem:s16+$0xFFFFFF80];
	v5 =	vmax.f32 v5, $0.0e+00  }
0xd2: {  	v4 =	vadd.f32 v4, v8;
	[tilespmem:s16+$0x180] =	vst v5;
	v5 =	vld [tilespmem:s16+$0x190]  }
0xd3: {  	v6 =	vld [tilespmem:s21+$0x190]  }
0xd4: {  	v4 =	vmax.f32 v4, $0.0e+00;
	v2 =	vadd.f32 v2, v3;
	v3 =	vld [tilespmem:s21+$0x0]  }
0xd5: {  	[tilespmem:s16+$0xFFFFFE80] =	vst v4;
	v4 =	vld [tilespmem:s16+$0x0]  }
0xd6: {  	v2 =	vmax.f32 v2, $0.0e+00;
	v0 =	vadd.f32 v0, v1;
	v1 =	vld [tilespmem:s21+$0x80]  }
0xd7: {  	[tilespmem:s16+$0xFFFFFF00] =	vst v2;
	v2 =	vld [tilespmem:s16+$0x80]  }
0xd8: {  	v0 =	vmax.f32 v0, $0.0e+00;
	v7 =	vld [tilespmem:s21+$0x100];
	v5 =	vadd.f32 v5, v6  }
0xd9: {  	[tilespmem:s16+$0xFFFFFF80] =	vst v0;
	v0 =	vld [tilespmem:s16+$0x100]  }
0xda: {  	v6 =	vld [tilespmem:s21+$0xFFFFFE00];
	v3 =	vadd.f32 v4, v3;
	v4 =	vmax.f32 v5, $0.0e+00  }
0xdb: {  	[tilespmem:s16+$0x190] =	vst v4;
	v4 =	vld [tilespmem:s16+$0x1A0]  }
0xdc: {  	v3 =	vmax.f32 v3, $0.0e+00;
	v1 =	vadd.f32 v2, v1;
	v2 =	vld [tilespmem:s21+$0x1A0]  }
0xdd: {  	v5 =	vld [tilespmem:s21+$0xFFFFFE90];
	[tilespmem:s16+$0x0] =	vst v3  }
0xde: {  	v3 =	vld [tilespmem:s21+$0xFFFFFF10];
	v1 =	vmax.f32 v1, $0.0e+00;
	v0 =	vadd.f32 v0, v7  }
0xdf: {  	v6 =	vadd.f32 v9, v6;
	v7 =	vld [tilespmem:s21+$0xFFFFFF90];
	[tilespmem:s16+$0x80] =	vst v1  }
0xe0: {  	v1 =	vld [tilespmem:s21+$0x10];
	v0 =	vmax.f32 v0, $0.0e+00  }
0xe1: {  	v6 =	vmax.f32 v6, $0.0e+00;
	v8 =	vld [tilespmem:s21+$0x90];
	[tilespmem:s16+$0x100] =	vst v0;
	v0 =	vadd.f32 v4, v2  }
0xe2: {  	[tilespmem:s16+$0xFFFFFE00] =	vst v6;
	v2 =	vld [tilespmem:s21+$0x110]  }
0xe3: {  	v4 =	vld [tilespmem:s21+$0xFFFFFE10];
	v0 =	vmax.f32 v0, $0.0e+00  }
0xe4: {  	[tilespmem:s16+$0x1A0] =	vst v0;
	v0 =	vld [tilespmem:s16+$0x1B0]  }
0xe5: {  	v6 =	vld [tilespmem:s21+$0x1B0]  }
0xe6: {  	v9 =	vld [tilespmem:s16+$0xFFFFFE10]  }
0xe7: {  	v10 =	vld [tilespmem:s16+$0xFFFFFE90]  }
0xe8: {  	v11 =	vld [tilespmem:s16+$0xFFFFFF10]  }
0xe9: {  	v12 =	vld [tilespmem:s16+$0xFFFFFF90]  }
0xea: {  	v13 =	vld [tilespmem:s16+$0x10];
	v0 =	vadd.f32 v0, v6  }
0xeb: {  	v4 =	vadd.f32 v9, v4;
	v6 =	vld [tilespmem:s16+$0x90]  }
0xec: {  	v5 =	vadd.f32 v10, v5;
	v9 =	vld [tilespmem:s16+$0x110];
	v0 =	vmax.f32 v0, $0.0e+00  }
0xed: {  	v4 =	vmax.f32 v4, $0.0e+00;
	v3 =	vadd.f32 v11, v3;
	[tilespmem:s16+$0x1B0] =	vst v0;
	v0 =	vld [tilespmem:s16+$0x1C0]  }
0xee: {  	[tilespmem:s16+$0xFFFFFE10] =	vst v4;
	v4 =	vmax.f32 v5, $0.0e+00;
	v5 =	vadd.f32 v12, v7;
	v7 =	vld [tilespmem:s21+$0x1C0]  }
0xef: {  	v10 =	vld [tilespmem:s21+$0xFFFFFE20];
	[tilespmem:s16+$0xFFFFFE90] =	vst v4;
	v3 =	vmax.f32 v3, $0.0e+00;
	v1 =	vadd.f32 v13, v1  }
0xf0: {  	v4 =	vld [tilespmem:s21+$0xFFFFFEA0];
	[tilespmem:s16+$0xFFFFFF10] =	vst v3;
	v3 =	vmax.f32 v5, $0.0e+00;
	v5 =	vadd.f32 v6, v8  }
0xf1: {  	v6 =	vld [tilespmem:s21+$0xFFFFFF20];
	[tilespmem:s16+$0xFFFFFF90] =	vst v3;
	v1 =	vmax.f32 v1, $0.0e+00;
	v2 =	vadd.f32 v9, v2  }
0xf2: {  	v3 =	vld [tilespmem:s21+$0xFFFFFFA0];
	[tilespmem:s16+$0x10] =	vst v1;
	v1 =	vmax.f32 v5, $0.0e+00  }
0xf3: {  	v5 =	vld [tilespmem:s21+$0x20];
	[tilespmem:s16+$0x90] =	vst v1;
	v1 =	vmax.f32 v2, $0.0e+00;
	v0 =	vadd.f32 v0, v7  }
0xf4: {  	v2 =	vld [tilespmem:s21+$0xA0];
	[tilespmem:s16+$0x110] =	vst v1  }
0xf5: {  	v1 =	vld [tilespmem:s21+$0x120];
	v0 =	vmax.f32 v0, $0.0e+00  }
0xf6: {  	[tilespmem:s16+$0x1C0] =	vst v0;
	v0 =	vld [tilespmem:s16+$0x1D0]  }
0xf7: {  	v7 =	vld [tilespmem:s21+$0x1D0]  }
0xf8: {  	v8 =	vld [tilespmem:s16+$0xFFFFFE20]  }
0xf9: {  	v9 =	vld [tilespmem:s16+$0xFFFFFEA0]  }
0xfa: {  	v11 =	vld [tilespmem:s16+$0xFFFFFF20]  }
0xfb: {  	v12 =	vld [tilespmem:s16+$0xFFFFFFA0]  }
0xfc: {  	v13 =	vld [tilespmem:s16+$0x20];
	v0 =	vadd.f32 v0, v7  }
0xfd: {  	v7 =	vadd.f32 v8, v10;
	v8 =	vld [tilespmem:s16+$0xA0]  }
0xfe: {  	v4 =	vadd.f32 v9, v4;
	v9 =	vld [tilespmem:s16+$0x120];
	v0 =	vmax.f32 v0, $0.0e+00  }
0xff: {  	v7 =	vmax.f32 v7, $0.0e+00;
	v6 =	vadd.f32 v11, v6;
	[tilespmem:s16+$0x1D0] =	vst v0;
	v0 =	vld [tilespmem:s16+$0x1E0]  }
0x100: {  	[tilespmem:s16+$0xFFFFFE20] =	vst v7;
	v4 =	vmax.f32 v4, $0.0e+00;
	v3 =	vadd.f32 v12, v3;
	v7 =	vld [tilespmem:s21+$0x1E0]  }
0x101: {  	v10 =	vld [tilespmem:s21+$0xFFFFFE30];
	[tilespmem:s16+$0xFFFFFEA0] =	vst v4;
	v4 =	vmax.f32 v6, $0.0e+00;
	v5 =	vadd.f32 v13, v5  }
0x102: {  	v6 =	vld [tilespmem:s21+$0xFFFFFEB0];
	[tilespmem:s16+$0xFFFFFF20] =	vst v4;
	v3 =	vmax.f32 v3, $0.0e+00;
	v2 =	vadd.f32 v8, v2  }
0x103: {  	v4 =	vld [tilespmem:s21+$0xFFFFFF30];
	[tilespmem:s16+$0xFFFFFFA0] =	vst v3;
	v3 =	vmax.f32 v5, $0.0e+00;
	v1 =	vadd.f32 v9, v1  }
0x104: {  	v5 =	vld [tilespmem:s21+$0xFFFFFFB0];
	[tilespmem:s16+$0x20] =	vst v3;
	v2 =	vmax.f32 v2, $0.0e+00  }
0x105: {  	v3 =	vld [tilespmem:s21+$0x30];
	[tilespmem:s16+$0xA0] =	vst v2;
	v1 =	vmax.f32 v1, $0.0e+00;
	v0 =	vadd.f32 v0, v7  }
0x106: {  	v2 =	vld [tilespmem:s21+$0xB0];
	[tilespmem:s16+$0x120] =	vst v1  }
0x107: {  	v1 =	vld [tilespmem:s21+$0x130];
	v0 =	vmax.f32 v0, $0.0e+00  }
0x108: {  	v7 =	vld [tilespmem:s16+$0xFFFFFE30];
	[tilespmem:s16+$0x1E0] =	vst v0  }
0x109: {  	v0 =	vld [tilespmem:s16+$0xFFFFFEB0]  }
0x10a: {  	v8 =	vld [tilespmem:s16+$0xFFFFFF30]  }
0x10b: {  	v9 =	vld [tilespmem:s16+$0xFFFFFFB0]  }
0x10c: {  	v11 =	vld [tilespmem:s16+$0x30]  }
0x10d: {  	v7 =	vadd.f32 v7, v10;
	v10 =	vld [tilespmem:s16+$0xB0]  }
0x10e: {  	v0 =	vadd.f32 v0, v6;
	v6 =	vld [tilespmem:s16+$0x130]  }
0x10f: {  	v7 =	vmax.f32 v7, $0.0e+00;
	v12 =	vld [tilespmem:s16+$0xFFFFFE40];
	v4 =	vadd.f32 v8, v4  }
0x110: {  	[tilespmem:s16+$0xFFFFFE30] =	vst v7;
	v0 =	vmax.f32 v0, $0.0e+00;
	v7 =	vld [tilespmem:s16+$0xFFFFFEC0];
	v5 =	vadd.f32 v9, v5  }
0x111: {  	v8 =	vld [tilespmem:s21+$0xFFFFFE40];
	[tilespmem:s16+$0xFFFFFEB0] =	vst v0;
	v0 =	vmax.f32 v4, $0.0e+00;
	v3 =	vadd.f32 v11, v3  }
0x112: {  	v4 =	vld [tilespmem:s21+$0xFFFFFEC0];
	[tilespmem:s16+$0xFFFFFF30] =	vst v0;
	v0 =	vmax.f32 v5, $0.0e+00;
	v2 =	vadd.f32 v10, v2  }
0x113: {  	v5 =	vld [tilespmem:s21+$0xFFFFFF40];
	[tilespmem:s16+$0xFFFFFFB0] =	vst v0;
	v0 =	vmax.f32 v3, $0.0e+00;
	v1 =	vadd.f32 v6, v1  }
0x114: {  	v3 =	vld [tilespmem:s21+$0xFFFFFFC0];
	[tilespmem:s16+$0x30] =	vst v0;
	v0 =	vmax.f32 v2, $0.0e+00  }
0x115: {  	v2 =	vld [tilespmem:s21+$0x40];
	[tilespmem:s16+$0xB0] =	vst v0;
	v0 =	vmax.f32 v1, $0.0e+00  }
0x116: {  	v1 =	vadd.f32 v12, v8;
	v6 =	vld [tilespmem:s21+$0xC0];
	[tilespmem:s16+$0x130] =	vst v0  }
0x117: {  	v0 =	vadd.f32 v7, v4;
	v4 =	vld [tilespmem:s21+$0x140]  }
0x118: {  	v1 =	vmax.f32 v1, $0.0e+00;
	v7 =	vld [tilespmem:s16+$0xFFFFFF40]  }
0x119: {  	[tilespmem:s16+$0xFFFFFE40] =	vst v1;
	v0 =	vmax.f32 v0, $0.0e+00;
	v1 =	vld [tilespmem:s16+$0xFFFFFFC0]  }
0x11a: {  	[tilespmem:s16+$0xFFFFFEC0] =	vst v0;
	v0 =	vld [tilespmem:s16+$0x40]  }
0x11b: {  	v8 =	vld [tilespmem:s16+$0xC0]  }
0x11c: {  	v9 =	vld [tilespmem:s16+$0x140]  }
0x11d: {  	v10 =	vld [tilespmem:s21+$0xFFFFFE50];
	v5 =	vadd.f32 v7, v5  }
0x11e: {  	v7 =	vld [tilespmem:s21+$0xFFFFFED0];
	v1 =	vadd.f32 v1, v3  }
0x11f: {  	v3 =	vld [tilespmem:s16+$0xFFFFFE50];
	v5 =	vmax.f32 v5, $0.0e+00;
	v0 =	vadd.f32 v0, v2  }
0x120: {  	v2 =	vld [tilespmem:s16+$0xFFFFFED0];
	[tilespmem:s16+$0xFFFFFF40] =	vst v5;
	v1 =	vmax.f32 v1, $0.0e+00;
	v5 =	vadd.f32 v8, v6  }
0x121: {  	v6 =	vld [tilespmem:s21+$0xFFFFFF50];
	[tilespmem:s16+$0xFFFFFFC0] =	vst v1;
	v0 =	vmax.f32 v0, $0.0e+00;
	v1 =	vadd.f32 v9, v4  }
0x122: {  	v4 =	vld [tilespmem:s21+$0xFFFFFFD0];
	[tilespmem:s16+$0x40] =	vst v0;
	v0 =	vmax.f32 v5, $0.0e+00  }
0x123: {  	v5 =	vld [tilespmem:s21+$0x50];
	[tilespmem:s16+$0xC0] =	vst v0;
	v0 =	vmax.f32 v1, $0.0e+00  }
0x124: {  	v1 =	vadd.f32 v3, v10;
	v3 =	vld [tilespmem:s21+$0xD0];
	[tilespmem:s16+$0x140] =	vst v0  }
0x125: {  	v0 =	vadd.f32 v2, v7;
	v2 =	vld [tilespmem:s21+$0x150]  }
0x126: {  	v1 =	vmax.f32 v1, $0.0e+00;
	v7 =	vld [tilespmem:s16+$0xFFFFFF50]  }
0x127: {  	[tilespmem:s16+$0xFFFFFE50] =	vst v1;
	v0 =	vmax.f32 v0, $0.0e+00;
	v1 =	vld [tilespmem:s16+$0xFFFFFFD0]  }
0x128: {  	[tilespmem:s16+$0xFFFFFED0] =	vst v0;
	v0 =	vld [tilespmem:s16+$0x50]  }
0x129: {  	v8 =	vld [tilespmem:s16+$0xD0]  }
0x12a: {  	v9 =	vld [tilespmem:s16+$0x150]  }
0x12b: {  	v10 =	vld [tilespmem:s21+$0xFFFFFE60];
	v6 =	vadd.f32 v7, v6  }
0x12c: {  	v7 =	vld [tilespmem:s21+$0xFFFFFEE0];
	v1 =	vadd.f32 v1, v4  }
0x12d: {  	v4 =	vld [tilespmem:s16+$0xFFFFFE60];
	v6 =	vmax.f32 v6, $0.0e+00;
	v0 =	vadd.f32 v0, v5  }
0x12e: {  	v5 =	vld [tilespmem:s16+$0xFFFFFEE0];
	[tilespmem:s16+$0xFFFFFF50] =	vst v6;
	v6 =	vmax.f32 v1, $0.0e+00;
	v3 =	vadd.f32 v8, v3  }
0x12f: {  	v1 =	vld [tilespmem:s21+$0xFFFFFF60];
	[tilespmem:s16+$0xFFFFFFD0] =	vst v6;
	v0 =	vmax.f32 v0, $0.0e+00;
	v6 =	vadd.f32 v9, v2  }
0x130: {  	v2 =	vld [tilespmem:s21+$0xFFFFFFE0];
	[tilespmem:s16+$0x50] =	vst v0;
	v0 =	vmax.f32 v3, $0.0e+00  }
0x131: {  	v3 =	vld [tilespmem:s21+$0x60];
	[tilespmem:s16+$0xD0] =	vst v0;
	v0 =	vmax.f32 v6, $0.0e+00  }
0x132: {  	v6 =	vadd.f32 v4, v10;
	v4 =	vld [tilespmem:s21+$0xE0];
	[tilespmem:s16+$0x150] =	vst v0  }
0x133: {  	v5 =	vadd.f32 v5, v7;
	v0 =	vld [tilespmem:s21+$0x160]  }
.Ltmp6:
0x134: {  	v6 =	vmax.f32 v6, $0.0e+00;
	v7 =	vld [tilespmem:s16+$0xFFFFFF60];
	(pc) =	sbr.rel @p3 .LBB2_7-.Ltmp6, $4  }
0x135: {  	[tilespmem:s16+$0xFFFFFE60] =	vst v6;
	v5 =	vmax.f32 v5, $0.0e+00;
	v9 =	vld [tilespmem:s16+$0xFFFFFFE0]  }
0x136: {  	[tilespmem:s16+$0xFFFFFEE0] =	vst v5;
	v8 =	vld [tilespmem:s16+$0x60]  }
0x137: {  	v6 =	vld [tilespmem:s16+$0xE0]  }
0x138: {  	s21 =	sadd.s32 $0x400, s21;
	v5 =	vld [tilespmem:s16+$0x160]  }
0x139: {  	v1 =	vadd.f32 v7, v1  }
0x13a: {  	v2 =	vadd.f32 v9, v2  }
0x13b: {  	v1 =	vmax.f32 v1, $0.0e+00;
	v3 =	vadd.f32 v8, v3  }
0x13c: {  	[tilespmem:s17+$0xFFFFFF60] =	vst v1;
	v1 =	vmax.f32 v2, $0.0e+00;
	v2 =	vadd.f32 v6, v4  }
0x13d: {  	[tilespmem:s17+$0xFFFFFFE0] =	vst v1;
	v1 =	vmax.f32 v3, $0.0e+00;
	v0 =	vadd.f32 v5, v0  }
0x13e: {  	[tilespmem:s17+$0x60] =	vst v1;
	v1 =	vmax.f32 v2, $0.0e+00  }
0x13f: {  	[tilespmem:s17+$0xE0] =	vst v1;
	v0 =	vmax.f32 v0, $0.0e+00  }
0x140: {  	[tilespmem:s17+$0x160] =	vst v0  }
0x141: {  	[spmem:s1] =	stream.indirect.scatter.add.f32 [tilespmem:s26], [sflag:$0x5], $0x80, s25, s0, $0xb8;
	[tilespmem:$0x1DA80] =	vst v63  }
0x142: {  	_ =	swait.ge [sflag:s24], $0x2800  }
0x143: {  	[sflag:s24] =	ssyncset.done $0x0  }
0x144: {  	[sflag:s24] =	ssyncadd.s32 $0xFFFFD800  }
0x145: {  	_ =	swait.ge [sflag:s12], $0x50  }
0x146: {  	[sflag:s12] =	ssyncset.done $0x0  }
0x147: {  	[sflag:s12] =	ssyncadd.s32 $0xFFFFFFB0  }
0x148: {  	_ =	swait.ge [sflag:s12], $0x50  }
0x149: {  	p3 =	seq.s32 s15, $0x7C;
	[sflag:s12] =	ssyncset.done $0x0  }
0x14a: {  	s16 =	smul.u32 @!p3 $0xA0, s15;
	[sflag:s12] =	ssyncadd.s32 $0xFFFFFFB0  }
0x14b: {  	_ =	swait.ge [sflag:s12], $0x2800  }
0x14c: {  	s16 =	sadd.s32 @!p3 s16, s19;
	[sflag:s12] =	ssyncset.done $0x0  }
0x14d: {  	s17 =	sshrl.u32 @!p3 s16, $0x3;
	[sflag:s12] =	ssyncadd.s32 $0xFFFFD800  }
0x14e: {  	[tilespmem:s5], [sflag:$0x4] =	stream.indirect.gather [hbm4b:s3+s0], $0x80, s28, s0, $0xb8;
	[tilespmem:$0x1DA80] =	vst v63  }
0x14f: {  	s21 =	simm.s32 @!p3 $0x0;
	s18 =	sadd.s32 @!p3 s6, s17  }
0x150: {  	[tilespmem:s21], [sflag:$0x1] =	stream.linear.gather @!p3 [hbm4b:s18+s21], $0x50, $0x38;
	[tilespmem:$0x1DA80] =	vst v63  }
0x151: {  	s16 =	sshll.u32 @!p3 s16, $0x4;
	s17 =	sadd.s32 @!p3 s7, s17;
	s18 =	simm.s32 @!p3 $0x100  }
0x152: {  	[tilespmem:s18], [sflag:$0x1] =	stream.linear.gather @!p3 [hbm4b:s17+s21], $0x50, $0x38;
	[tilespmem:$0x1DA80] =	vst v63  }
0x153: {  	s16 =	sadd.s32 @!p3 s8, s16;
	s17 =	simm.s32 @!p3 $0x200  }
0x154: {  	[tilespmem:s17], [sflag:$0x1] =	stream.linear.gather @!p3 [hbm4b:s16+s21], $0x2800, $0x38;
	[tilespmem:$0x1DA80] =	vst v63  }
0x155: {  	_ =	swait.ge [sflag:s4], $0x2800  }
0x156: {  	[sflag:s4] =	ssyncset.done $0x0  }
0x157: {  	s21 =	simm.s32 $0x2C00;
	[sflag:s4] =	ssyncadd.s32 $0xFFFFD800  }
0x158: {  	s16 =	simm.s32 $0x7C00;
	v0 =	vld [tilespmem:s21+$0x180]  }
0x159: {  	v1 =	vld [tilespmem:s16+$0x180]  }
0x15a: {  	v2 =	vld [tilespmem:s21+$0xFFFFFE80]  }
0x15b: {  	v4 =	vld [tilespmem:s16+$0xFFFFFE80]  }
0x15c: {  	v5 =	vld [tilespmem:s21+$0xFFFFFF00]  }
0x15d: {  	v6 =	vld [tilespmem:s16+$0xFFFFFF00]  }
0x15e: {  	v7 =	vld [tilespmem:s21+$0xFFFFFF80]  }
0x15f: {  	v8 =	vld [tilespmem:s16+$0xFFFFFF80]  }
0x160: {  	v9 =	vld [tilespmem:s16+$0x0]  }
0x161: {  	v10 =	vld [tilespmem:s21+$0x80];
	v0 =	vadd.f32 v1, v0  }
0x162: {  	v12 =	vld [tilespmem:s16+$0xFFFFFF10]  }
0x163: {  	v13 =	vld [tilespmem:s16+$0x90];
	v0 =	vmax.f32 v0, $0.0e+00  }
0x164: {  	[tilespmem:s16+$0x180] =	vst v0;
	v0 =	vld [tilespmem:s16+$0x190]  }
0x165: {  	v3 =	vld [tilespmem:s21+$0x190]  }
0x166: {  	v57 =	vld [tilespmem:s16+$0xFFFFFFA0]  }
0x167: {  	v58 =	vld [tilespmem:s16+$0xFFFFFFB0]  }
0x168: {  	v59 =	vld [tilespmem:s16+$0x30]  }
0x169: {  	v1 =	vld [tilespmem:s16+$0xFFFFFE00]  }
0x16a: {  	v2 =	vadd.f32 v4, v2;
	v4 =	vld [tilespmem:s16+$0x80];
	v0 =	vadd.f32 v0, v3  }
0x16b: {  	v5 =	vadd.f32 v6, v5;
	v6 =	vld [tilespmem:s21+$0x100]  }
0x16c: {  	v7 =	vadd.f32 v8, v7;
	v8 =	vld [tilespmem:s21+$0xFFFFFE00];
	v0 =	vmax.f32 v0, $0.0e+00  }
0x16d: {  	[tilespmem:s16+$0x190] =	vst v0;
	v0 =	vld [tilespmem:s16+$0x1A0]  }
0x16e: {  	v2 =	vmax.f32 v2, $0.0e+00;
	v11 =	vld [tilespmem:s21+$0x1A0]  }
0x16f: {  	[tilespmem:s16+$0xFFFFFE80] =	vst v2;
	v2 =	vmax.f32 v5, $0.0e+00;
	v5 =	vld [tilespmem:s16+$0x100]  }
0x170: {  	v3 =	vld [tilespmem:s21+$0x0]  }
0x171: {  	v61 =	vld [tilespmem:s16+$0xC0]  }
0x172: {  	v62 =	vld [tilespmem:s16+$0xD0]  }
0x173: {  	[tilespmem:s16+$0xFFFFFF00] =	vst v2;
	v2 =	vmax.f32 v7, $0.0e+00;
	v7 =	vld [tilespmem:s21+$0xFFFFFE90];
	v0 =	vadd.f32 v0, v11  }
0x174: {  	v4 =	vadd.f32 v4, v10;
	v1 =	vadd.f32 v1, v8;
	v10 =	vld [tilespmem:s16+$0xFFFFFE10]  }
0x175: {  	[tilespmem:s16+$0xFFFFFF80] =	vst v2;
	v5 =	vadd.f32 v5, v6;
	v6 =	vld [tilespmem:s16+$0x10];
	v3 =	vadd.f32 v9, v3;
	v0 =	vmax.f32 v0, $0.0e+00  }
0x176: {  	[tilespmem:s16+$0x1A0] =	vst v0;
	v0 =	vmax.f32 v4, $0.0e+00;
	v4 =	vld [tilespmem:s16+$0x1B0]  }
0x177: {  	v2 =	vmax.f32 v3, $0.0e+00;
	[tilespmem:s16+$0x80] =	vst v0;
	v0 =	vmax.f32 v1, $0.0e+00;
	v1 =	vld [tilespmem:s21+$0x1B0]  }
0x178: {  	v3 =	vld [tilespmem:s21+$0xFFFFFF10];
	[tilespmem:s16+$0x0] =	vst v2  }
0x179: {  	v2 =	vld [tilespmem:s21+$0xFFFFFF90];
	[tilespmem:s16+$0xFFFFFE00] =	vst v0  }
0x17a: {  	v0 =	vld [tilespmem:s21+$0xFFFFFE10]  }
0x17b: {  	v11 =	vld [tilespmem:s16+$0xFFFFFE90]  }
0x17c: {  	v8 =	vld [tilespmem:s21+$0x10];
	v1 =	vadd.f32 v4, v1  }
0x17d: {  	v9 =	vld [tilespmem:s21+$0x90]  }
0x17e: {  	v4 =	vld [tilespmem:s16+$0xFFFFFF90];
	v1 =	vmax.f32 v1, $0.0e+00  }
0x17f: {  	v0 =	vadd.f32 v10, v0;
	[tilespmem:s16+$0x1B0] =	vst v1;
	v1 =	vmax.f32 v5, $0.0e+00;
	v5 =	vld [tilespmem:s16+$0x1C0]  }
0x180: {  	[tilespmem:s16+$0x100] =	vst v1;
	v1 =	vadd.f32 v11, v7;
	v7 =	vld [tilespmem:s21+$0x1C0]  }
0x181: {  	v0 =	vmax.f32 v0, $0.0e+00;
	v11 =	vld [tilespmem:s16+$0x110]  }
0x182: {  	v3 =	vadd.f32 v12, v3;
	v10 =	vld [tilespmem:s21+$0x110];
	[tilespmem:s16+$0xFFFFFE10] =	vst v0;
	v0 =	vmax.f32 v1, $0.0e+00  }
0x183: {  	v1 =	vadd.f32 v4, v2;
	v2 =	vld [tilespmem:s21+$0xFFFFFE20];
	[tilespmem:s16+$0xFFFFFE90] =	vst v0  }
0x184: {  	v0 =	vmax.f32 v3, $0.0e+00;
	v4 =	vld [tilespmem:s21+$0xFFFFFEA0]  }
0x185: {  	v3 =	vadd.f32 v6, v8;
	[tilespmem:s16+$0xFFFFFF10] =	vst v0;
	v0 =	vmax.f32 v1, $0.0e+00;
	v1 =	vadd.f32 v13, v9;
	v9 =	vld [tilespmem:s16+$0xFFFFFE20]  }
0x186: {  	v6 =	vld [tilespmem:s21+$0xFFFFFF20];
	[tilespmem:s16+$0xFFFFFF90] =	vst v0  }
0x187: {  	v0 =	vmax.f32 v3, $0.0e+00;
	v3 =	vadd.f32 v5, v7;
	v5 =	vld [tilespmem:s21+$0xFFFFFFA0]  }
0x188: {  	[tilespmem:s16+$0x10] =	vst v0;
	v0 =	vmax.f32 v1, $0.0e+00;
	v1 =	vadd.f32 v11, v10;
	v10 =	vld [tilespmem:s16+$0xFFFFFEA0]  }
0x189: {  	v11 =	vld [tilespmem:s16+$0xFFFFFF20]  }
0x18a: {  	v7 =	vld [tilespmem:s21+$0x20];
	[tilespmem:s16+$0x90] =	vst v0  }
0x18b: {  	v0 =	vmax.f32 v3, $0.0e+00;
	v3 =	vld [tilespmem:s21+$0xA0]  }
0x18c: {  	[tilespmem:s16+$0x1C0] =	vst v0;
	v0 =	vmax.f32 v1, $0.0e+00;
	v1 =	vld [tilespmem:s16+$0x1D0]  }
0x18d: {  	[tilespmem:s16+$0x110] =	vst v0;
	v0 =	vld [tilespmem:s21+$0x1D0];
	v2 =	vadd.f32 v9, v2  }
0x18e: {  	v9 =	vld [tilespmem:s16+$0xA0]  }
0x18f: {  	v8 =	vld [tilespmem:s21+$0x120];
	v2 =	vmax.f32 v2, $0.0e+00  }
0x190: {  	v4 =	vadd.f32 v10, v4;
	v10 =	vld [tilespmem:s16+$0x120];
	[tilespmem:s16+$0xFFFFFE20] =	vst v2  }
0x191: {  	v6 =	vadd.f32 v11, v6;
	v11 =	vld [tilespmem:s21+$0xFFFFFE30]  }
0x192: {  	v2 =	vmax.f32 v4, $0.0e+00;
	v0 =	vadd.f32 v1, v0;
	v1 =	vld [tilespmem:s16+$0x20]  }
0x193: {  	v4 =	vadd.f32 v57, v5;
	[tilespmem:s16+$0xFFFFFEA0] =	vst v2;
	v2 =	vmax.f32 v6, $0.0e+00;
	v3 =	vadd.f32 v9, v3;
	v9 =	vld [tilespmem:s16+$0xFFFFFEB0]  }
0x194: {  	v6 =	vld [tilespmem:s21+$0xFFFFFEB0];
	[tilespmem:s16+$0xFFFFFF20] =	vst v2  }
0x195: {  	v2 =	vmax.f32 v4, $0.0e+00;
	v4 =	vld [tilespmem:s21+$0xFFFFFF30]  }
0x196: {  	[tilespmem:s16+$0xFFFFFFA0] =	vst v2;
	v2 =	vadd.f32 v10, v8;
	v8 =	vld [tilespmem:s16+$0xFFFFFE30]  }
0x197: {  	v0 =	vmax.f32 v0, $0.0e+00;
	v10 =	vld [tilespmem:s16+$0xFFFFFF30]  }
0x198: {  	[tilespmem:s16+$0x1D0] =	vst v0;
	v0 =	vld [tilespmem:s16+$0x1E0]  }
0x199: {  	v5 =	vld [tilespmem:s21+$0x1E0]  }
0x19a: {  	v1 =	vadd.f32 v1, v7;
	v7 =	vld [tilespmem:s21+$0xFFFFFFB0]  }
0x19b: {  	v6 =	vadd.f32 v9, v6;
	v9 =	vld [tilespmem:s16+$0x130]  }
0x19c: {  	v1 =	vmax.f32 v1, $0.0e+00;
	v8 =	vadd.f32 v8, v11;
	v11 =	vld [tilespmem:s16+$0xB0]  }
0x19d: {  	v4 =	vadd.f32 v10, v4;
	v10 =	vld [tilespmem:s16+$0xFFFFFE40];
	[tilespmem:s16+$0x20] =	vst v1;
	v1 =	vmax.f32 v3, $0.0e+00  }
0x19e: {  	v6 =	vmax.f32 v6, $0.0e+00;
	v3 =	vld [tilespmem:s21+$0x30];
	[tilespmem:s16+$0xA0] =	vst v1  }
0x19f: {  	v1 =	vmax.f32 v2, $0.0e+00;
	v8 =	vmax.f32 v8, $0.0e+00;
	[tilespmem:s16+$0xFFFFFEB0] =	vst v6;
	v2 =	vld [tilespmem:s21+$0xB0]  }
0x1a0: {  	[tilespmem:s16+$0xFFFFFE30] =	vst v8;
	v8 =	vld [tilespmem:s16+$0xFFFFFEC0]  }
0x1a1: {  	[tilespmem:s16+$0x120] =	vst v1;
	v7 =	vadd.f32 v58, v7;
	v6 =	vld [tilespmem:s21+$0xFFFFFEC0]  }
0x1a2: {  	v4 =	vmax.f32 v4, $0.0e+00;
	v1 =	vld [tilespmem:s21+$0x130]  }
0x1a3: {  	[tilespmem:s16+$0xFFFFFF30] =	vst v4;
	v60 =	vld [tilespmem:s21+$0xFFFFFE40];
	v4 =	vmax.f32 v7, $0.0e+00  }
0x1a4: {  	v7 =	vld [tilespmem:s21+$0xFFFFFF40];
	[tilespmem:s16+$0xFFFFFFB0] =	vst v4  }
0x1a5: {  	v3 =	vadd.f32 v59, v3;
	v4 =	vld [tilespmem:s21+$0xFFFFFFC0]  }
0x1a6: {  	v2 =	vadd.f32 v11, v2;
	v11 =	vld [tilespmem:s16+$0xFFFFFFC0]  }
0x1a7: {  	v6 =	vadd.f32 v8, v6;
	v8 =	vld [tilespmem:s16+$0x40];
	v3 =	vmax.f32 v3, $0.0e+00;
	v1 =	vadd.f32 v9, v1  }
0x1a8: {  	v9 =	vld [tilespmem:s16+$0xFFFFFF40];
	v10 =	vadd.f32 v10, v60;
	[tilespmem:s16+$0x30] =	vst v3;
	v2 =	vmax.f32 v2, $0.0e+00  }
0x1a9: {  	v3 =	vld [tilespmem:s21+$0x40];
	[tilespmem:s16+$0xB0] =	vst v2;
	v1 =	vmax.f32 v1, $0.0e+00  }
0x1aa: {  	v10 =	vmax.f32 v10, $0.0e+00;
	v2 =	vld [tilespmem:s21+$0xC0];
	[tilespmem:s16+$0x130] =	vst v1  }
0x1ab: {  	[tilespmem:s16+$0xFFFFFE40] =	vst v10;
	v10 =	vld [tilespmem:s16+$0x140]  }
0x1ac: {  	v6 =	vmax.f32 v6, $0.0e+00;
	v1 =	vld [tilespmem:s21+$0x140]  }
0x1ad: {  	[tilespmem:s16+$0xFFFFFEC0] =	vst v6;
	v6 =	vld [tilespmem:s21+$0xFFFFFE50];
	v4 =	vadd.f32 v11, v4  }
0x1ae: {  	v11 =	vld [tilespmem:s16+$0xFFFFFE50];
	v7 =	vadd.f32 v9, v7  }
0x1af: {  	v9 =	vld [tilespmem:s21+$0xFFFFFED0];
	v4 =	vmax.f32 v4, $0.0e+00  }
0x1b0: {  	v7 =	vmax.f32 v7, $0.0e+00;
	v3 =	vadd.f32 v8, v3;
	v8 =	vld [tilespmem:s16+$0xFFFFFED0];
	[tilespmem:s16+$0xFFFFFFC0] =	vst v4  }
0x1b1: {  	[tilespmem:s16+$0xFFFFFF40] =	vst v7;
	v2 =	vadd.f32 v61, v2;
	v4 =	vld [tilespmem:s21+$0xFFFFFFD0]  }
0x1b2: {  	v7 =	vld [tilespmem:s21+$0xFFFFFF50];
	v3 =	vmax.f32 v3, $0.0e+00  }
0x1b3: {  	v1 =	vadd.f32 v10, v1;
	v6 =	vadd.f32 v11, v6;
	v11 =	vld [tilespmem:s16+$0xFFFFFFD0];
	[tilespmem:s16+$0x40] =	vst v3;
	v2 =	vmax.f32 v2, $0.0e+00  }
0x1b4: {  	v3 =	vld [tilespmem:s21+$0x50];
	[tilespmem:s16+$0xC0] =	vst v2  }
0x1b5: {  	v1 =	vmax.f32 v1, $0.0e+00;
	v2 =	vld [tilespmem:s21+$0xD0]  }
0x1b6: {  	[tilespmem:s16+$0x140] =	vst v1;
	v1 =	vld [tilespmem:s16+$0xFFFFFF50]  }
0x1b7: {  	v8 =	vadd.f32 v8, v9;
	v9 =	vld [tilespmem:s16+$0x50]  }
0x1b8: {  	v6 =	vmax.f32 v6, $0.0e+00;
	v10 =	vld [tilespmem:s21+$0x150]  }
0x1b9: {  	[tilespmem:s16+$0xFFFFFE50] =	vst v6;
	v6 =	vmax.f32 v8, $0.0e+00;
	v8 =	vld [tilespmem:s16+$0x150]  }
0x1ba: {  	v4 =	vadd.f32 v11, v4;
	[tilespmem:s16+$0xFFFFFED0] =	vst v6;
	v6 =	vld [tilespmem:s21+$0xFFFFFE60]  }
0x1bb: {  	v63 =	vld [tilespmem:s21+$0xFFFFFEE0];
	v1 =	vadd.f32 v1, v7  }
0x1bc: {  	v4 =	vmax.f32 v4, $0.0e+00;
	v7 =	vld [tilespmem:s16+$0xFFFFFE60];
	v3 =	vadd.f32 v9, v3  }
0x1bd: {  	v9 =	vld [tilespmem:s16+$0xFFFFFEE0];
	v11 =	vadd.f32 v62, v2;
	[tilespmem:s16+$0xFFFFFFD0] =	vst v4;
	v1 =	vmax.f32 v1, $0.0e+00  }
0x1be: {  	v2 =	vld [tilespmem:s21+$0xFFFFFFE0];
	v3 =	vmax.f32 v3, $0.0e+00;
	[tilespmem:s16+$0xFFFFFF50] =	vst v1  }
0x1bf: {  	v4 =	vadd.f32 v8, v10;
	v8 =	vmax.f32 v11, $0.0e+00;
	[tilespmem:s16+$0x50] =	vst v3;
	v1 =	vld [tilespmem:s21+$0xFFFFFF60]  }
0x1c0: {  	[tilespmem:s16+$0xD0] =	vst v8;
	v3 =	vld [tilespmem:s21+$0x60]  }
0x1c1: {  	v8 =	vmax.f32 v4, $0.0e+00;
	v4 =	vld [tilespmem:s21+$0xE0]  }
0x1c2: {  	v5 =	vadd.f32 v0, v5;
	v6 =	vadd.f32 v7, v6;
	v7 =	vld [tilespmem:s16+$0xFFFFFF60]  }
0x1c3: {  	v10 =	vadd.f32 v9, v63;
	v9 =	vld [tilespmem:s16+$0xFFFFFFE0]  }
0x1c4: {  	v5 =	vmax.f32 v5, $0.0e+00;
	[tilespmem:s16+$0x150] =	vst v8;
	v8 =	vld [tilespmem:s16+$0x60]  }
0x1c5: {  	[tilespmem:s16+$0x1E0] =	vst v5;
	v0 =	vld [tilespmem:s21+$0x160];
	v5 =	vmax.f32 v6, $0.0e+00  }
0x1c6: {  	v6 =	vld [tilespmem:s16+$0xE0];
	[tilespmem:s16+$0xFFFFFE60] =	vst v5;
	v5 =	vmax.f32 v10, $0.0e+00  }
0x1c7: {  	s18 =	simm.s32 $0x0;
	s17 =	simm.s32 $0x7C00;
	s21 =	simm.s32 $0x3000;
	[tilespmem:s16+$0xFFFFFEE0] =	vst v5;
	v5 =	vld [tilespmem:s16+$0x160]  }
.LBB2_9:
0x1c8: {  	v10 =	vld [tilespmem:s21+$0x180];
	v1 =	vadd.f32 v7, v1;
	s16 =	sadd.s32 $0x400, s16  }
0x1c9: {  	s18 =	sadd.s32 $0x8, s18;
	v7 =	vld [tilespmem:s16+$0x180];
	v2 =	vadd.f32 v9, v2  }
0x1ca: {  	p4 =	slt.u32 s18, $0x48;
	v9 =	vld [tilespmem:s16+$0xFFFFFE00];
	v1 =	vmax.f32 v1, $0.0e+00;
	v3 =	vadd.f32 v8, v3  }
0x1cb: {  	v8 =	vld [tilespmem:s21+$0xFFFFFE80];
	[tilespmem:s17+$0xFFFFFF60] =	vst v1;
	v1 =	vmax.f32 v2, $0.0e+00;
	v2 =	vadd.f32 v6, v4  }
0x1cc: {  	v4 =	vld [tilespmem:s16+$0xFFFFFE80];
	[tilespmem:s17+$0xFFFFFFE0] =	vst v1;
	v1 =	vmax.f32 v3, $0.0e+00;
	v0 =	vadd.f32 v5, v0  }
0x1cd: {  	v3 =	vld [tilespmem:s21+$0xFFFFFF00];
	[tilespmem:s17+$0x60] =	vst v1;
	v1 =	vmax.f32 v2, $0.0e+00  }
0x1ce: {  	v2 =	vld [tilespmem:s16+$0xFFFFFF00];
	v5 =	vadd.f32 v7, v10;
	[tilespmem:s17+$0xE0] =	vst v1;
	v0 =	vmax.f32 v0, $0.0e+00  }
0x1cf: {  	v1 =	vld [tilespmem:s21+$0xFFFFFF80];
	[tilespmem:s17+$0x160] =	vst v0;
	s17 =	smov.u32 s16  }
0x1d0: {  	v0 =	vld [tilespmem:s16+$0xFFFFFF80];
	v5 =	vmax.f32 v5, $0.0e+00  }
0x1d1: {  	v4 =	vadd.f32 v4, v8;
	[tilespmem:s16+$0x180] =	vst v5;
	v5 =	vld [tilespmem:s16+$0x190]  }
0x1d2: {  	v6 =	vld [tilespmem:s21+$0x190]  }
0x1d3: {  	v4 =	vmax.f32 v4, $0.0e+00;
	v2 =	vadd.f32 v2, v3;
	v3 =	vld [tilespmem:s21+$0x0]  }
0x1d4: {  	[tilespmem:s16+$0xFFFFFE80] =	vst v4;
	v4 =	vld [tilespmem:s16+$0x0]  }
0x1d5: {  	v2 =	vmax.f32 v2, $0.0e+00;
	v0 =	vadd.f32 v0, v1;
	v1 =	vld [tilespmem:s21+$0x80]  }
0x1d6: {  	[tilespmem:s16+$0xFFFFFF00] =	vst v2;
	v2 =	vld [tilespmem:s16+$0x80]  }
0x1d7: {  	v0 =	vmax.f32 v0, $0.0e+00;
	v7 =	vld [tilespmem:s21+$0x100];
	v5 =	vadd.f32 v5, v6  }
0x1d8: {  	[tilespmem:s16+$0xFFFFFF80] =	vst v0;
	v0 =	vld [tilespmem:s16+$0x100]  }
0x1d9: {  	v6 =	vld [tilespmem:s21+$0xFFFFFE00];
	v3 =	vadd.f32 v4, v3;
	v4 =	vmax.f32 v5, $0.0e+00  }
0x1da: {  	[tilespmem:s16+$0x190] =	vst v4;
	v4 =	vld [tilespmem:s16+$0x1A0]  }
0x1db: {  	v3 =	vmax.f32 v3, $0.0e+00;
	v1 =	vadd.f32 v2, v1;
	v2 =	vld [tilespmem:s21+$0x1A0]  }
0x1dc: {  	v5 =	vld [tilespmem:s21+$0xFFFFFE90];
	[tilespmem:s16+$0x0] =	vst v3  }
0x1dd: {  	v3 =	vld [tilespmem:s21+$0xFFFFFF10];
	v1 =	vmax.f32 v1, $0.0e+00;
	v0 =	vadd.f32 v0, v7  }
0x1de: {  	v6 =	vadd.f32 v9, v6;
	v7 =	vld [tilespmem:s21+$0xFFFFFF90];
	[tilespmem:s16+$0x80] =	vst v1  }
0x1df: {  	v1 =	vld [tilespmem:s21+$0x10];
	v0 =	vmax.f32 v0, $0.0e+00  }
0x1e0: {  	v6 =	vmax.f32 v6, $0.0e+00;
	v8 =	vld [tilespmem:s21+$0x90];
	[tilespmem:s16+$0x100] =	vst v0;
	v0 =	vadd.f32 v4, v2  }
0x1e1: {  	[tilespmem:s16+$0xFFFFFE00] =	vst v6;
	v2 =	vld [tilespmem:s21+$0x110]  }
0x1e2: {  	v4 =	vld [tilespmem:s21+$0xFFFFFE10];
	v0 =	vmax.f32 v0, $0.0e+00  }
0x1e3: {  	[tilespmem:s16+$0x1A0] =	vst v0;
	v0 =	vld [tilespmem:s16+$0x1B0]  }
0x1e4: {  	v6 =	vld [tilespmem:s21+$0x1B0]  }
0x1e5: {  	v9 =	vld [tilespmem:s16+$0xFFFFFE10]  }
0x1e6: {  	v10 =	vld [tilespmem:s16+$0xFFFFFE90]  }
0x1e7: {  	v11 =	vld [tilespmem:s16+$0xFFFFFF10]  }
0x1e8: {  	v12 =	vld [tilespmem:s16+$0xFFFFFF90]  }
0x1e9: {  	v13 =	vld [tilespmem:s16+$0x10];
	v0 =	vadd.f32 v0, v6  }
0x1ea: {  	v4 =	vadd.f32 v9, v4;
	v6 =	vld [tilespmem:s16+$0x90]  }
0x1eb: {  	v5 =	vadd.f32 v10, v5;
	v9 =	vld [tilespmem:s16+$0x110];
	v0 =	vmax.f32 v0, $0.0e+00  }
0x1ec: {  	v4 =	vmax.f32 v4, $0.0e+00;
	v3 =	vadd.f32 v11, v3;
	[tilespmem:s16+$0x1B0] =	vst v0;
	v0 =	vld [tilespmem:s16+$0x1C0]  }
0x1ed: {  	[tilespmem:s16+$0xFFFFFE10] =	vst v4;
	v4 =	vmax.f32 v5, $0.0e+00;
	v5 =	vadd.f32 v12, v7;
	v7 =	vld [tilespmem:s21+$0x1C0]  }
0x1ee: {  	v10 =	vld [tilespmem:s21+$0xFFFFFE20];
	[tilespmem:s16+$0xFFFFFE90] =	vst v4;
	v3 =	vmax.f32 v3, $0.0e+00;
	v1 =	vadd.f32 v13, v1  }
0x1ef: {  	v4 =	vld [tilespmem:s21+$0xFFFFFEA0];
	[tilespmem:s16+$0xFFFFFF10] =	vst v3;
	v3 =	vmax.f32 v5, $0.0e+00;
	v5 =	vadd.f32 v6, v8  }
0x1f0: {  	v6 =	vld [tilespmem:s21+$0xFFFFFF20];
	[tilespmem:s16+$0xFFFFFF90] =	vst v3;
	v1 =	vmax.f32 v1, $0.0e+00;
	v2 =	vadd.f32 v9, v2  }
0x1f1: {  	v3 =	vld [tilespmem:s21+$0xFFFFFFA0];
	[tilespmem:s16+$0x10] =	vst v1;
	v1 =	vmax.f32 v5, $0.0e+00  }
0x1f2: {  	v5 =	vld [tilespmem:s21+$0x20];
	[tilespmem:s16+$0x90] =	vst v1;
	v1 =	vmax.f32 v2, $0.0e+00;
	v0 =	vadd.f32 v0, v7  }
0x1f3: {  	v2 =	vld [tilespmem:s21+$0xA0];
	[tilespmem:s16+$0x110] =	vst v1  }
0x1f4: {  	v1 =	vld [tilespmem:s21+$0x120];
	v0 =	vmax.f32 v0, $0.0e+00  }
0x1f5: {  	[tilespmem:s16+$0x1C0] =	vst v0;
	v0 =	vld [tilespmem:s16+$0x1D0]  }
0x1f6: {  	v7 =	vld [tilespmem:s21+$0x1D0]  }
0x1f7: {  	v8 =	vld [tilespmem:s16+$0xFFFFFE20]  }
0x1f8: {  	v9 =	vld [tilespmem:s16+$0xFFFFFEA0]  }
0x1f9: {  	v11 =	vld [tilespmem:s16+$0xFFFFFF20]  }
0x1fa: {  	v12 =	vld [tilespmem:s16+$0xFFFFFFA0]  }
0x1fb: {  	v13 =	vld [tilespmem:s16+$0x20];
	v0 =	vadd.f32 v0, v7  }
0x1fc: {  	v7 =	vadd.f32 v8, v10;
	v8 =	vld [tilespmem:s16+$0xA0]  }
0x1fd: {  	v4 =	vadd.f32 v9, v4;
	v9 =	vld [tilespmem:s16+$0x120];
	v0 =	vmax.f32 v0, $0.0e+00  }
0x1fe: {  	v7 =	vmax.f32 v7, $0.0e+00;
	v6 =	vadd.f32 v11, v6;
	[tilespmem:s16+$0x1D0] =	vst v0;
	v0 =	vld [tilespmem:s16+$0x1E0]  }
0x1ff: {  	[tilespmem:s16+$0xFFFFFE20] =	vst v7;
	v4 =	vmax.f32 v4, $0.0e+00;
	v3 =	vadd.f32 v12, v3;
	v7 =	vld [tilespmem:s21+$0x1E0]  }
0x200: {  	v10 =	vld [tilespmem:s21+$0xFFFFFE30];
	[tilespmem:s16+$0xFFFFFEA0] =	vst v4;
	v4 =	vmax.f32 v6, $0.0e+00;
	v5 =	vadd.f32 v13, v5  }
0x201: {  	v6 =	vld [tilespmem:s21+$0xFFFFFEB0];
	[tilespmem:s16+$0xFFFFFF20] =	vst v4;
	v3 =	vmax.f32 v3, $0.0e+00;
	v2 =	vadd.f32 v8, v2  }
0x202: {  	v4 =	vld [tilespmem:s21+$0xFFFFFF30];
	[tilespmem:s16+$0xFFFFFFA0] =	vst v3;
	v3 =	vmax.f32 v5, $0.0e+00;
	v1 =	vadd.f32 v9, v1  }
0x203: {  	v5 =	vld [tilespmem:s21+$0xFFFFFFB0];
	[tilespmem:s16+$0x20] =	vst v3;
	v2 =	vmax.f32 v2, $0.0e+00  }
0x204: {  	v3 =	vld [tilespmem:s21+$0x30];
	[tilespmem:s16+$0xA0] =	vst v2;
	v1 =	vmax.f32 v1, $0.0e+00;
	v0 =	vadd.f32 v0, v7  }
0x205: {  	v2 =	vld [tilespmem:s21+$0xB0];
	[tilespmem:s16+$0x120] =	vst v1  }
0x206: {  	v1 =	vld [tilespmem:s21+$0x130];
	v0 =	vmax.f32 v0, $0.0e+00  }
0x207: {  	v7 =	vld [tilespmem:s16+$0xFFFFFE30];
	[tilespmem:s16+$0x1E0] =	vst v0  }
0x208: {  	v0 =	vld [tilespmem:s16+$0xFFFFFEB0]  }
0x209: {  	v8 =	vld [tilespmem:s16+$0xFFFFFF30]  }
0x20a: {  	v9 =	vld [tilespmem:s16+$0xFFFFFFB0]  }
0x20b: {  	v11 =	vld [tilespmem:s16+$0x30]  }
0x20c: {  	v7 =	vadd.f32 v7, v10;
	v10 =	vld [tilespmem:s16+$0xB0]  }
0x20d: {  	v0 =	vadd.f32 v0, v6;
	v6 =	vld [tilespmem:s16+$0x130]  }
0x20e: {  	v7 =	vmax.f32 v7, $0.0e+00;
	v12 =	vld [tilespmem:s16+$0xFFFFFE40];
	v4 =	vadd.f32 v8, v4  }
0x20f: {  	[tilespmem:s16+$0xFFFFFE30] =	vst v7;
	v0 =	vmax.f32 v0, $0.0e+00;
	v7 =	vld [tilespmem:s16+$0xFFFFFEC0];
	v5 =	vadd.f32 v9, v5  }
0x210: {  	v8 =	vld [tilespmem:s21+$0xFFFFFE40];
	[tilespmem:s16+$0xFFFFFEB0] =	vst v0;
	v0 =	vmax.f32 v4, $0.0e+00;
	v3 =	vadd.f32 v11, v3  }
0x211: {  	v4 =	vld [tilespmem:s21+$0xFFFFFEC0];
	[tilespmem:s16+$0xFFFFFF30] =	vst v0;
	v0 =	vmax.f32 v5, $0.0e+00;
	v2 =	vadd.f32 v10, v2  }
0x212: {  	v5 =	vld [tilespmem:s21+$0xFFFFFF40];
	[tilespmem:s16+$0xFFFFFFB0] =	vst v0;
	v0 =	vmax.f32 v3, $0.0e+00;
	v1 =	vadd.f32 v6, v1  }
0x213: {  	v3 =	vld [tilespmem:s21+$0xFFFFFFC0];
	[tilespmem:s16+$0x30] =	vst v0;
	v0 =	vmax.f32 v2, $0.0e+00  }
0x214: {  	v2 =	vld [tilespmem:s21+$0x40];
	[tilespmem:s16+$0xB0] =	vst v0;
	v0 =	vmax.f32 v1, $0.0e+00  }
0x215: {  	v1 =	vadd.f32 v12, v8;
	v6 =	vld [tilespmem:s21+$0xC0];
	[tilespmem:s16+$0x130] =	vst v0  }
0x216: {  	v0 =	vadd.f32 v7, v4;
	v4 =	vld [tilespmem:s21+$0x140]  }
0x217: {  	v1 =	vmax.f32 v1, $0.0e+00;
	v7 =	vld [tilespmem:s16+$0xFFFFFF40]  }
0x218: {  	[tilespmem:s16+$0xFFFFFE40] =	vst v1;
	v0 =	vmax.f32 v0, $0.0e+00;
	v1 =	vld [tilespmem:s16+$0xFFFFFFC0]  }
0x219: {  	[tilespmem:s16+$0xFFFFFEC0] =	vst v0;
	v0 =	vld [tilespmem:s16+$0x40]  }
0x21a: {  	v8 =	vld [tilespmem:s16+$0xC0]  }
0x21b: {  	v9 =	vld [tilespmem:s16+$0x140]  }
0x21c: {  	v10 =	vld [tilespmem:s21+$0xFFFFFE50];
	v5 =	vadd.f32 v7, v5  }
0x21d: {  	v7 =	vld [tilespmem:s21+$0xFFFFFED0];
	v1 =	vadd.f32 v1, v3  }
0x21e: {  	v3 =	vld [tilespmem:s16+$0xFFFFFE50];
	v5 =	vmax.f32 v5, $0.0e+00;
	v0 =	vadd.f32 v0, v2  }
0x21f: {  	v2 =	vld [tilespmem:s16+$0xFFFFFED0];
	[tilespmem:s16+$0xFFFFFF40] =	vst v5;
	v1 =	vmax.f32 v1, $0.0e+00;
	v5 =	vadd.f32 v8, v6  }
0x220: {  	v6 =	vld [tilespmem:s21+$0xFFFFFF50];
	[tilespmem:s16+$0xFFFFFFC0] =	vst v1;
	v0 =	vmax.f32 v0, $0.0e+00;
	v1 =	vadd.f32 v9, v4  }
0x221: {  	v4 =	vld [tilespmem:s21+$0xFFFFFFD0];
	[tilespmem:s16+$0x40] =	vst v0;
	v0 =	vmax.f32 v5, $0.0e+00  }
0x222: {  	v5 =	vld [tilespmem:s21+$0x50];
	[tilespmem:s16+$0xC0] =	vst v0;
	v0 =	vmax.f32 v1, $0.0e+00  }
0x223: {  	v1 =	vadd.f32 v3, v10;
	v3 =	vld [tilespmem:s21+$0xD0];
	[tilespmem:s16+$0x140] =	vst v0  }
0x224: {  	v0 =	vadd.f32 v2, v7;
	v2 =	vld [tilespmem:s21+$0x150]  }
0x225: {  	v1 =	vmax.f32 v1, $0.0e+00;
	v7 =	vld [tilespmem:s16+$0xFFFFFF50]  }
0x226: {  	[tilespmem:s16+$0xFFFFFE50] =	vst v1;
	v0 =	vmax.f32 v0, $0.0e+00;
	v1 =	vld [tilespmem:s16+$0xFFFFFFD0]  }
0x227: {  	[tilespmem:s16+$0xFFFFFED0] =	vst v0;
	v0 =	vld [tilespmem:s16+$0x50]  }
0x228: {  	v8 =	vld [tilespmem:s16+$0xD0]  }
0x229: {  	v9 =	vld [tilespmem:s16+$0x150]  }
0x22a: {  	v10 =	vld [tilespmem:s21+$0xFFFFFE60];
	v6 =	vadd.f32 v7, v6  }
0x22b: {  	v7 =	vld [tilespmem:s21+$0xFFFFFEE0];
	v1 =	vadd.f32 v1, v4  }
0x22c: {  	v4 =	vld [tilespmem:s16+$0xFFFFFE60];
	v6 =	vmax.f32 v6, $0.0e+00;
	v0 =	vadd.f32 v0, v5  }
0x22d: {  	v5 =	vld [tilespmem:s16+$0xFFFFFEE0];
	[tilespmem:s16+$0xFFFFFF50] =	vst v6;
	v6 =	vmax.f32 v1, $0.0e+00;
	v3 =	vadd.f32 v8, v3  }
0x22e: {  	v1 =	vld [tilespmem:s21+$0xFFFFFF60];
	[tilespmem:s16+$0xFFFFFFD0] =	vst v6;
	v0 =	vmax.f32 v0, $0.0e+00;
	v6 =	vadd.f32 v9, v2  }
0x22f: {  	v2 =	vld [tilespmem:s21+$0xFFFFFFE0];
	[tilespmem:s16+$0x50] =	vst v0;
	v0 =	vmax.f32 v3, $0.0e+00  }
0x230: {  	v3 =	vld [tilespmem:s21+$0x60];
	[tilespmem:s16+$0xD0] =	vst v0;
	v0 =	vmax.f32 v6, $0.0e+00  }
0x231: {  	v6 =	vadd.f32 v4, v10;
	v4 =	vld [tilespmem:s21+$0xE0];
	[tilespmem:s16+$0x150] =	vst v0  }
0x232: {  	v5 =	vadd.f32 v5, v7;
	v0 =	vld [tilespmem:s21+$0x160]  }
.Ltmp7:
0x233: {  	v6 =	vmax.f32 v6, $0.0e+00;
	v7 =	vld [tilespmem:s16+$0xFFFFFF60];
	(pc) =	sbr.rel @p4 .LBB2_9-.Ltmp7, $4  }
0x234: {  	[tilespmem:s16+$0xFFFFFE60] =	vst v6;
	v5 =	vmax.f32 v5, $0.0e+00;
	v9 =	vld [tilespmem:s16+$0xFFFFFFE0]  }
0x235: {  	[tilespmem:s16+$0xFFFFFEE0] =	vst v5;
	v8 =	vld [tilespmem:s16+$0x60]  }
0x236: {  	v6 =	vld [tilespmem:s16+$0xE0]  }
0x237: {  	s21 =	sadd.s32 $0x400, s21;
	v5 =	vld [tilespmem:s16+$0x160]  }
0x238: {  	v1 =	vadd.f32 v7, v1  }
0x239: {  	v2 =	vadd.f32 v9, v2  }
0x23a: {  	v1 =	vmax.f32 v1, $0.0e+00;
	v3 =	vadd.f32 v8, v3  }
0x23b: {  	[tilespmem:s17+$0xFFFFFF60] =	vst v1;
	v60 =	vmax.f32 v2, $0.0e+00;
	v61 =	vadd.f32 v6, v4  }
0x23c: {  	[tilespmem:s17+$0xFFFFFFE0] =	vst v60;
	v62 =	vmax.f32 v3, $0.0e+00;
	v0 =	vadd.f32 v5, v0  }
0x23d: {  	[tilespmem:s17+$0x60] =	vst v62;
	v63 =	vmax.f32 v61, $0.0e+00  }
0x23e: {  	[tilespmem:s17+$0xE0] =	vst v63;
	v0 =	vmax.f32 v0, $0.0e+00  }
.Ltmp8:
0x23f: {  	[tilespmem:s17+$0x160] =	vst v0;
	(pc) =	sbr.rel @p3 .LBB2_12-.Ltmp8, $4  }
0x240: {  	[spmem:s1] =	stream.indirect.scatter.add.f32 [tilespmem:s5], [sflag:$0x5], $0x80, s29, s0, $0xb8;
	[tilespmem:$0x1DA80] =	vst v63  }
0x241: {  	_ =	swait.ge [sflag:s24], $0x2800  }
0x242: {  	[sflag:s24] =	ssyncset.done $0x0  }
0x243: {  	[sflag:s24] =	ssyncadd.s32 $0xFFFFD800  }
0x244: {  	_ =	swait.ge [sflag:s31], $0x50  }
0x245: {  	[sflag:s31] =	ssyncset.done $0x0  }
0x246: {  	[sflag:s31] =	ssyncadd.s32 $0xFFFFFFB0  }
0x247: {  	_ =	swait.ge [sflag:s31], $0x50  }
0x248: {  	[sflag:s31] =	ssyncset.done $0x0  }
0x249: {  	s16 =	smul.u32 $0xA0, s15;
	[sflag:s31] =	ssyncadd.s32 $0xFFFFFFB0  }
0x24a: {  	_ =	swait.ge [sflag:s31], $0x2800  }
0x24b: {  	s16 =	sadd.s32 s16, s20;
	[sflag:s31] =	ssyncset.done $0x0  }
0x24c: {  	s17 =	sshrl.u32 s16, $0x3;
	[sflag:s31] =	ssyncadd.s32 $0xFFFFD800  }
0x24d: {  	[tilespmem:s26], [sflag:$0x3] =	stream.indirect.gather [hbm4b:s3+s0], $0x80, s2, s0, $0xb8;
	[tilespmem:$0x1DA80] =	vst v63  }
0x24e: {  	s18 =	sadd.s32 s6, s17  }
0x24f: {  	[tilespmem:s28], [sflag:$0x2] =	stream.linear.gather [hbm4b:s18+s2], $0x50, $0x38;
	[tilespmem:$0x1DA80] =	vst v63  }
.Ltmp9:
0x250: {  	_ = 	snop;
	(pc) =	sbr.rel .LBB2_6-.Ltmp9, $4  }
0x251: {  	s16 =	sshll.u32 s16, $0x4;
	s17 =	sadd.s32 s7, s17  }
0x252: {  	[tilespmem:s29], [sflag:$0x2] =	stream.linear.gather [hbm4b:s17+s2], $0x50, $0x38;
	[tilespmem:$0x1DA80] =	vst v63  }
0x253: {  	s15 =	sadd.s32 $0x1, s15;
	s16 =	sadd.s32 s8, s16  }
0x254: {  	[tilespmem:s30], [sflag:$0x2] =	stream.linear.gather [hbm4b:s16+s2], $0x2800, $0x38;
	[tilespmem:$0x1DA80] =	vst v63  }
.LBB2_13:
0x255: {  	_ =	sfence.sel $0x180000  }
0x256: {  	[bflag:$0x0] =	sbarrier.arrive $0xFFFF  }
0x257: {  	_ =	strace $0x90000047  }
0x258: {  	s0 =	stileid.u32;
	[bflag:$0x2] =	sbarrier.arrive $0xFFFF  }
0x259: {  	p0 =	sne.s32 s0, $0x0;
	s0 =	rddreg [dreg:$0x2]  }
0x25a: {  	s0 =	sadd.s32 @!p0 $0x100000, s0  }
0x25b: {  	[sflag:s0] =	ssyncadd.tile.s32 @!p0 $0x1;
	_ =	shalt  }
.Lfunc_end2:
_tile_overlayer_lowered:
.L_overlay_start_2:
0x25c: {  	(tag) =	ssettag $0x2  }
0x25d: {  	s0 =	rddreg [dreg:$0x0];
	s2 =	stileid.u32  }
0x25e: {  	s1 =	rddreg [dreg:$0x1];
	p0 =	sne.s32 s2, $0x0  }
0x25f: {  	s3 =	rddreg [dreg:$0x2];
	[bflag:$0x3] =	sbarrier.arrive $0xFFFF;
	s2 =	simm.s32 @!p0 $0x1C05  }
0x260: {  	[timem:s3], [sflag:s2] =	dma.local @!p0 [hbm:s0], s1  }
0x261: {  	s0 =	simm.s32 @!p0 $0x5  }
0x262: {  	_ =	swait.ge @!p0 [sflag:s0], s1  }
0x263: {  	s1 =	ssub.s32 @!p0 $0x0, s1;
	[sflag:s0] =	ssyncset.done @!p0 $0x0  }
0x264: {  	[sflag:s0] =	ssyncadd.s32 @!p0 s1  }
0x265: {  	[bflag:$0x3] =	sbarrier.arrive $0xFFFF  }
0x266: {  	_ =	shalt  }

</sc_bundles>
